<compile_context>
chip_gen: v7x
topology: tpu7x:2x2x1
jax: 0.10.2.dev20260603
libtpu: 0.0.44.dev20260713+nightly
codegen_flags: <defaults>
</compile_context>

<pallas_src>
import functools

import numpy as np
import jax
import jax.numpy as jnp
from jax.experimental import pallas as pl
from jax.experimental.pallas import tpu as pltpu

_S = 8
_LANES = 128
_ROWS = 256
_T = _ROWS * _LANES

_KS0 = np.uint32(0)
_KS1 = np.uint32(42)
_KS2 = np.uint32(int(_KS0) ^ int(_KS1) ^ 0x1BD11BDA)
_KSCHED = (_KS1, _KS2, _KS0, _KS1, _KS2, _KS0)
_ROT = ((13, 15, 26, 6), (17, 29, 16, 24))
_TINY = np.float32(np.finfo(np.float32).tiny)


def _threefry_bits(x1):
    x0 = jnp.zeros_like(x1)
    x1 = x1 + _KS1
    for i in range(5):
        for r in _ROT[i % 2]:
            x0 = x0 + x1
            x1 = ((x1 << np.uint32(r)) | (x1 >> np.uint32(32 - r))) ^ x0
        x0 = x0 + _KSCHED[i]
        x1 = x1 + np.uint32(int(_KSCHED[i + 1]) + i + 1)
    return x0 ^ x1


def _bits_to_exp(bits):
    fb = (bits >> np.uint32(9)) | np.uint32(0x3F800000)
    f = jax.lax.bitcast_convert_type(fb, jnp.float32) - np.float32(1.0)
    return -jnp.log(f + _TINY)


def _body(nt, n_b, v_size, p_ref, m_ref, act_ref, sd_ref,
          vmin_ref, vidx_ref, ve_ref, rsum_ref):
    b = pl.program_id(0)
    t = pl.program_id(1)

    @pl.when(t == 0)
    def _init():
        vmin_ref[...] = jnp.full((_S, _ROWS, _LANES), jnp.inf, jnp.float32)
        vidx_ref[...] = jnp.zeros((_S, _ROWS, _LANES), jnp.int32)
        ve_ref[...] = jnp.ones((_S, _ROWS, _LANES), jnp.float32)
        rsum_ref[...] = jnp.zeros((_ROWS, _LANES), jnp.float32)

    p = p_ref[0, 0]
    m = m_ref[0, 0]
    vloc = (jax.lax.broadcasted_iota(jnp.int32, (_ROWS, _LANES), 0) * _LANES
            + jax.lax.broadcasted_iota(jnp.int32, (_ROWS, _LANES), 1))
    v = vloc + t * _T
    mf = jnp.where(v == 0, np.float32(1.0), m.astype(jnp.float32))
    pm = (p + np.float32(1e-14)) * mf
    rsum_ref[...] += pm
    rpm = np.float32(1.0) / pm
    base = b * np.int32(v_size)
    for s in range(_S):
        flat = v + (base + np.int32(s) * np.int32(n_b) * np.int32(v_size))
        e = _bits_to_exp(_threefry_bits(flat.astype(jnp.uint32)))
        score = e * rpm
        upd = score < vmin_ref[s]
        vidx_ref[s] = jnp.where(upd, v, vidx_ref[s])
        ve_ref[s] = jnp.where(upd, e, ve_ref[s])
        vmin_ref[s] = jnp.where(upd, score, vmin_ref[s])

    @pl.when(t == nt - 1)
    def _fin():
        ssum = jnp.sum(rsum_ref[...])
        for s in range(_S):
            vm = vmin_ref[s]
            mv = jnp.min(vm)
            sel = vm == mv
            idx = jnp.min(jnp.where(sel, vidx_ref[s], np.int32(2**31 - 1)))
            ev = jnp.min(jnp.where(sel & (vidx_ref[s] == idx),
                                   ve_ref[s], jnp.inf))
            act_ref[b, s] = idx
            sd_ref[b, s] = (ev / mv) / ssum


@functools.partial(jax.jit, static_argnums=())
def _run(probs, mask):
    n_b, v_size = probs.shape
    nt = -(-v_size // _T)
    vpad = nt * _T - v_size
    probs_p = jnp.pad(probs, ((0, 0), (0, vpad))).reshape(n_b, nt, _ROWS, _LANES)
    mask_p = jnp.pad(mask, ((0, 0), (0, vpad))).reshape(n_b, nt, _ROWS, _LANES)

    act, sd = pl.pallas_call(
        functools.partial(_body, nt, n_b, v_size),
        grid=(n_b, nt),
        in_specs=[
            pl.BlockSpec((1, 1, _ROWS, _LANES), lambda b, t: (b, t, 0, 0)),
            pl.BlockSpec((1, 1, _ROWS, _LANES), lambda b, t: (b, t, 0, 0)),
        ],
        out_specs=[
            pl.BlockSpec(memory_space=pltpu.SMEM),
            pl.BlockSpec(memory_space=pltpu.SMEM),
        ],
        out_shape=[
            jax.ShapeDtypeStruct((n_b, _S), jnp.int32),
            jax.ShapeDtypeStruct((n_b, _S), jnp.float32),
        ],
        scratch_shapes=[
            pltpu.VMEM((_S, _ROWS, _LANES), jnp.float32),
            pltpu.VMEM((_S, _ROWS, _LANES), jnp.int32),
            pltpu.VMEM((_S, _ROWS, _LANES), jnp.float32),
            pltpu.VMEM((_ROWS, _LANES), jnp.float32),
        ],
        compiler_params=pltpu.CompilerParams(
            dimension_semantics=("arbitrary", "arbitrary")),
    )(probs_p, mask_p)
    return sd, act


def kernel(probs, mask, amt_samples):
    del amt_samples
    sd, act = _run(probs, mask)
    return (sd, act)

# --- scband reference (transcript-rebuilt; emitter-appended) ---
"""Pipeline reference for scband-nrmbase-52166672777500 (READ-ONLY COPY).

The authoritative reference and input builder live on the scoring server;
editing this copy changes nothing except your own understanding.
"""

import jax, jax.numpy as jnp
import numpy as np


def setup_inputs(seed: int = 0) -> dict:
    key = jax.random.key(seed)
    k1, k2 = jax.random.split(key)
    B, V = 16, 1000000
    # Unnormalized per-token 'distribution' as produced by the abstract distribution(state)
    probs = jax.random.uniform(k1, (B, V), dtype=jnp.float32)
    # Symbolic pruner mask (0/1) as produced by state.symbolic_pruner()
    mask = jax.random.randint(k2, (B, V), 0, 2, dtype=jnp.int32)
    amt_samples = 8
    return {"probs": probs, "mask": mask, "amt_samples": amt_samples}


def reference(probs, mask, amt_samples):
    # _compute_distribution: prune and renormalize
    m = mask.astype(jnp.float32)
    # mirror the assert that no row of the pruner mask is all-zero
    m = m.at[:, 0].set(1.0)
    dist = (probs + 1e-14) * m
    dist = dist / jnp.sum(dist, axis=-1, keepdims=True)
    # regular_sampler: Categorical(distribution).sample((amt_samples,)).T
    skey = jax.random.key(42)
    static_amt_samples = 8
    action = jax.random.categorical(
        skey, jnp.log(dist), axis=-1, shape=(static_amt_samples, dist.shape[0])
    ).T  # (B, amt_samples)
    action = action + (amt_samples - amt_samples)
    # forward: s_dist = distribution.gather(-1, action)
    s_dist = jnp.take_along_axis(dist, action, axis=-1)  # (B, amt_samples)
    # NRMResult(final_state, forward_probabilities, final_action, final_distribution)
    return (s_dist, action)

if __name__ == "__main__":
    import jax
    _d = setup_inputs()
    print(jax.jit(kernel)(*tuple(_d.values())))

</pallas_src>

<mosaic_0001>
module attributes {stable_mosaic.version = 14 : i64} {
  func.func @_body(%arg0: i32, %arg1: i32, %arg2: memref<1x1x256x128xf32, #tpu.memory_space<vmem>>, %arg3: memref<1x1x256x128xi32, #tpu.memory_space<vmem>>, %arg4: memref<16x8xi32, #tpu.memory_space<smem>>, %arg5: memref<16x8xf32, #tpu.memory_space<smem>>, %arg6: memref<8x256x128xf32, #tpu.memory_space<vmem>>, %arg7: memref<8x256x128xi32, #tpu.memory_space<vmem>>, %arg8: memref<8x256x128xf32, #tpu.memory_space<vmem>>, %arg9: memref<256x128xf32, #tpu.memory_space<vmem>>) attributes {dimension_semantics = [#tpu.dimension_semantics<arbitrary>, #tpu.dimension_semantics<arbitrary>], iteration_bounds = array<i64: 16, 31>, scalar_prefetch = 0 : i64, scratch_operands = 4 : i64, tpu.core_type = #tpu.core_type<tc>, window_params = [{transform_indices = @transform_0, window_bounds = array<i64: 1, 1, 256, 128>}, {transform_indices = @transform_1, window_bounds = array<i64: 1, 1, 256, 128>}, {transform_indices = @transform_2, window_bounds = array<i64: 16, 8>}, {transform_indices = @transform_3, window_bounds = array<i64: 16, 8>}]} {
    %eq3A = arith.constant 0 : i32
    %eq3A_0 = arith.cmpi eq, %arg1, %eq3A : i32
    %convert_element_type3A = arith.extui %eq3A_0 : i1 to i32
    %cond3A = arith.constant 0 : i32
    %cond3A_1 = arith.cmpi ne, %convert_element_type3A, %cond3A : i32
    scf.if %cond3A_1 {
      %broadcast_in_dim3A_2274 = arith.constant 0x7F800000 : f32
      %broadcast_in_dim3A_2275 = vector.broadcast %broadcast_in_dim3A_2274 : f32 to vector<8x256x128xf32>
      %swap3A_2276 = arith.constant 0 : index
      %swap3A_2277 = arith.constant 0 : index
      %swap3A_2278 = arith.constant 0 : index
      %swap3A_2279 = vector.load %arg6[%swap3A_2276, %swap3A_2277, %swap3A_2278] : memref<8x256x128xf32, #tpu.memory_space<vmem>>, vector<8x256x128xf32>
      tpu.vector_store %arg6[%swap3A_2276, %swap3A_2277, %swap3A_2278], %broadcast_in_dim3A_2275 {strides = array<i32>} : memref<8x256x128xf32, #tpu.memory_space<vmem>>, vector<8x256x128xf32>,
      %broadcast_in_dim3A_2280 = arith.constant 0 : i32
      %broadcast_in_dim3A_2281 = vector.broadcast %broadcast_in_dim3A_2280 : i32 to vector<8x256x128xi32>
      %swap3A_2282 = arith.constant 0 : index
      %swap3A_2283 = arith.constant 0 : index
      %swap3A_2284 = arith.constant 0 : index
      %swap3A_2285 = vector.load %arg7[%swap3A_2282, %swap3A_2283, %swap3A_2284] : memref<8x256x128xi32, #tpu.memory_space<vmem>>, vector<8x256x128xi32>
      tpu.vector_store %arg7[%swap3A_2282, %swap3A_2283, %swap3A_2284], %broadcast_in_dim3A_2281 {strides = array<i32>} : memref<8x256x128xi32, #tpu.memory_space<vmem>>, vector<8x256x128xi32>,
      %broadcast_in_dim3A_2286 = arith.constant 1.000000e+00 : f32
      %broadcast_in_dim3A_2287 = vector.broadcast %broadcast_in_dim3A_2286 : f32 to vector<8x256x128xf32>
      %swap3A_2288 = arith.constant 0 : index
      %swap3A_2289 = arith.constant 0 : index
      %swap3A_2290 = arith.constant 0 : index
      %swap3A_2291 = vector.load %arg8[%swap3A_2288, %swap3A_2289, %swap3A_2290] : memref<8x256x128xf32, #tpu.memory_space<vmem>>, vector<8x256x128xf32>
      tpu.vector_store %arg8[%swap3A_2288, %swap3A_2289, %swap3A_2290], %broadcast_in_dim3A_2287 {strides = array<i32>} : memref<8x256x128xf32, #tpu.memory_space<vmem>>, vector<8x256x128xf32>,
      %broadcast_in_dim3A_2292 = arith.constant 0.000000e+00 : f32
      %broadcast_in_dim3A_2293 = vector.broadcast %broadcast_in_dim3A_2292 : f32 to vector<256x128xf32>
      %swap3A_2294 = arith.constant 0 : index
      %swap3A_2295 = arith.constant 0 : index
      %swap3A_2296 = vector.load %arg9[%swap3A_2294, %swap3A_2295] : memref<256x128xf32, #tpu.memory_space<vmem>>, vector<256x128xf32>
      tpu.vector_store %arg9[%swap3A_2294, %swap3A_2295], %broadcast_in_dim3A_2293 {strides = array<i32>} : memref<256x128xf32, #tpu.memory_space<vmem>>, vector<256x128xf32>,
    } else {
    }
    %get3A = arith.constant 0 : index
    %get3A_2 = arith.constant 0 : index
    %get3A_3 = arith.constant 0 : index
    %get3A_4 = arith.constant 0 : index
    %get3A_5 = vector.load %arg2[%get3A, %get3A_2, %get3A_3, %get3A_4] : memref<1x1x256x128xf32, #tpu.memory_space<vmem>>, vector<1x1x256x128xf32>
    %get3A_6 = vector.shape_cast %get3A_5 : vector<1x1x256x128xf32> to vector<256x128xf32>
    %get3A_7 = arith.constant 0 : index
    %get3A_8 = arith.constant 0 : index
    %get3A_9 = arith.constant 0 : index
    %get3A_10 = arith.constant 0 : index
    %get3A_11 = vector.load %arg3[%get3A_7, %get3A_8, %get3A_9, %get3A_10] : memref<1x1x256x128xi32, #tpu.memory_space<vmem>>, vector<1x1x256x128xi32>
    %get3A_12 = vector.shape_cast %get3A_11 : vector<1x1x256x128xi32> to vector<256x128xi32>
    %iota3A = tpu.iota {dimensions = array<i32: 0>} : vector<256x128xi32>
    %mul3A = arith.constant 128 : i32
    %mul3A_13 = vector.broadcast %mul3A : i32 to vector<256x128xi32>
    %mul3A_14 = arith.muli %iota3A, %mul3A_13 : vector<256x128xi32>
    %iota3A_15 = tpu.iota {dimensions = array<i32: 1>} : vector<256x128xi32>
    %add3A = arith.addi %mul3A_14, %iota3A_15 : vector<256x128xi32>
    %mul3A_16 = arith.constant 32768 : i32
    %mul3A_17 = arith.muli %arg1, %mul3A_16 : i32
    %add3A_18 = vector.broadcast %mul3A_17 : i32 to vector<256x128xi32>
    %add3A_19 = arith.addi %add3A, %add3A_18 : vector<256x128xi32>
    %eq3A_20 = arith.constant 0 : i32
    %eq3A_21 = vector.broadcast %eq3A_20 : i32 to vector<256x128xi32>
    %eq3A_22 = arith.cmpi eq, %add3A_19, %eq3A_21 : vector<256x128xi32>
    %convert_element_type3A_23 = arith.sitofp %get3A_12 : vector<256x128xi32> to vector<256x128xf32>
    %jit3A = arith.constant 1.000000e+00 : f32
    %broadcast_in_dim3A = vector.broadcast %jit3A : f32 to vector<256x128xf32>
    %select_n3A = arith.select %eq3A_22, %broadcast_in_dim3A, %convert_element_type3A_23 : vector<256x128xi1>, vector<256x128xf32>
    %add3A_24 = arith.constant 9.99999982E-15 : f32
    %add3A_25 = vector.broadcast %add3A_24 : f32 to vector<256x128xf32>
    %add3A_26 = arith.addf %get3A_6, %add3A_25 : vector<256x128xf32>
    %mul3A_27 = arith.mulf %add3A_26, %select_n3A : vector<256x128xf32>
    %get3A_28 = arith.constant 0 : index
    %get3A_29 = arith.constant 0 : index
    %get3A_30 = vector.load %arg9[%get3A_28, %get3A_29] : memref<256x128xf32, #tpu.memory_space<vmem>>, vector<256x128xf32>
    %add3A_31 = arith.addf %get3A_30, %mul3A_27 : vector<256x128xf32>
    %swap3A = arith.constant 0 : index
    %swap3A_32 = arith.constant 0 : index
    %swap3A_33 = vector.load %arg9[%swap3A, %swap3A_32] : memref<256x128xf32, #tpu.memory_space<vmem>>, vector<256x128xf32>
    tpu.vector_store %arg9[%swap3A, %swap3A_32], %add3A_31 {strides = array<i32>} : memref<256x128xf32, #tpu.memory_space<vmem>>, vector<256x128xf32>,
    %div3A = arith.constant 1.000000e+00 : f32
    %div3A_34 = vector.broadcast %div3A : f32 to vector<256x128xf32>
    %div3A_35 = arith.divf %div3A_34, %mul3A_27 : vector<256x128xf32>
    %mul3A_36 = arith.constant 1000000 : i32
    %mul3A_37 = arith.muli %arg0, %mul3A_36 : i32
    %add3A_38 = arith.constant 0 : i32
    %add3A_39 = arith.addi %mul3A_37, %add3A_38 : i32
    %add3A_40 = vector.broadcast %add3A_39 : i32 to vector<256x128xi32>
    %add3A_41 = arith.addi %add3A_19, %add3A_40 : vector<256x128xi32>
    %broadcast_in_dim3A_42 = arith.constant 0 : i32
    %broadcast_in_dim3A_43 = vector.broadcast %broadcast_in_dim3A_42 : i32 to vector<256x128xi32>
    %add3A_44 = arith.constant 42 : i32
    %add3A_45 = vector.broadcast %add3A_44 : i32 to vector<256x128xi32>
    %add3A_46 = arith.addi %add3A_41, %add3A_45 : vector<256x128xi32>
    %add3A_47 = arith.addi %broadcast_in_dim3A_43, %add3A_46 : vector<256x128xi32>
    %shift_left3A = arith.constant 13 : i32
    %shift_left3A_48 = vector.broadcast %shift_left3A : i32 to vector<256x128xi32>
    %shift_left3A_49 = arith.shli %add3A_46, %shift_left3A_48 : vector<256x128xi32>
    %shift_right_logical3A = arith.constant 19 : i32
    %shift_right_logical3A_50 = vector.broadcast %shift_right_logical3A : i32 to vector<256x128xi32>
    %shift_right_logical3A_51 = arith.shrui %add3A_46, %shift_right_logical3A_50 : vector<256x128xi32>
    %or3A = arith.ori %shift_left3A_49, %shift_right_logical3A_51 : vector<256x128xi32>
    %xor3A = arith.xori %or3A, %add3A_47 : vector<256x128xi32>
    %add3A_52 = arith.addi %add3A_47, %xor3A : vector<256x128xi32>
    %shift_left3A_53 = arith.constant 15 : i32
    %shift_left3A_54 = vector.broadcast %shift_left3A_53 : i32 to vector<256x128xi32>
    %shift_left3A_55 = arith.shli %xor3A, %shift_left3A_54 : vector<256x128xi32>
    %shift_right_logical3A_56 = arith.constant 17 : i32
    %shift_right_logical3A_57 = vector.broadcast %shift_right_logical3A_56 : i32 to vector<256x128xi32>
    %shift_right_logical3A_58 = arith.shrui %xor3A, %shift_right_logical3A_57 : vector<256x128xi32>
    %or3A_59 = arith.ori %shift_left3A_55, %shift_right_logical3A_58 : vector<256x128xi32>
    %xor3A_60 = arith.xori %or3A_59, %add3A_52 : vector<256x128xi32>
    %add3A_61 = arith.addi %add3A_52, %xor3A_60 : vector<256x128xi32>
    %shift_left3A_62 = arith.constant 26 : i32
    %shift_left3A_63 = vector.broadcast %shift_left3A_62 : i32 to vector<256x128xi32>
    %shift_left3A_64 = arith.shli %xor3A_60, %shift_left3A_63 : vector<256x128xi32>
    %shift_right_logical3A_65 = arith.constant 6 : i32
    %shift_right_logical3A_66 = vector.broadcast %shift_right_logical3A_65 : i32 to vector<256x128xi32>
    %shift_right_logical3A_67 = arith.shrui %xor3A_60, %shift_right_logical3A_66 : vector<256x128xi32>
    %or3A_68 = arith.ori %shift_left3A_64, %shift_right_logical3A_67 : vector<256x128xi32>
    %xor3A_69 = arith.xori %or3A_68, %add3A_61 : vector<256x128xi32>
    %add3A_70 = arith.addi %add3A_61, %xor3A_69 : vector<256x128xi32>
    %shift_left3A_71 = arith.constant 6 : i32
    %shift_left3A_72 = vector.broadcast %shift_left3A_71 : i32 to vector<256x128xi32>
    %shift_left3A_73 = arith.shli %xor3A_69, %shift_left3A_72 : vector<256x128xi32>
    %shift_right_logical3A_74 = arith.constant 26 : i32
    %shift_right_logical3A_75 = vector.broadcast %shift_right_logical3A_74 : i32 to vector<256x128xi32>
    %shift_right_logical3A_76 = arith.shrui %xor3A_69, %shift_right_logical3A_75 : vector<256x128xi32>
    %or3A_77 = arith.ori %shift_left3A_73, %shift_right_logical3A_76 : vector<256x128xi32>
    %xor3A_78 = arith.xori %or3A_77, %add3A_70 : vector<256x128xi32>
    %add3A_79 = arith.constant 42 : i32
    %add3A_80 = vector.broadcast %add3A_79 : i32 to vector<256x128xi32>
    %add3A_81 = arith.addi %add3A_70, %add3A_80 : vector<256x128xi32>
    %add3A_82 = arith.constant 466689009 : i32
    %add3A_83 = vector.broadcast %add3A_82 : i32 to vector<256x128xi32>
    %add3A_84 = arith.addi %xor3A_78, %add3A_83 : vector<256x128xi32>
    %add3A_85 = arith.addi %add3A_81, %add3A_84 : vector<256x128xi32>
    %shift_left3A_86 = arith.constant 17 : i32
    %shift_left3A_87 = vector.broadcast %shift_left3A_86 : i32 to vector<256x128xi32>
    %shift_left3A_88 = arith.shli %add3A_84, %shift_left3A_87 : vector<256x128xi32>
    %shift_right_logical3A_89 = arith.constant 15 : i32
    %shift_right_logical3A_90 = vector.broadcast %shift_right_logical3A_89 : i32 to vector<256x128xi32>
    %shift_right_logical3A_91 = arith.shrui %add3A_84, %shift_right_logical3A_90 : vector<256x128xi32>
    %or3A_92 = arith.ori %shift_left3A_88, %shift_right_logical3A_91 : vector<256x128xi32>
    %xor3A_93 = arith.xori %or3A_92, %add3A_85 : vector<256x128xi32>
    %add3A_94 = arith.addi %add3A_85, %xor3A_93 : vector<256x128xi32>
    %shift_left3A_95 = arith.constant 29 : i32
    %shift_left3A_96 = vector.broadcast %shift_left3A_95 : i32 to vector<256x128xi32>
    %shift_left3A_97 = arith.shli %xor3A_93, %shift_left3A_96 : vector<256x128xi32>
    %shift_right_logical3A_98 = arith.constant 3 : i32
    %shift_right_logical3A_99 = vector.broadcast %shift_right_logical3A_98 : i32 to vector<256x128xi32>
    %shift_right_logical3A_100 = arith.shrui %xor3A_93, %shift_right_logical3A_99 : vector<256x128xi32>
    %or3A_101 = arith.ori %shift_left3A_97, %shift_right_logical3A_100 : vector<256x128xi32>
    %xor3A_102 = arith.xori %or3A_101, %add3A_94 : vector<256x128xi32>
    %add3A_103 = arith.addi %add3A_94, %xor3A_102 : vector<256x128xi32>
    %shift_left3A_104 = arith.constant 16 : i32
    %shift_left3A_105 = vector.broadcast %shift_left3A_104 : i32 to vector<256x128xi32>
    %shift_left3A_106 = arith.shli %xor3A_102, %shift_left3A_105 : vector<256x128xi32>
    %shift_right_logical3A_107 = arith.constant 16 : i32
    %shift_right_logical3A_108 = vector.broadcast %shift_right_logical3A_107 : i32 to vector<256x128xi32>
    %shift_right_logical3A_109 = arith.shrui %xor3A_102, %shift_right_logical3A_108 : vector<256x128xi32>
    %or3A_110 = arith.ori %shift_left3A_106, %shift_right_logical3A_109 : vector<256x128xi32>
    %xor3A_111 = arith.xori %or3A_110, %add3A_103 : vector<256x128xi32>
    %add3A_112 = arith.addi %add3A_103, %xor3A_111 : vector<256x128xi32>
    %shift_left3A_113 = arith.constant 24 : i32
    %shift_left3A_114 = vector.broadcast %shift_left3A_113 : i32 to vector<256x128xi32>
    %shift_left3A_115 = arith.shli %xor3A_111, %shift_left3A_114 : vector<256x128xi32>
    %shift_right_logical3A_116 = arith.constant 8 : i32
    %shift_right_logical3A_117 = vector.broadcast %shift_right_logical3A_116 : i32 to vector<256x128xi32>
    %shift_right_logical3A_118 = arith.shrui %xor3A_111, %shift_right_logical3A_117 : vector<256x128xi32>
    %or3A_119 = arith.ori %shift_left3A_115, %shift_right_logical3A_118 : vector<256x128xi32>
    %xor3A_120 = arith.xori %or3A_119, %add3A_112 : vector<256x128xi32>
    %add3A_121 = arith.constant 466689008 : i32
    %add3A_122 = vector.broadcast %add3A_121 : i32 to vector<256x128xi32>
    %add3A_123 = arith.addi %add3A_112, %add3A_122 : vector<256x128xi32>
    %add3A_124 = arith.constant 2 : i32
    %add3A_125 = vector.broadcast %add3A_124 : i32 to vector<256x128xi32>
    %add3A_126 = arith.addi %xor3A_120, %add3A_125 : vector<256x128xi32>
    %add3A_127 = arith.addi %add3A_123, %add3A_126 : vector<256x128xi32>
    %shift_left3A_128 = arith.constant 13 : i32
    %shift_left3A_129 = vector.broadcast %shift_left3A_128 : i32 to vector<256x128xi32>
    %shift_left3A_130 = arith.shli %add3A_126, %shift_left3A_129 : vector<256x128xi32>
    %shift_right_logical3A_131 = arith.constant 19 : i32
    %shift_right_logical3A_132 = vector.broadcast %shift_right_logical3A_131 : i32 to vector<256x128xi32>
    %shift_right_logical3A_133 = arith.shrui %add3A_126, %shift_right_logical3A_132 : vector<256x128xi32>
    %or3A_134 = arith.ori %shift_left3A_130, %shift_right_logical3A_133 : vector<256x128xi32>
    %xor3A_135 = arith.xori %or3A_134, %add3A_127 : vector<256x128xi32>
    %add3A_136 = arith.addi %add3A_127, %xor3A_135 : vector<256x128xi32>
    %shift_left3A_137 = arith.constant 15 : i32
    %shift_left3A_138 = vector.broadcast %shift_left3A_137 : i32 to vector<256x128xi32>
    %shift_left3A_139 = arith.shli %xor3A_135, %shift_left3A_138 : vector<256x128xi32>
    %shift_right_logical3A_140 = arith.constant 17 : i32
    %shift_right_logical3A_141 = vector.broadcast %shift_right_logical3A_140 : i32 to vector<256x128xi32>
    %shift_right_logical3A_142 = arith.shrui %xor3A_135, %shift_right_logical3A_141 : vector<256x128xi32>
    %or3A_143 = arith.ori %shift_left3A_139, %shift_right_logical3A_142 : vector<256x128xi32>
    %xor3A_144 = arith.xori %or3A_143, %add3A_136 : vector<256x128xi32>
    %add3A_145 = arith.addi %add3A_136, %xor3A_144 : vector<256x128xi32>
    %shift_left3A_146 = arith.constant 26 : i32
    %shift_left3A_147 = vector.broadcast %shift_left3A_146 : i32 to vector<256x128xi32>
    %shift_left3A_148 = arith.shli %xor3A_144, %shift_left3A_147 : vector<256x128xi32>
    %shift_right_logical3A_149 = arith.constant 6 : i32
    %shift_right_logical3A_150 = vector.broadcast %shift_right_logical3A_149 : i32 to vector<256x128xi32>
    %shift_right_logical3A_151 = arith.shrui %xor3A_144, %shift_right_logical3A_150 : vector<256x128xi32>
    %or3A_152 = arith.ori %shift_left3A_148, %shift_right_logical3A_151 : vector<256x128xi32>
    %xor3A_153 = arith.xori %or3A_152, %add3A_145 : vector<256x128xi32>
    %add3A_154 = arith.addi %add3A_145, %xor3A_153 : vector<256x128xi32>
    %shift_left3A_155 = arith.constant 6 : i32
    %shift_left3A_156 = vector.broadcast %shift_left3A_155 : i32 to vector<256x128xi32>
    %shift_left3A_157 = arith.shli %xor3A_153, %shift_left3A_156 : vector<256x128xi32>
    %shift_right_logical3A_158 = arith.constant 26 : i32
    %shift_right_logical3A_159 = vector.broadcast %shift_right_logical3A_158 : i32 to vector<256x128xi32>
    %shift_right_logical3A_160 = arith.shrui %xor3A_153, %shift_right_logical3A_159 : vector<256x128xi32>
    %or3A_161 = arith.ori %shift_left3A_157, %shift_right_logical3A_160 : vector<256x128xi32>
    %xor3A_162 = arith.xori %or3A_161, %add3A_154 : vector<256x128xi32>
    %add3A_163 = arith.constant 0 : i32
    %add3A_164 = vector.broadcast %add3A_163 : i32 to vector<256x128xi32>
    %add3A_165 = arith.addi %add3A_154, %add3A_164 : vector<256x128xi32>
    %add3A_166 = arith.constant 45 : i32
    %add3A_167 = vector.broadcast %add3A_166 : i32 to vector<256x128xi32>
    %add3A_168 = arith.addi %xor3A_162, %add3A_167 : vector<256x128xi32>
    %add3A_169 = arith.addi %add3A_165, %add3A_168 : vector<256x128xi32>
    %shift_left3A_170 = arith.constant 17 : i32
    %shift_left3A_171 = vector.broadcast %shift_left3A_170 : i32 to vector<256x128xi32>
    %shift_left3A_172 = arith.shli %add3A_168, %shift_left3A_171 : vector<256x128xi32>
    %shift_right_logical3A_173 = arith.constant 15 : i32
    %shift_right_logical3A_174 = vector.broadcast %shift_right_logical3A_173 : i32 to vector<256x128xi32>
    %shift_right_logical3A_175 = arith.shrui %add3A_168, %shift_right_logical3A_174 : vector<256x128xi32>
    %or3A_176 = arith.ori %shift_left3A_172, %shift_right_logical3A_175 : vector<256x128xi32>
    %xor3A_177 = arith.xori %or3A_176, %add3A_169 : vector<256x128xi32>
    %add3A_178 = arith.addi %add3A_169, %xor3A_177 : vector<256x128xi32>
    %shift_left3A_179 = arith.constant 29 : i32
    %shift_left3A_180 = vector.broadcast %shift_left3A_179 : i32 to vector<256x128xi32>
    %shift_left3A_181 = arith.shli %xor3A_177, %shift_left3A_180 : vector<256x128xi32>
    %shift_right_logical3A_182 = arith.constant 3 : i32
    %shift_right_logical3A_183 = vector.broadcast %shift_right_logical3A_182 : i32 to vector<256x128xi32>
    %shift_right_logical3A_184 = arith.shrui %xor3A_177, %shift_right_logical3A_183 : vector<256x128xi32>
    %or3A_185 = arith.ori %shift_left3A_181, %shift_right_logical3A_184 : vector<256x128xi32>
    %xor3A_186 = arith.xori %or3A_185, %add3A_178 : vector<256x128xi32>
    %add3A_187 = arith.addi %add3A_178, %xor3A_186 : vector<256x128xi32>
    %shift_left3A_188 = arith.constant 16 : i32
    %shift_left3A_189 = vector.broadcast %shift_left3A_188 : i32 to vector<256x128xi32>
    %shift_left3A_190 = arith.shli %xor3A_186, %shift_left3A_189 : vector<256x128xi32>
    %shift_right_logical3A_191 = arith.constant 16 : i32
    %shift_right_logical3A_192 = vector.broadcast %shift_right_logical3A_191 : i32 to vector<256x128xi32>
    %shift_right_logical3A_193 = arith.shrui %xor3A_186, %shift_right_logical3A_192 : vector<256x128xi32>
    %or3A_194 = arith.ori %shift_left3A_190, %shift_right_logical3A_193 : vector<256x128xi32>
    %xor3A_195 = arith.xori %or3A_194, %add3A_187 : vector<256x128xi32>
    %add3A_196 = arith.addi %add3A_187, %xor3A_195 : vector<256x128xi32>
    %shift_left3A_197 = arith.constant 24 : i32
    %shift_left3A_198 = vector.broadcast %shift_left3A_197 : i32 to vector<256x128xi32>
    %shift_left3A_199 = arith.shli %xor3A_195, %shift_left3A_198 : vector<256x128xi32>
    %shift_right_logical3A_200 = arith.constant 8 : i32
    %shift_right_logical3A_201 = vector.broadcast %shift_right_logical3A_200 : i32 to vector<256x128xi32>
    %shift_right_logical3A_202 = arith.shrui %xor3A_195, %shift_right_logical3A_201 : vector<256x128xi32>
    %or3A_203 = arith.ori %shift_left3A_199, %shift_right_logical3A_202 : vector<256x128xi32>
    %xor3A_204 = arith.xori %or3A_203, %add3A_196 : vector<256x128xi32>
    %add3A_205 = arith.constant 42 : i32
    %add3A_206 = vector.broadcast %add3A_205 : i32 to vector<256x128xi32>
    %add3A_207 = arith.addi %add3A_196, %add3A_206 : vector<256x128xi32>
    %add3A_208 = arith.constant 466689012 : i32
    %add3A_209 = vector.broadcast %add3A_208 : i32 to vector<256x128xi32>
    %add3A_210 = arith.addi %xor3A_204, %add3A_209 : vector<256x128xi32>
    %add3A_211 = arith.addi %add3A_207, %add3A_210 : vector<256x128xi32>
    %shift_left3A_212 = arith.constant 13 : i32
    %shift_left3A_213 = vector.broadcast %shift_left3A_212 : i32 to vector<256x128xi32>
    %shift_left3A_214 = arith.shli %add3A_210, %shift_left3A_213 : vector<256x128xi32>
    %shift_right_logical3A_215 = arith.constant 19 : i32
    %shift_right_logical3A_216 = vector.broadcast %shift_right_logical3A_215 : i32 to vector<256x128xi32>
    %shift_right_logical3A_217 = arith.shrui %add3A_210, %shift_right_logical3A_216 : vector<256x128xi32>
    %or3A_218 = arith.ori %shift_left3A_214, %shift_right_logical3A_217 : vector<256x128xi32>
    %xor3A_219 = arith.xori %or3A_218, %add3A_211 : vector<256x128xi32>
    %add3A_220 = arith.addi %add3A_211, %xor3A_219 : vector<256x128xi32>
    %shift_left3A_221 = arith.constant 15 : i32
    %shift_left3A_222 = vector.broadcast %shift_left3A_221 : i32 to vector<256x128xi32>
    %shift_left3A_223 = arith.shli %xor3A_219, %shift_left3A_222 : vector<256x128xi32>
    %shift_right_logical3A_224 = arith.constant 17 : i32
    %shift_right_logical3A_225 = vector.broadcast %shift_right_logical3A_224 : i32 to vector<256x128xi32>
    %shift_right_logical3A_226 = arith.shrui %xor3A_219, %shift_right_logical3A_225 : vector<256x128xi32>
    %or3A_227 = arith.ori %shift_left3A_223, %shift_right_logical3A_226 : vector<256x128xi32>
    %xor3A_228 = arith.xori %or3A_227, %add3A_220 : vector<256x128xi32>
    %add3A_229 = arith.addi %add3A_220, %xor3A_228 : vector<256x128xi32>
    %shift_left3A_230 = arith.constant 26 : i32
    %shift_left3A_231 = vector.broadcast %shift_left3A_230 : i32 to vector<256x128xi32>
    %shift_left3A_232 = arith.shli %xor3A_228, %shift_left3A_231 : vector<256x128xi32>
    %shift_right_logical3A_233 = arith.constant 6 : i32
    %shift_right_logical3A_234 = vector.broadcast %shift_right_logical3A_233 : i32 to vector<256x128xi32>
    %shift_right_logical3A_235 = arith.shrui %xor3A_228, %shift_right_logical3A_234 : vector<256x128xi32>
    %or3A_236 = arith.ori %shift_left3A_232, %shift_right_logical3A_235 : vector<256x128xi32>
    %xor3A_237 = arith.xori %or3A_236, %add3A_229 : vector<256x128xi32>
    %add3A_238 = arith.addi %add3A_229, %xor3A_237 : vector<256x128xi32>
    %shift_left3A_239 = arith.constant 6 : i32
    %shift_left3A_240 = vector.broadcast %shift_left3A_239 : i32 to vector<256x128xi32>
    %shift_left3A_241 = arith.shli %xor3A_237, %shift_left3A_240 : vector<256x128xi32>
    %shift_right_logical3A_242 = arith.constant 26 : i32
    %shift_right_logical3A_243 = vector.broadcast %shift_right_logical3A_242 : i32 to vector<256x128xi32>
    %shift_right_logical3A_244 = arith.shrui %xor3A_237, %shift_right_logical3A_243 : vector<256x128xi32>
    %or3A_245 = arith.ori %shift_left3A_241, %shift_right_logical3A_244 : vector<256x128xi32>
    %xor3A_246 = arith.xori %or3A_245, %add3A_238 : vector<256x128xi32>
    %add3A_247 = arith.constant 466689008 : i32
    %add3A_248 = vector.broadcast %add3A_247 : i32 to vector<256x128xi32>
    %add3A_249 = arith.addi %add3A_238, %add3A_248 : vector<256x128xi32>
    %add3A_250 = arith.constant 5 : i32
    %add3A_251 = vector.broadcast %add3A_250 : i32 to vector<256x128xi32>
    %add3A_252 = arith.addi %xor3A_246, %add3A_251 : vector<256x128xi32>
    %xor3A_253 = arith.xori %add3A_249, %add3A_252 : vector<256x128xi32>
    %shift_right_logical3A_254 = arith.constant 9 : i32
    %shift_right_logical3A_255 = vector.broadcast %shift_right_logical3A_254 : i32 to vector<256x128xi32>
    %shift_right_logical3A_256 = arith.shrui %xor3A_253, %shift_right_logical3A_255 : vector<256x128xi32>
    %or3A_257 = arith.constant 1065353216 : i32
    %or3A_258 = vector.broadcast %or3A_257 : i32 to vector<256x128xi32>
    %or3A_259 = arith.ori %shift_right_logical3A_256, %or3A_258 : vector<256x128xi32>
    %bitcast_convert_type3A = tpu.bitcast %or3A_259 : vector<256x128xi32> -> vector<256x128xf32>
    %sub3A = arith.constant 1.000000e+00 : f32
    %sub3A_260 = vector.broadcast %sub3A : f32 to vector<256x128xf32>
    %sub3A_261 = arith.subf %bitcast_convert_type3A, %sub3A_260 : vector<256x128xf32>
    %add3A_262 = arith.constant 1.17549435E-38 : f32
    %add3A_263 = vector.broadcast %add3A_262 : f32 to vector<256x128xf32>
    %add3A_264 = arith.addf %sub3A_261, %add3A_263 : vector<256x128xf32>
    %log3A = math.log %add3A_264 : vector<256x128xf32>
    %neg3A = arith.constant 0.000000e+00 : f32
    %neg3A_265 = vector.broadcast %neg3A : f32 to vector<256x128xf32>
    %neg3A_266 = arith.subf %neg3A_265, %log3A : vector<256x128xf32>
    %mul3A_267 = arith.mulf %neg3A_266, %div3A_35 : vector<256x128xf32>
    %get3A_268 = arith.constant 0 : index
    %get3A_269 = arith.constant 0 : index
    %get3A_270 = arith.constant 0 : index
    %get3A_271 = vector.load %arg6[%get3A_268, %get3A_269, %get3A_270] : memref<8x256x128xf32, #tpu.memory_space<vmem>>, vector<1x256x128xf32>
    %get3A_272 = vector.shape_cast %get3A_271 : vector<1x256x128xf32> to vector<256x128xf32>
    %lt3A = arith.cmpf olt, %mul3A_267, %get3A_272 : vector<256x128xf32>
    %get3A_273 = arith.constant 0 : index
    %get3A_274 = arith.constant 0 : index
    %get3A_275 = arith.constant 0 : index
    %get3A_276 = vector.load %arg7[%get3A_273, %get3A_274, %get3A_275] : memref<8x256x128xi32, #tpu.memory_space<vmem>>, vector<1x256x128xi32>
    %get3A_277 = vector.shape_cast %get3A_276 : vector<1x256x128xi32> to vector<256x128xi32>
    %select_n3A_278 = arith.select %lt3A, %add3A_19, %get3A_277 : vector<256x128xi1>, vector<256x128xi32>
    %swap3A_279 = arith.constant 0 : index
    %swap3A_280 = arith.constant 0 : index
    %swap3A_281 = arith.constant 0 : index
    %swap3A_282 = vector.load %arg7[%swap3A_279, %swap3A_280, %swap3A_281] : memref<8x256x128xi32, #tpu.memory_space<vmem>>, vector<1x256x128xi32>
    %swap3A_283 = vector.shape_cast %swap3A_282 : vector<1x256x128xi32> to vector<256x128xi32>
    %swap3A_284 = vector.shape_cast %select_n3A_278 : vector<256x128xi32> to vector<1x256x128xi32>
    tpu.vector_store %arg7[%swap3A_279, %swap3A_280, %swap3A_281], %swap3A_284 {strides = array<i32>} : memref<8x256x128xi32, #tpu.memory_space<vmem>>, vector<1x256x128xi32>,
    %get3A_285 = arith.constant 0 : index
    %get3A_286 = arith.constant 0 : index
    %get3A_287 = arith.constant 0 : index
    %get3A_288 = vector.load %arg8[%get3A_285, %get3A_286, %get3A_287] : memref<8x256x128xf32, #tpu.memory_space<vmem>>, vector<1x256x128xf32>
    %get3A_289 = vector.shape_cast %get3A_288 : vector<1x256x128xf32> to vector<256x128xf32>
    %select_n3A_290 = arith.select %lt3A, %neg3A_266, %get3A_289 : vector<256x128xi1>, vector<256x128xf32>
    %swap3A_291 = arith.constant 0 : index
    %swap3A_292 = arith.constant 0 : index
    %swap3A_293 = arith.constant 0 : index
    %swap3A_294 = vector.load %arg8[%swap3A_291, %swap3A_292, %swap3A_293] : memref<8x256x128xf32, #tpu.memory_space<vmem>>, vector<1x256x128xf32>
    %swap3A_295 = vector.shape_cast %swap3A_294 : vector<1x256x128xf32> to vector<256x128xf32>
    %swap3A_296 = vector.shape_cast %select_n3A_290 : vector<256x128xf32> to vector<1x256x128xf32>
    tpu.vector_store %arg8[%swap3A_291, %swap3A_292, %swap3A_293], %swap3A_296 {strides = array<i32>} : memref<8x256x128xf32, #tpu.memory_space<vmem>>, vector<1x256x128xf32>,
    %get3A_297 = arith.constant 0 : index
    %get3A_298 = arith.constant 0 : index
    %get3A_299 = arith.constant 0 : index
    %get3A_300 = vector.load %arg6[%get3A_297, %get3A_298, %get3A_299] : memref<8x256x128xf32, #tpu.memory_space<vmem>>, vector<1x256x128xf32>
    %get3A_301 = vector.shape_cast %get3A_300 : vector<1x256x128xf32> to vector<256x128xf32>
    %select_n3A_302 = arith.select %lt3A, %mul3A_267, %get3A_301 : vector<256x128xi1>, vector<256x128xf32>
    %swap3A_303 = arith.constant 0 : index
    %swap3A_304 = arith.constant 0 : index
    %swap3A_305 = arith.constant 0 : index
    %swap3A_306 = vector.load %arg6[%swap3A_303, %swap3A_304, %swap3A_305] : memref<8x256x128xf32, #tpu.memory_space<vmem>>, vector<1x256x128xf32>
    %swap3A_307 = vector.shape_cast %swap3A_306 : vector<1x256x128xf32> to vector<256x128xf32>
    %swap3A_308 = vector.shape_cast %select_n3A_302 : vector<256x128xf32> to vector<1x256x128xf32>
    tpu.vector_store %arg6[%swap3A_303, %swap3A_304, %swap3A_305], %swap3A_308 {strides = array<i32>} : memref<8x256x128xf32, #tpu.memory_space<vmem>>, vector<1x256x128xf32>,
    %add3A_309 = arith.constant 16000000 : i32
    %add3A_310 = arith.addi %mul3A_37, %add3A_309 : i32
    %add3A_311 = vector.broadcast %add3A_310 : i32 to vector<256x128xi32>
    %add3A_312 = arith.addi %add3A_19, %add3A_311 : vector<256x128xi32>
    %broadcast_in_dim3A_313 = arith.constant 0 : i32
    %broadcast_in_dim3A_314 = vector.broadcast %broadcast_in_dim3A_313 : i32 to vector<256x128xi32>
    %add3A_315 = arith.constant 42 : i32
    %add3A_316 = vector.broadcast %add3A_315 : i32 to vector<256x128xi32>
    %add3A_317 = arith.addi %add3A_312, %add3A_316 : vector<256x128xi32>
    %add3A_318 = arith.addi %broadcast_in_dim3A_314, %add3A_317 : vector<256x128xi32>
    %shift_left3A_319 = arith.constant 13 : i32
    %shift_left3A_320 = vector.broadcast %shift_left3A_319 : i32 to vector<256x128xi32>
    %shift_left3A_321 = arith.shli %add3A_317, %shift_left3A_320 : vector<256x128xi32>
    %shift_right_logical3A_322 = arith.constant 19 : i32
    %shift_right_logical3A_323 = vector.broadcast %shift_right_logical3A_322 : i32 to vector<256x128xi32>
    %shift_right_logical3A_324 = arith.shrui %add3A_317, %shift_right_logical3A_323 : vector<256x128xi32>
    %or3A_325 = arith.ori %shift_left3A_321, %shift_right_logical3A_324 : vector<256x128xi32>
    %xor3A_326 = arith.xori %or3A_325, %add3A_318 : vector<256x128xi32>
    %add3A_327 = arith.addi %add3A_318, %xor3A_326 : vector<256x128xi32>
    %shift_left3A_328 = arith.constant 15 : i32
    %shift_left3A_329 = vector.broadcast %shift_left3A_328 : i32 to vector<256x128xi32>
    %shift_left3A_330 = arith.shli %xor3A_326, %shift_left3A_329 : vector<256x128xi32>
    %shift_right_logical3A_331 = arith.constant 17 : i32
    %shift_right_logical3A_332 = vector.broadcast %shift_right_logical3A_331 : i32 to vector<256x128xi32>
    %shift_right_logical3A_333 = arith.shrui %xor3A_326, %shift_right_logical3A_332 : vector<256x128xi32>
    %or3A_334 = arith.ori %shift_left3A_330, %shift_right_logical3A_333 : vector<256x128xi32>
    %xor3A_335 = arith.xori %or3A_334, %add3A_327 : vector<256x128xi32>
    %add3A_336 = arith.addi %add3A_327, %xor3A_335 : vector<256x128xi32>
    %shift_left3A_337 = arith.constant 26 : i32
    %shift_left3A_338 = vector.broadcast %shift_left3A_337 : i32 to vector<256x128xi32>
    %shift_left3A_339 = arith.shli %xor3A_335, %shift_left3A_338 : vector<256x128xi32>
    %shift_right_logical3A_340 = arith.constant 6 : i32
    %shift_right_logical3A_341 = vector.broadcast %shift_right_logical3A_340 : i32 to vector<256x128xi32>
    %shift_right_logical3A_342 = arith.shrui %xor3A_335, %shift_right_logical3A_341 : vector<256x128xi32>
    %or3A_343 = arith.ori %shift_left3A_339, %shift_right_logical3A_342 : vector<256x128xi32>
    %xor3A_344 = arith.xori %or3A_343, %add3A_336 : vector<256x128xi32>
    %add3A_345 = arith.addi %add3A_336, %xor3A_344 : vector<256x128xi32>
    %shift_left3A_346 = arith.constant 6 : i32
    %shift_left3A_347 = vector.broadcast %shift_left3A_346 : i32 to vector<256x128xi32>
    %shift_left3A_348 = arith.shli %xor3A_344, %shift_left3A_347 : vector<256x128xi32>
    %shift_right_logical3A_349 = arith.constant 26 : i32
    %shift_right_logical3A_350 = vector.broadcast %shift_right_logical3A_349 : i32 to vector<256x128xi32>
    %shift_right_logical3A_351 = arith.shrui %xor3A_344, %shift_right_logical3A_350 : vector<256x128xi32>
    %or3A_352 = arith.ori %shift_left3A_348, %shift_right_logical3A_351 : vector<256x128xi32>
    %xor3A_353 = arith.xori %or3A_352, %add3A_345 : vector<256x128xi32>
    %add3A_354 = arith.constant 42 : i32
    %add3A_355 = vector.broadcast %add3A_354 : i32 to vector<256x128xi32>
    %add3A_356 = arith.addi %add3A_345, %add3A_355 : vector<256x128xi32>
    %add3A_357 = arith.constant 466689009 : i32
    %add3A_358 = vector.broadcast %add3A_357 : i32 to vector<256x128xi32>
    %add3A_359 = arith.addi %xor3A_353, %add3A_358 : vector<256x128xi32>
    %add3A_360 = arith.addi %add3A_356, %add3A_359 : vector<256x128xi32>
    %shift_left3A_361 = arith.constant 17 : i32
    %shift_left3A_362 = vector.broadcast %shift_left3A_361 : i32 to vector<256x128xi32>
    %shift_left3A_363 = arith.shli %add3A_359, %shift_left3A_362 : vector<256x128xi32>
    %shift_right_logical3A_364 = arith.constant 15 : i32
    %shift_right_logical3A_365 = vector.broadcast %shift_right_logical3A_364 : i32 to vector<256x128xi32>
    %shift_right_logical3A_366 = arith.shrui %add3A_359, %shift_right_logical3A_365 : vector<256x128xi32>
    %or3A_367 = arith.ori %shift_left3A_363, %shift_right_logical3A_366 : vector<256x128xi32>
    %xor3A_368 = arith.xori %or3A_367, %add3A_360 : vector<256x128xi32>
    %add3A_369 = arith.addi %add3A_360, %xor3A_368 : vector<256x128xi32>
    %shift_left3A_370 = arith.constant 29 : i32
    %shift_left3A_371 = vector.broadcast %shift_left3A_370 : i32 to vector<256x128xi32>
    %shift_left3A_372 = arith.shli %xor3A_368, %shift_left3A_371 : vector<256x128xi32>
    %shift_right_logical3A_373 = arith.constant 3 : i32
    %shift_right_logical3A_374 = vector.broadcast %shift_right_logical3A_373 : i32 to vector<256x128xi32>
    %shift_right_logical3A_375 = arith.shrui %xor3A_368, %shift_right_logical3A_374 : vector<256x128xi32>
    %or3A_376 = arith.ori %shift_left3A_372, %shift_right_logical3A_375 : vector<256x128xi32>
    %xor3A_377 = arith.xori %or3A_376, %add3A_369 : vector<256x128xi32>
    %add3A_378 = arith.addi %add3A_369, %xor3A_377 : vector<256x128xi32>
    %shift_left3A_379 = arith.constant 16 : i32
    %shift_left3A_380 = vector.broadcast %shift_left3A_379 : i32 to vector<256x128xi32>
    %shift_left3A_381 = arith.shli %xor3A_377, %shift_left3A_380 : vector<256x128xi32>
    %shift_right_logical3A_382 = arith.constant 16 : i32
    %shift_right_logical3A_383 = vector.broadcast %shift_right_logical3A_382 : i32 to vector<256x128xi32>
    %shift_right_logical3A_384 = arith.shrui %xor3A_377, %shift_right_logical3A_383 : vector<256x128xi32>
    %or3A_385 = arith.ori %shift_left3A_381, %shift_right_logical3A_384 : vector<256x128xi32>
    %xor3A_386 = arith.xori %or3A_385, %add3A_378 : vector<256x128xi32>
    %add3A_387 = arith.addi %add3A_378, %xor3A_386 : vector<256x128xi32>
    %shift_left3A_388 = arith.constant 24 : i32
    %shift_left3A_389 = vector.broadcast %shift_left3A_388 : i32 to vector<256x128xi32>
    %shift_left3A_390 = arith.shli %xor3A_386, %shift_left3A_389 : vector<256x128xi32>
    %shift_right_logical3A_391 = arith.constant 8 : i32
    %shift_right_logical3A_392 = vector.broadcast %shift_right_logical3A_391 : i32 to vector<256x128xi32>
    %shift_right_logical3A_393 = arith.shrui %xor3A_386, %shift_right_logical3A_392 : vector<256x128xi32>
    %or3A_394 = arith.ori %shift_left3A_390, %shift_right_logical3A_393 : vector<256x128xi32>
    %xor3A_395 = arith.xori %or3A_394, %add3A_387 : vector<256x128xi32>
    %add3A_396 = arith.constant 466689008 : i32
    %add3A_397 = vector.broadcast %add3A_396 : i32 to vector<256x128xi32>
    %add3A_398 = arith.addi %add3A_387, %add3A_397 : vector<256x128xi32>
    %add3A_399 = arith.constant 2 : i32
    %add3A_400 = vector.broadcast %add3A_399 : i32 to vector<256x128xi32>
    %add3A_401 = arith.addi %xor3A_395, %add3A_400 : vector<256x128xi32>
    %add3A_402 = arith.addi %add3A_398, %add3A_401 : vector<256x128xi32>
    %shift_left3A_403 = arith.constant 13 : i32
    %shift_left3A_404 = vector.broadcast %shift_left3A_403 : i32 to vector<256x128xi32>
    %shift_left3A_405 = arith.shli %add3A_401, %shift_left3A_404 : vector<256x128xi32>
    %shift_right_logical3A_406 = arith.constant 19 : i32
    %shift_right_logical3A_407 = vector.broadcast %shift_right_logical3A_406 : i32 to vector<256x128xi32>
    %shift_right_logical3A_408 = arith.shrui %add3A_401, %shift_right_logical3A_407 : vector<256x128xi32>
    %or3A_409 = arith.ori %shift_left3A_405, %shift_right_logical3A_408 : vector<256x128xi32>
    %xor3A_410 = arith.xori %or3A_409, %add3A_402 : vector<256x128xi32>
    %add3A_411 = arith.addi %add3A_402, %xor3A_410 : vector<256x128xi32>
    %shift_left3A_412 = arith.constant 15 : i32
    %shift_left3A_413 = vector.broadcast %shift_left3A_412 : i32 to vector<256x128xi32>
    %shift_left3A_414 = arith.shli %xor3A_410, %shift_left3A_413 : vector<256x128xi32>
    %shift_right_logical3A_415 = arith.constant 17 : i32
    %shift_right_logical3A_416 = vector.broadcast %shift_right_logical3A_415 : i32 to vector<256x128xi32>
    %shift_right_logical3A_417 = arith.shrui %xor3A_410, %shift_right_logical3A_416 : vector<256x128xi32>
    %or3A_418 = arith.ori %shift_left3A_414, %shift_right_logical3A_417 : vector<256x128xi32>
    %xor3A_419 = arith.xori %or3A_418, %add3A_411 : vector<256x128xi32>
    %add3A_420 = arith.addi %add3A_411, %xor3A_419 : vector<256x128xi32>
    %shift_left3A_421 = arith.constant 26 : i32
    %shift_left3A_422 = vector.broadcast %shift_left3A_421 : i32 to vector<256x128xi32>
    %shift_left3A_423 = arith.shli %xor3A_419, %shift_left3A_422 : vector<256x128xi32>
    %shift_right_logical3A_424 = arith.constant 6 : i32
    %shift_right_logical3A_425 = vector.broadcast %shift_right_logical3A_424 : i32 to vector<256x128xi32>
    %shift_right_logical3A_426 = arith.shrui %xor3A_419, %shift_right_logical3A_425 : vector<256x128xi32>
    %or3A_427 = arith.ori %shift_left3A_423, %shift_right_logical3A_426 : vector<256x128xi32>
    %xor3A_428 = arith.xori %or3A_427, %add3A_420 : vector<256x128xi32>
    %add3A_429 = arith.addi %add3A_420, %xor3A_428 : vector<256x128xi32>
    %shift_left3A_430 = arith.constant 6 : i32
    %shift_left3A_431 = vector.broadcast %shift_left3A_430 : i32 to vector<256x128xi32>
    %shift_left3A_432 = arith.shli %xor3A_428, %shift_left3A_431 : vector<256x128xi32>
    %shift_right_logical3A_433 = arith.constant 26 : i32
    %shift_right_logical3A_434 = vector.broadcast %shift_right_logical3A_433 : i32 to vector<256x128xi32>
    %shift_right_logical3A_435 = arith.shrui %xor3A_428, %shift_right_logical3A_434 : vector<256x128xi32>
    %or3A_436 = arith.ori %shift_left3A_432, %shift_right_logical3A_435 : vector<256x128xi32>
    %xor3A_437 = arith.xori %or3A_436, %add3A_429 : vector<256x128xi32>
    %add3A_438 = arith.constant 0 : i32
    %add3A_439 = vector.broadcast %add3A_438 : i32 to vector<256x128xi32>
    %add3A_440 = arith.addi %add3A_429, %add3A_439 : vector<256x128xi32>
    %add3A_441 = arith.constant 45 : i32
    %add3A_442 = vector.broadcast %add3A_441 : i32 to vector<256x128xi32>
    %add3A_443 = arith.addi %xor3A_437, %add3A_442 : vector<256x128xi32>
    %add3A_444 = arith.addi %add3A_440, %add3A_443 : vector<256x128xi32>
    %shift_left3A_445 = arith.constant 17 : i32
    %shift_left3A_446 = vector.broadcast %shift_left3A_445 : i32 to vector<256x128xi32>
    %shift_left3A_447 = arith.shli %add3A_443, %shift_left3A_446 : vector<256x128xi32>
    %shift_right_logical3A_448 = arith.constant 15 : i32
    %shift_right_logical3A_449 = vector.broadcast %shift_right_logical3A_448 : i32 to vector<256x128xi32>
    %shift_right_logical3A_450 = arith.shrui %add3A_443, %shift_right_logical3A_449 : vector<256x128xi32>
    %or3A_451 = arith.ori %shift_left3A_447, %shift_right_logical3A_450 : vector<256x128xi32>
    %xor3A_452 = arith.xori %or3A_451, %add3A_444 : vector<256x128xi32>
    %add3A_453 = arith.addi %add3A_444, %xor3A_452 : vector<256x128xi32>
    %shift_left3A_454 = arith.constant 29 : i32
    %shift_left3A_455 = vector.broadcast %shift_left3A_454 : i32 to vector<256x128xi32>
    %shift_left3A_456 = arith.shli %xor3A_452, %shift_left3A_455 : vector<256x128xi32>
    %shift_right_logical3A_457 = arith.constant 3 : i32
    %shift_right_logical3A_458 = vector.broadcast %shift_right_logical3A_457 : i32 to vector<256x128xi32>
    %shift_right_logical3A_459 = arith.shrui %xor3A_452, %shift_right_logical3A_458 : vector<256x128xi32>
    %or3A_460 = arith.ori %shift_left3A_456, %shift_right_logical3A_459 : vector<256x128xi32>
    %xor3A_461 = arith.xori %or3A_460, %add3A_453 : vector<256x128xi32>
    %add3A_462 = arith.addi %add3A_453, %xor3A_461 : vector<256x128xi32>
    %shift_left3A_463 = arith.constant 16 : i32
    %shift_left3A_464 = vector.broadcast %shift_left3A_463 : i32 to vector<256x128xi32>
    %shift_left3A_465 = arith.shli %xor3A_461, %shift_left3A_464 : vector<256x128xi32>
    %shift_right_logical3A_466 = arith.constant 16 : i32
    %shift_right_logical3A_467 = vector.broadcast %shift_right_logical3A_466 : i32 to vector<256x128xi32>
    %shift_right_logical3A_468 = arith.shrui %xor3A_461, %shift_right_logical3A_467 : vector<256x128xi32>
    %or3A_469 = arith.ori %shift_left3A_465, %shift_right_logical3A_468 : vector<256x128xi32>
    %xor3A_470 = arith.xori %or3A_469, %add3A_462 : vector<256x128xi32>
    %add3A_471 = arith.addi %add3A_462, %xor3A_470 : vector<256x128xi32>
    %shift_left3A_472 = arith.constant 24 : i32
    %shift_left3A_473 = vector.broadcast %shift_left3A_472 : i32 to vector<256x128xi32>
    %shift_left3A_474 = arith.shli %xor3A_470, %shift_left3A_473 : vector<256x128xi32>
    %shift_right_logical3A_475 = arith.constant 8 : i32
    %shift_right_logical3A_476 = vector.broadcast %shift_right_logical3A_475 : i32 to vector<256x128xi32>
    %shift_right_logical3A_477 = arith.shrui %xor3A_470, %shift_right_logical3A_476 : vector<256x128xi32>
    %or3A_478 = arith.ori %shift_left3A_474, %shift_right_logical3A_477 : vector<256x128xi32>
    %xor3A_479 = arith.xori %or3A_478, %add3A_471 : vector<256x128xi32>
    %add3A_480 = arith.constant 42 : i32
    %add3A_481 = vector.broadcast %add3A_480 : i32 to vector<256x128xi32>
    %add3A_482 = arith.addi %add3A_471, %add3A_481 : vector<256x128xi32>
    %add3A_483 = arith.constant 466689012 : i32
    %add3A_484 = vector.broadcast %add3A_483 : i32 to vector<256x128xi32>
    %add3A_485 = arith.addi %xor3A_479, %add3A_484 : vector<256x128xi32>
    %add3A_486 = arith.addi %add3A_482, %add3A_485 : vector<256x128xi32>
    %shift_left3A_487 = arith.constant 13 : i32
    %shift_left3A_488 = vector.broadcast %shift_left3A_487 : i32 to vector<256x128xi32>
    %shift_left3A_489 = arith.shli %add3A_485, %shift_left3A_488 : vector<256x128xi32>
    %shift_right_logical3A_490 = arith.constant 19 : i32
    %shift_right_logical3A_491 = vector.broadcast %shift_right_logical3A_490 : i32 to vector<256x128xi32>
    %shift_right_logical3A_492 = arith.shrui %add3A_485, %shift_right_logical3A_491 : vector<256x128xi32>
    %or3A_493 = arith.ori %shift_left3A_489, %shift_right_logical3A_492 : vector<256x128xi32>
    %xor3A_494 = arith.xori %or3A_493, %add3A_486 : vector<256x128xi32>
    %add3A_495 = arith.addi %add3A_486, %xor3A_494 : vector<256x128xi32>
    %shift_left3A_496 = arith.constant 15 : i32
    %shift_left3A_497 = vector.broadcast %shift_left3A_496 : i32 to vector<256x128xi32>
    %shift_left3A_498 = arith.shli %xor3A_494, %shift_left3A_497 : vector<256x128xi32>
    %shift_right_logical3A_499 = arith.constant 17 : i32
    %shift_right_logical3A_500 = vector.broadcast %shift_right_logical3A_499 : i32 to vector<256x128xi32>
    %shift_right_logical3A_501 = arith.shrui %xor3A_494, %shift_right_logical3A_500 : vector<256x128xi32>
    %or3A_502 = arith.ori %shift_left3A_498, %shift_right_logical3A_501 : vector<256x128xi32>
    %xor3A_503 = arith.xori %or3A_502, %add3A_495 : vector<256x128xi32>
    %add3A_504 = arith.addi %add3A_495, %xor3A_503 : vector<256x128xi32>
    %shift_left3A_505 = arith.constant 26 : i32
    %shift_left3A_506 = vector.broadcast %shift_left3A_505 : i32 to vector<256x128xi32>
    %shift_left3A_507 = arith.shli %xor3A_503, %shift_left3A_506 : vector<256x128xi32>
    %shift_right_logical3A_508 = arith.constant 6 : i32
    %shift_right_logical3A_509 = vector.broadcast %shift_right_logical3A_508 : i32 to vector<256x128xi32>
    %shift_right_logical3A_510 = arith.shrui %xor3A_503, %shift_right_logical3A_509 : vector<256x128xi32>
    %or3A_511 = arith.ori %shift_left3A_507, %shift_right_logical3A_510 : vector<256x128xi32>
    %xor3A_512 = arith.xori %or3A_511, %add3A_504 : vector<256x128xi32>
    %add3A_513 = arith.addi %add3A_504, %xor3A_512 : vector<256x128xi32>
    %shift_left3A_514 = arith.constant 6 : i32
    %shift_left3A_515 = vector.broadcast %shift_left3A_514 : i32 to vector<256x128xi32>
    %shift_left3A_516 = arith.shli %xor3A_512, %shift_left3A_515 : vector<256x128xi32>
    %shift_right_logical3A_517 = arith.constant 26 : i32
    %shift_right_logical3A_518 = vector.broadcast %shift_right_logical3A_517 : i32 to vector<256x128xi32>
    %shift_right_logical3A_519 = arith.shrui %xor3A_512, %shift_right_logical3A_518 : vector<256x128xi32>
    %or3A_520 = arith.ori %shift_left3A_516, %shift_right_logical3A_519 : vector<256x128xi32>
    %xor3A_521 = arith.xori %or3A_520, %add3A_513 : vector<256x128xi32>
    %add3A_522 = arith.constant 466689008 : i32
    %add3A_523 = vector.broadcast %add3A_522 : i32 to vector<256x128xi32>
    %add3A_524 = arith.addi %add3A_513, %add3A_523 : vector<256x128xi32>
    %add3A_525 = arith.constant 5 : i32
    %add3A_526 = vector.broadcast %add3A_525 : i32 to vector<256x128xi32>
    %add3A_527 = arith.addi %xor3A_521, %add3A_526 : vector<256x128xi32>
    %xor3A_528 = arith.xori %add3A_524, %add3A_527 : vector<256x128xi32>
    %shift_right_logical3A_529 = arith.constant 9 : i32
    %shift_right_logical3A_530 = vector.broadcast %shift_right_logical3A_529 : i32 to vector<256x128xi32>
    %shift_right_logical3A_531 = arith.shrui %xor3A_528, %shift_right_logical3A_530 : vector<256x128xi32>
    %or3A_532 = arith.constant 1065353216 : i32
    %or3A_533 = vector.broadcast %or3A_532 : i32 to vector<256x128xi32>
    %or3A_534 = arith.ori %shift_right_logical3A_531, %or3A_533 : vector<256x128xi32>
    %bitcast_convert_type3A_535 = tpu.bitcast %or3A_534 : vector<256x128xi32> -> vector<256x128xf32>
    %sub3A_536 = arith.constant 1.000000e+00 : f32
    %sub3A_537 = vector.broadcast %sub3A_536 : f32 to vector<256x128xf32>
    %sub3A_538 = arith.subf %bitcast_convert_type3A_535, %sub3A_537 : vector<256x128xf32>
    %add3A_539 = arith.constant 1.17549435E-38 : f32
    %add3A_540 = vector.broadcast %add3A_539 : f32 to vector<256x128xf32>
    %add3A_541 = arith.addf %sub3A_538, %add3A_540 : vector<256x128xf32>
    %log3A_542 = math.log %add3A_541 : vector<256x128xf32>
    %neg3A_543 = arith.constant 0.000000e+00 : f32
    %neg3A_544 = vector.broadcast %neg3A_543 : f32 to vector<256x128xf32>
    %neg3A_545 = arith.subf %neg3A_544, %log3A_542 : vector<256x128xf32>
    %mul3A_546 = arith.mulf %neg3A_545, %div3A_35 : vector<256x128xf32>
    %get3A_547 = arith.constant 1 : index
    %get3A_548 = arith.constant 0 : index
    %get3A_549 = arith.constant 0 : index
    %get3A_550 = vector.load %arg6[%get3A_547, %get3A_548, %get3A_549] : memref<8x256x128xf32, #tpu.memory_space<vmem>>, vector<1x256x128xf32>
    %get3A_551 = vector.shape_cast %get3A_550 : vector<1x256x128xf32> to vector<256x128xf32>
    %lt3A_552 = arith.cmpf olt, %mul3A_546, %get3A_551 : vector<256x128xf32>
    %get3A_553 = arith.constant 1 : index
    %get3A_554 = arith.constant 0 : index
    %get3A_555 = arith.constant 0 : index
    %get3A_556 = vector.load %arg7[%get3A_553, %get3A_554, %get3A_555] : memref<8x256x128xi32, #tpu.memory_space<vmem>>, vector<1x256x128xi32>
    %get3A_557 = vector.shape_cast %get3A_556 : vector<1x256x128xi32> to vector<256x128xi32>
    %select_n3A_558 = arith.select %lt3A_552, %add3A_19, %get3A_557 : vector<256x128xi1>, vector<256x128xi32>
    %swap3A_559 = arith.constant 1 : index
    %swap3A_560 = arith.constant 0 : index
    %swap3A_561 = arith.constant 0 : index
    %swap3A_562 = vector.load %arg7[%swap3A_559, %swap3A_560, %swap3A_561] : memref<8x256x128xi32, #tpu.memory_space<vmem>>, vector<1x256x128xi32>
    %swap3A_563 = vector.shape_cast %swap3A_562 : vector<1x256x128xi32> to vector<256x128xi32>
    %swap3A_564 = vector.shape_cast %select_n3A_558 : vector<256x128xi32> to vector<1x256x128xi32>
    tpu.vector_store %arg7[%swap3A_559, %swap3A_560, %swap3A_561], %swap3A_564 {strides = array<i32>} : memref<8x256x128xi32, #tpu.memory_space<vmem>>, vector<1x256x128xi32>,
    %get3A_565 = arith.constant 1 : index
    %get3A_566 = arith.constant 0 : index
    %get3A_567 = arith.constant 0 : index
    %get3A_568 = vector.load %arg8[%get3A_565, %get3A_566, %get3A_567] : memref<8x256x128xf32, #tpu.memory_space<vmem>>, vector<1x256x128xf32>
    %get3A_569 = vector.shape_cast %get3A_568 : vector<1x256x128xf32> to vector<256x128xf32>
    %select_n3A_570 = arith.select %lt3A_552, %neg3A_545, %get3A_569 : vector<256x128xi1>, vector<256x128xf32>
    %swap3A_571 = arith.constant 1 : index
    %swap3A_572 = arith.constant 0 : index
    %swap3A_573 = arith.constant 0 : index
    %swap3A_574 = vector.load %arg8[%swap3A_571, %swap3A_572, %swap3A_573] : memref<8x256x128xf32, #tpu.memory_space<vmem>>, vector<1x256x128xf32>
    %swap3A_575 = vector.shape_cast %swap3A_574 : vector<1x256x128xf32> to vector<256x128xf32>
    %swap3A_576 = vector.shape_cast %select_n3A_570 : vector<256x128xf32> to vector<1x256x128xf32>
    tpu.vector_store %arg8[%swap3A_571, %swap3A_572, %swap3A_573], %swap3A_576 {strides = array<i32>} : memref<8x256x128xf32, #tpu.memory_space<vmem>>, vector<1x256x128xf32>,
    %get3A_577 = arith.constant 1 : index
    %get3A_578 = arith.constant 0 : index
    %get3A_579 = arith.constant 0 : index
    %get3A_580 = vector.load %arg6[%get3A_577, %get3A_578, %get3A_579] : memref<8x256x128xf32, #tpu.memory_space<vmem>>, vector<1x256x128xf32>
    %get3A_581 = vector.shape_cast %get3A_580 : vector<1x256x128xf32> to vector<256x128xf32>
    %select_n3A_582 = arith.select %lt3A_552, %mul3A_546, %get3A_581 : vector<256x128xi1>, vector<256x128xf32>
    %swap3A_583 = arith.constant 1 : index
    %swap3A_584 = arith.constant 0 : index
    %swap3A_585 = arith.constant 0 : index
    %swap3A_586 = vector.load %arg6[%swap3A_583, %swap3A_584, %swap3A_585] : memref<8x256x128xf32, #tpu.memory_space<vmem>>, vector<1x256x128xf32>
    %swap3A_587 = vector.shape_cast %swap3A_586 : vector<1x256x128xf32> to vector<256x128xf32>
    %swap3A_588 = vector.shape_cast %select_n3A_582 : vector<256x128xf32> to vector<1x256x128xf32>
    tpu.vector_store %arg6[%swap3A_583, %swap3A_584, %swap3A_585], %swap3A_588 {strides = array<i32>} : memref<8x256x128xf32, #tpu.memory_space<vmem>>, vector<1x256x128xf32>,
    %add3A_589 = arith.constant 32000000 : i32
    %add3A_590 = arith.addi %mul3A_37, %add3A_589 : i32
    %add3A_591 = vector.broadcast %add3A_590 : i32 to vector<256x128xi32>
    %add3A_592 = arith.addi %add3A_19, %add3A_591 : vector<256x128xi32>
    %broadcast_in_dim3A_593 = arith.constant 0 : i32
    %broadcast_in_dim3A_594 = vector.broadcast %broadcast_in_dim3A_593 : i32 to vector<256x128xi32>
    %add3A_595 = arith.constant 42 : i32
    %add3A_596 = vector.broadcast %add3A_595 : i32 to vector<256x128xi32>
    %add3A_597 = arith.addi %add3A_592, %add3A_596 : vector<256x128xi32>
    %add3A_598 = arith.addi %broadcast_in_dim3A_594, %add3A_597 : vector<256x128xi32>
    %shift_left3A_599 = arith.constant 13 : i32
    %shift_left3A_600 = vector.broadcast %shift_left3A_599 : i32 to vector<256x128xi32>
    %shift_left3A_601 = arith.shli %add3A_597, %shift_left3A_600 : vector<256x128xi32>
    %shift_right_logical3A_602 = arith.constant 19 : i32
    %shift_right_logical3A_603 = vector.broadcast %shift_right_logical3A_602 : i32 to vector<256x128xi32>
    %shift_right_logical3A_604 = arith.shrui %add3A_597, %shift_right_logical3A_603 : vector<256x128xi32>
    %or3A_605 = arith.ori %shift_left3A_601, %shift_right_logical3A_604 : vector<256x128xi32>
    %xor3A_606 = arith.xori %or3A_605, %add3A_598 : vector<256x128xi32>
    %add3A_607 = arith.addi %add3A_598, %xor3A_606 : vector<256x128xi32>
    %shift_left3A_608 = arith.constant 15 : i32
    %shift_left3A_609 = vector.broadcast %shift_left3A_608 : i32 to vector<256x128xi32>
    %shift_left3A_610 = arith.shli %xor3A_606, %shift_left3A_609 : vector<256x128xi32>
    %shift_right_logical3A_611 = arith.constant 17 : i32
    %shift_right_logical3A_612 = vector.broadcast %shift_right_logical3A_611 : i32 to vector<256x128xi32>
    %shift_right_logical3A_613 = arith.shrui %xor3A_606, %shift_right_logical3A_612 : vector<256x128xi32>
    %or3A_614 = arith.ori %shift_left3A_610, %shift_right_logical3A_613 : vector<256x128xi32>
    %xor3A_615 = arith.xori %or3A_614, %add3A_607 : vector<256x128xi32>
    %add3A_616 = arith.addi %add3A_607, %xor3A_615 : vector<256x128xi32>
    %shift_left3A_617 = arith.constant 26 : i32
    %shift_left3A_618 = vector.broadcast %shift_left3A_617 : i32 to vector<256x128xi32>
    %shift_left3A_619 = arith.shli %xor3A_615, %shift_left3A_618 : vector<256x128xi32>
    %shift_right_logical3A_620 = arith.constant 6 : i32
    %shift_right_logical3A_621 = vector.broadcast %shift_right_logical3A_620 : i32 to vector<256x128xi32>
    %shift_right_logical3A_622 = arith.shrui %xor3A_615, %shift_right_logical3A_621 : vector<256x128xi32>
    %or3A_623 = arith.ori %shift_left3A_619, %shift_right_logical3A_622 : vector<256x128xi32>
    %xor3A_624 = arith.xori %or3A_623, %add3A_616 : vector<256x128xi32>
    %add3A_625 = arith.addi %add3A_616, %xor3A_624 : vector<256x128xi32>
    %shift_left3A_626 = arith.constant 6 : i32
    %shift_left3A_627 = vector.broadcast %shift_left3A_626 : i32 to vector<256x128xi32>
    %shift_left3A_628 = arith.shli %xor3A_624, %shift_left3A_627 : vector<256x128xi32>
    %shift_right_logical3A_629 = arith.constant 26 : i32
    %shift_right_logical3A_630 = vector.broadcast %shift_right_logical3A_629 : i32 to vector<256x128xi32>
    %shift_right_logical3A_631 = arith.shrui %xor3A_624, %shift_right_logical3A_630 : vector<256x128xi32>
    %or3A_632 = arith.ori %shift_left3A_628, %shift_right_logical3A_631 : vector<256x128xi32>
    %xor3A_633 = arith.xori %or3A_632, %add3A_625 : vector<256x128xi32>
    %add3A_634 = arith.constant 42 : i32
    %add3A_635 = vector.broadcast %add3A_634 : i32 to vector<256x128xi32>
    %add3A_636 = arith.addi %add3A_625, %add3A_635 : vector<256x128xi32>
    %add3A_637 = arith.constant 466689009 : i32
    %add3A_638 = vector.broadcast %add3A_637 : i32 to vector<256x128xi32>
    %add3A_639 = arith.addi %xor3A_633, %add3A_638 : vector<256x128xi32>
    %add3A_640 = arith.addi %add3A_636, %add3A_639 : vector<256x128xi32>
    %shift_left3A_641 = arith.constant 17 : i32
    %shift_left3A_642 = vector.broadcast %shift_left3A_641 : i32 to vector<256x128xi32>
    %shift_left3A_643 = arith.shli %add3A_639, %shift_left3A_642 : vector<256x128xi32>
    %shift_right_logical3A_644 = arith.constant 15 : i32
    %shift_right_logical3A_645 = vector.broadcast %shift_right_logical3A_644 : i32 to vector<256x128xi32>
    %shift_right_logical3A_646 = arith.shrui %add3A_639, %shift_right_logical3A_645 : vector<256x128xi32>
    %or3A_647 = arith.ori %shift_left3A_643, %shift_right_logical3A_646 : vector<256x128xi32>
    %xor3A_648 = arith.xori %or3A_647, %add3A_640 : vector<256x128xi32>
    %add3A_649 = arith.addi %add3A_640, %xor3A_648 : vector<256x128xi32>
    %shift_left3A_650 = arith.constant 29 : i32
    %shift_left3A_651 = vector.broadcast %shift_left3A_650 : i32 to vector<256x128xi32>
    %shift_left3A_652 = arith.shli %xor3A_648, %shift_left3A_651 : vector<256x128xi32>
    %shift_right_logical3A_653 = arith.constant 3 : i32
    %shift_right_logical3A_654 = vector.broadcast %shift_right_logical3A_653 : i32 to vector<256x128xi32>
    %shift_right_logical3A_655 = arith.shrui %xor3A_648, %shift_right_logical3A_654 : vector<256x128xi32>
    %or3A_656 = arith.ori %shift_left3A_652, %shift_right_logical3A_655 : vector<256x128xi32>
    %xor3A_657 = arith.xori %or3A_656, %add3A_649 : vector<256x128xi32>
    %add3A_658 = arith.addi %add3A_649, %xor3A_657 : vector<256x128xi32>
    %shift_left3A_659 = arith.constant 16 : i32
    %shift_left3A_660 = vector.broadcast %shift_left3A_659 : i32 to vector<256x128xi32>
    %shift_left3A_661 = arith.shli %xor3A_657, %shift_left3A_660 : vector<256x128xi32>
    %shift_right_logical3A_662 = arith.constant 16 : i32
    %shift_right_logical3A_663 = vector.broadcast %shift_right_logical3A_662 : i32 to vector<256x128xi32>
    %shift_right_logical3A_664 = arith.shrui %xor3A_657, %shift_right_logical3A_663 : vector<256x128xi32>
    %or3A_665 = arith.ori %shift_left3A_661, %shift_right_logical3A_664 : vector<256x128xi32>
    %xor3A_666 = arith.xori %or3A_665, %add3A_658 : vector<256x128xi32>
    %add3A_667 = arith.addi %add3A_658, %xor3A_666 : vector<256x128xi32>
    %shift_left3A_668 = arith.constant 24 : i32
    %shift_left3A_669 = vector.broadcast %shift_left3A_668 : i32 to vector<256x128xi32>
    %shift_left3A_670 = arith.shli %xor3A_666, %shift_left3A_669 : vector<256x128xi32>
    %shift_right_logical3A_671 = arith.constant 8 : i32
    %shift_right_logical3A_672 = vector.broadcast %shift_right_logical3A_671 : i32 to vector<256x128xi32>
    %shift_right_logical3A_673 = arith.shrui %xor3A_666, %shift_right_logical3A_672 : vector<256x128xi32>
    %or3A_674 = arith.ori %shift_left3A_670, %shift_right_logical3A_673 : vector<256x128xi32>
    %xor3A_675 = arith.xori %or3A_674, %add3A_667 : vector<256x128xi32>
    %add3A_676 = arith.constant 466689008 : i32
    %add3A_677 = vector.broadcast %add3A_676 : i32 to vector<256x128xi32>
    %add3A_678 = arith.addi %add3A_667, %add3A_677 : vector<256x128xi32>
    %add3A_679 = arith.constant 2 : i32
    %add3A_680 = vector.broadcast %add3A_679 : i32 to vector<256x128xi32>
    %add3A_681 = arith.addi %xor3A_675, %add3A_680 : vector<256x128xi32>
    %add3A_682 = arith.addi %add3A_678, %add3A_681 : vector<256x128xi32>
    %shift_left3A_683 = arith.constant 13 : i32
    %shift_left3A_684 = vector.broadcast %shift_left3A_683 : i32 to vector<256x128xi32>
    %shift_left3A_685 = arith.shli %add3A_681, %shift_left3A_684 : vector<256x128xi32>
    %shift_right_logical3A_686 = arith.constant 19 : i32
    %shift_right_logical3A_687 = vector.broadcast %shift_right_logical3A_686 : i32 to vector<256x128xi32>
    %shift_right_logical3A_688 = arith.shrui %add3A_681, %shift_right_logical3A_687 : vector<256x128xi32>
    %or3A_689 = arith.ori %shift_left3A_685, %shift_right_logical3A_688 : vector<256x128xi32>
    %xor3A_690 = arith.xori %or3A_689, %add3A_682 : vector<256x128xi32>
    %add3A_691 = arith.addi %add3A_682, %xor3A_690 : vector<256x128xi32>
    %shift_left3A_692 = arith.constant 15 : i32
    %shift_left3A_693 = vector.broadcast %shift_left3A_692 : i32 to vector<256x128xi32>
    %shift_left3A_694 = arith.shli %xor3A_690, %shift_left3A_693 : vector<256x128xi32>
    %shift_right_logical3A_695 = arith.constant 17 : i32
    %shift_right_logical3A_696 = vector.broadcast %shift_right_logical3A_695 : i32 to vector<256x128xi32>
    %shift_right_logical3A_697 = arith.shrui %xor3A_690, %shift_right_logical3A_696 : vector<256x128xi32>
    %or3A_698 = arith.ori %shift_left3A_694, %shift_right_logical3A_697 : vector<256x128xi32>
    %xor3A_699 = arith.xori %or3A_698, %add3A_691 : vector<256x128xi32>
    %add3A_700 = arith.addi %add3A_691, %xor3A_699 : vector<256x128xi32>
    %shift_left3A_701 = arith.constant 26 : i32
    %shift_left3A_702 = vector.broadcast %shift_left3A_701 : i32 to vector<256x128xi32>
    %shift_left3A_703 = arith.shli %xor3A_699, %shift_left3A_702 : vector<256x128xi32>
    %shift_right_logical3A_704 = arith.constant 6 : i32
    %shift_right_logical3A_705 = vector.broadcast %shift_right_logical3A_704 : i32 to vector<256x128xi32>
    %shift_right_logical3A_706 = arith.shrui %xor3A_699, %shift_right_logical3A_705 : vector<256x128xi32>
    %or3A_707 = arith.ori %shift_left3A_703, %shift_right_logical3A_706 : vector<256x128xi32>
    %xor3A_708 = arith.xori %or3A_707, %add3A_700 : vector<256x128xi32>
    %add3A_709 = arith.addi %add3A_700, %xor3A_708 : vector<256x128xi32>
    %shift_left3A_710 = arith.constant 6 : i32
    %shift_left3A_711 = vector.broadcast %shift_left3A_710 : i32 to vector<256x128xi32>
    %shift_left3A_712 = arith.shli %xor3A_708, %shift_left3A_711 : vector<256x128xi32>
    %shift_right_logical3A_713 = arith.constant 26 : i32
    %shift_right_logical3A_714 = vector.broadcast %shift_right_logical3A_713 : i32 to vector<256x128xi32>
    %shift_right_logical3A_715 = arith.shrui %xor3A_708, %shift_right_logical3A_714 : vector<256x128xi32>
    %or3A_716 = arith.ori %shift_left3A_712, %shift_right_logical3A_715 : vector<256x128xi32>
    %xor3A_717 = arith.xori %or3A_716, %add3A_709 : vector<256x128xi32>
    %add3A_718 = arith.constant 0 : i32
    %add3A_719 = vector.broadcast %add3A_718 : i32 to vector<256x128xi32>
    %add3A_720 = arith.addi %add3A_709, %add3A_719 : vector<256x128xi32>
    %add3A_721 = arith.constant 45 : i32
    %add3A_722 = vector.broadcast %add3A_721 : i32 to vector<256x128xi32>
    %add3A_723 = arith.addi %xor3A_717, %add3A_722 : vector<256x128xi32>
    %add3A_724 = arith.addi %add3A_720, %add3A_723 : vector<256x128xi32>
    %shift_left3A_725 = arith.constant 17 : i32
    %shift_left3A_726 = vector.broadcast %shift_left3A_725 : i32 to vector<256x128xi32>
    %shift_left3A_727 = arith.shli %add3A_723, %shift_left3A_726 : vector<256x128xi32>
    %shift_right_logical3A_728 = arith.constant 15 : i32
    %shift_right_logical3A_729 = vector.broadcast %shift_right_logical3A_728 : i32 to vector<256x128xi32>
    %shift_right_logical3A_730 = arith.shrui %add3A_723, %shift_right_logical3A_729 : vector<256x128xi32>
    %or3A_731 = arith.ori %shift_left3A_727, %shift_right_logical3A_730 : vector<256x128xi32>
    %xor3A_732 = arith.xori %or3A_731, %add3A_724 : vector<256x128xi32>
    %add3A_733 = arith.addi %add3A_724, %xor3A_732 : vector<256x128xi32>
    %shift_left3A_734 = arith.constant 29 : i32
    %shift_left3A_735 = vector.broadcast %shift_left3A_734 : i32 to vector<256x128xi32>
    %shift_left3A_736 = arith.shli %xor3A_732, %shift_left3A_735 : vector<256x128xi32>
    %shift_right_logical3A_737 = arith.constant 3 : i32
    %shift_right_logical3A_738 = vector.broadcast %shift_right_logical3A_737 : i32 to vector<256x128xi32>
    %shift_right_logical3A_739 = arith.shrui %xor3A_732, %shift_right_logical3A_738 : vector<256x128xi32>
    %or3A_740 = arith.ori %shift_left3A_736, %shift_right_logical3A_739 : vector<256x128xi32>
    %xor3A_741 = arith.xori %or3A_740, %add3A_733 : vector<256x128xi32>
    %add3A_742 = arith.addi %add3A_733, %xor3A_741 : vector<256x128xi32>
    %shift_left3A_743 = arith.constant 16 : i32
    %shift_left3A_744 = vector.broadcast %shift_left3A_743 : i32 to vector<256x128xi32>
    %shift_left3A_745 = arith.shli %xor3A_741, %shift_left3A_744 : vector<256x128xi32>
    %shift_right_logical3A_746 = arith.constant 16 : i32
    %shift_right_logical3A_747 = vector.broadcast %shift_right_logical3A_746 : i32 to vector<256x128xi32>
    %shift_right_logical3A_748 = arith.shrui %xor3A_741, %shift_right_logical3A_747 : vector<256x128xi32>
    %or3A_749 = arith.ori %shift_left3A_745, %shift_right_logical3A_748 : vector<256x128xi32>
    %xor3A_750 = arith.xori %or3A_749, %add3A_742 : vector<256x128xi32>
    %add3A_751 = arith.addi %add3A_742, %xor3A_750 : vector<256x128xi32>
    %shift_left3A_752 = arith.constant 24 : i32
    %shift_left3A_753 = vector.broadcast %shift_left3A_752 : i32 to vector<256x128xi32>
    %shift_left3A_754 = arith.shli %xor3A_750, %shift_left3A_753 : vector<256x128xi32>
    %shift_right_logical3A_755 = arith.constant 8 : i32
    %shift_right_logical3A_756 = vector.broadcast %shift_right_logical3A_755 : i32 to vector<256x128xi32>
    %shift_right_logical3A_757 = arith.shrui %xor3A_750, %shift_right_logical3A_756 : vector<256x128xi32>
    %or3A_758 = arith.ori %shift_left3A_754, %shift_right_logical3A_757 : vector<256x128xi32>
    %xor3A_759 = arith.xori %or3A_758, %add3A_751 : vector<256x128xi32>
    %add3A_760 = arith.constant 42 : i32
    %add3A_761 = vector.broadcast %add3A_760 : i32 to vector<256x128xi32>
    %add3A_762 = arith.addi %add3A_751, %add3A_761 : vector<256x128xi32>
    %add3A_763 = arith.constant 466689012 : i32
    %add3A_764 = vector.broadcast %add3A_763 : i32 to vector<256x128xi32>
    %add3A_765 = arith.addi %xor3A_759, %add3A_764 : vector<256x128xi32>
    %add3A_766 = arith.addi %add3A_762, %add3A_765 : vector<256x128xi32>
    %shift_left3A_767 = arith.constant 13 : i32
    %shift_left3A_768 = vector.broadcast %shift_left3A_767 : i32 to vector<256x128xi32>
    %shift_left3A_769 = arith.shli %add3A_765, %shift_left3A_768 : vector<256x128xi32>
    %shift_right_logical3A_770 = arith.constant 19 : i32
    %shift_right_logical3A_771 = vector.broadcast %shift_right_logical3A_770 : i32 to vector<256x128xi32>
    %shift_right_logical3A_772 = arith.shrui %add3A_765, %shift_right_logical3A_771 : vector<256x128xi32>
    %or3A_773 = arith.ori %shift_left3A_769, %shift_right_logical3A_772 : vector<256x128xi32>
    %xor3A_774 = arith.xori %or3A_773, %add3A_766 : vector<256x128xi32>
    %add3A_775 = arith.addi %add3A_766, %xor3A_774 : vector<256x128xi32>
    %shift_left3A_776 = arith.constant 15 : i32
    %shift_left3A_777 = vector.broadcast %shift_left3A_776 : i32 to vector<256x128xi32>
    %shift_left3A_778 = arith.shli %xor3A_774, %shift_left3A_777 : vector<256x128xi32>
    %shift_right_logical3A_779 = arith.constant 17 : i32
    %shift_right_logical3A_780 = vector.broadcast %shift_right_logical3A_779 : i32 to vector<256x128xi32>
    %shift_right_logical3A_781 = arith.shrui %xor3A_774, %shift_right_logical3A_780 : vector<256x128xi32>
    %or3A_782 = arith.ori %shift_left3A_778, %shift_right_logical3A_781 : vector<256x128xi32>
    %xor3A_783 = arith.xori %or3A_782, %add3A_775 : vector<256x128xi32>
    %add3A_784 = arith.addi %add3A_775, %xor3A_783 : vector<256x128xi32>
    %shift_left3A_785 = arith.constant 26 : i32
    %shift_left3A_786 = vector.broadcast %shift_left3A_785 : i32 to vector<256x128xi32>
    %shift_left3A_787 = arith.shli %xor3A_783, %shift_left3A_786 : vector<256x128xi32>
    %shift_right_logical3A_788 = arith.constant 6 : i32
    %shift_right_logical3A_789 = vector.broadcast %shift_right_logical3A_788 : i32 to vector<256x128xi32>
    %shift_right_logical3A_790 = arith.shrui %xor3A_783, %shift_right_logical3A_789 : vector<256x128xi32>
    %or3A_791 = arith.ori %shift_left3A_787, %shift_right_logical3A_790 : vector<256x128xi32>
    %xor3A_792 = arith.xori %or3A_791, %add3A_784 : vector<256x128xi32>
    %add3A_793 = arith.addi %add3A_784, %xor3A_792 : vector<256x128xi32>
    %shift_left3A_794 = arith.constant 6 : i32
    %shift_left3A_795 = vector.broadcast %shift_left3A_794 : i32 to vector<256x128xi32>
    %shift_left3A_796 = arith.shli %xor3A_792, %shift_left3A_795 : vector<256x128xi32>
    %shift_right_logical3A_797 = arith.constant 26 : i32
    %shift_right_logical3A_798 = vector.broadcast %shift_right_logical3A_797 : i32 to vector<256x128xi32>
    %shift_right_logical3A_799 = arith.shrui %xor3A_792, %shift_right_logical3A_798 : vector<256x128xi32>
    %or3A_800 = arith.ori %shift_left3A_796, %shift_right_logical3A_799 : vector<256x128xi32>
    %xor3A_801 = arith.xori %or3A_800, %add3A_793 : vector<256x128xi32>
    %add3A_802 = arith.constant 466689008 : i32
    %add3A_803 = vector.broadcast %add3A_802 : i32 to vector<256x128xi32>
    %add3A_804 = arith.addi %add3A_793, %add3A_803 : vector<256x128xi32>
    %add3A_805 = arith.constant 5 : i32
    %add3A_806 = vector.broadcast %add3A_805 : i32 to vector<256x128xi32>
    %add3A_807 = arith.addi %xor3A_801, %add3A_806 : vector<256x128xi32>
    %xor3A_808 = arith.xori %add3A_804, %add3A_807 : vector<256x128xi32>
    %shift_right_logical3A_809 = arith.constant 9 : i32
    %shift_right_logical3A_810 = vector.broadcast %shift_right_logical3A_809 : i32 to vector<256x128xi32>
    %shift_right_logical3A_811 = arith.shrui %xor3A_808, %shift_right_logical3A_810 : vector<256x128xi32>
    %or3A_812 = arith.constant 1065353216 : i32
    %or3A_813 = vector.broadcast %or3A_812 : i32 to vector<256x128xi32>
    %or3A_814 = arith.ori %shift_right_logical3A_811, %or3A_813 : vector<256x128xi32>
    %bitcast_convert_type3A_815 = tpu.bitcast %or3A_814 : vector<256x128xi32> -> vector<256x128xf32>
    %sub3A_816 = arith.constant 1.000000e+00 : f32
    %sub3A_817 = vector.broadcast %sub3A_816 : f32 to vector<256x128xf32>
    %sub3A_818 = arith.subf %bitcast_convert_type3A_815, %sub3A_817 : vector<256x128xf32>
    %add3A_819 = arith.constant 1.17549435E-38 : f32
    %add3A_820 = vector.broadcast %add3A_819 : f32 to vector<256x128xf32>
    %add3A_821 = arith.addf %sub3A_818, %add3A_820 : vector<256x128xf32>
    %log3A_822 = math.log %add3A_821 : vector<256x128xf32>
    %neg3A_823 = arith.constant 0.000000e+00 : f32
    %neg3A_824 = vector.broadcast %neg3A_823 : f32 to vector<256x128xf32>
    %neg3A_825 = arith.subf %neg3A_824, %log3A_822 : vector<256x128xf32>
    %mul3A_826 = arith.mulf %neg3A_825, %div3A_35 : vector<256x128xf32>
    %get3A_827 = arith.constant 2 : index
    %get3A_828 = arith.constant 0 : index
    %get3A_829 = arith.constant 0 : index
    %get3A_830 = vector.load %arg6[%get3A_827, %get3A_828, %get3A_829] : memref<8x256x128xf32, #tpu.memory_space<vmem>>, vector<1x256x128xf32>
    %get3A_831 = vector.shape_cast %get3A_830 : vector<1x256x128xf32> to vector<256x128xf32>
    %lt3A_832 = arith.cmpf olt, %mul3A_826, %get3A_831 : vector<256x128xf32>
    %get3A_833 = arith.constant 2 : index
    %get3A_834 = arith.constant 0 : index
    %get3A_835 = arith.constant 0 : index
    %get3A_836 = vector.load %arg7[%get3A_833, %get3A_834, %get3A_835] : memref<8x256x128xi32, #tpu.memory_space<vmem>>, vector<1x256x128xi32>
    %get3A_837 = vector.shape_cast %get3A_836 : vector<1x256x128xi32> to vector<256x128xi32>
    %select_n3A_838 = arith.select %lt3A_832, %add3A_19, %get3A_837 : vector<256x128xi1>, vector<256x128xi32>
    %swap3A_839 = arith.constant 2 : index
    %swap3A_840 = arith.constant 0 : index
    %swap3A_841 = arith.constant 0 : index
    %swap3A_842 = vector.load %arg7[%swap3A_839, %swap3A_840, %swap3A_841] : memref<8x256x128xi32, #tpu.memory_space<vmem>>, vector<1x256x128xi32>
    %swap3A_843 = vector.shape_cast %swap3A_842 : vector<1x256x128xi32> to vector<256x128xi32>
    %swap3A_844 = vector.shape_cast %select_n3A_838 : vector<256x128xi32> to vector<1x256x128xi32>
    tpu.vector_store %arg7[%swap3A_839, %swap3A_840, %swap3A_841], %swap3A_844 {strides = array<i32>} : memref<8x256x128xi32, #tpu.memory_space<vmem>>, vector<1x256x128xi32>,
    %get3A_845 = arith.constant 2 : index
    %get3A_846 = arith.constant 0 : index
    %get3A_847 = arith.constant 0 : index
    %get3A_848 = vector.load %arg8[%get3A_845, %get3A_846, %get3A_847] : memref<8x256x128xf32, #tpu.memory_space<vmem>>, vector<1x256x128xf32>
    %get3A_849 = vector.shape_cast %get3A_848 : vector<1x256x128xf32> to vector<256x128xf32>
    %select_n3A_850 = arith.select %lt3A_832, %neg3A_825, %get3A_849 : vector<256x128xi1>, vector<256x128xf32>
    %swap3A_851 = arith.constant 2 : index
    %swap3A_852 = arith.constant 0 : index
    %swap3A_853 = arith.constant 0 : index
    %swap3A_854 = vector.load %arg8[%swap3A_851, %swap3A_852, %swap3A_853] : memref<8x256x128xf32, #tpu.memory_space<vmem>>, vector<1x256x128xf32>
    %swap3A_855 = vector.shape_cast %swap3A_854 : vector<1x256x128xf32> to vector<256x128xf32>
    %swap3A_856 = vector.shape_cast %select_n3A_850 : vector<256x128xf32> to vector<1x256x128xf32>
    tpu.vector_store %arg8[%swap3A_851, %swap3A_852, %swap3A_853], %swap3A_856 {strides = array<i32>} : memref<8x256x128xf32, #tpu.memory_space<vmem>>, vector<1x256x128xf32>,
    %get3A_857 = arith.constant 2 : index
    %get3A_858 = arith.constant 0 : index
    %get3A_859 = arith.constant 0 : index
    %get3A_860 = vector.load %arg6[%get3A_857, %get3A_858, %get3A_859] : memref<8x256x128xf32, #tpu.memory_space<vmem>>, vector<1x256x128xf32>
    %get3A_861 = vector.shape_cast %get3A_860 : vector<1x256x128xf32> to vector<256x128xf32>
    %select_n3A_862 = arith.select %lt3A_832, %mul3A_826, %get3A_861 : vector<256x128xi1>, vector<256x128xf32>
    %swap3A_863 = arith.constant 2 : index
    %swap3A_864 = arith.constant 0 : index
    %swap3A_865 = arith.constant 0 : index
    %swap3A_866 = vector.load %arg6[%swap3A_863, %swap3A_864, %swap3A_865] : memref<8x256x128xf32, #tpu.memory_space<vmem>>, vector<1x256x128xf32>
    %swap3A_867 = vector.shape_cast %swap3A_866 : vector<1x256x128xf32> to vector<256x128xf32>
    %swap3A_868 = vector.shape_cast %select_n3A_862 : vector<256x128xf32> to vector<1x256x128xf32>
    tpu.vector_store %arg6[%swap3A_863, %swap3A_864, %swap3A_865], %swap3A_868 {strides = array<i32>} : memref<8x256x128xf32, #tpu.memory_space<vmem>>, vector<1x256x128xf32>,
    %add3A_869 = arith.constant 48000000 : i32
    %add3A_870 = arith.addi %mul3A_37, %add3A_869 : i32
    %add3A_871 = vector.broadcast %add3A_870 : i32 to vector<256x128xi32>
    %add3A_872 = arith.addi %add3A_19, %add3A_871 : vector<256x128xi32>
    %broadcast_in_dim3A_873 = arith.constant 0 : i32
    %broadcast_in_dim3A_874 = vector.broadcast %broadcast_in_dim3A_873 : i32 to vector<256x128xi32>
    %add3A_875 = arith.constant 42 : i32
    %add3A_876 = vector.broadcast %add3A_875 : i32 to vector<256x128xi32>
    %add3A_877 = arith.addi %add3A_872, %add3A_876 : vector<256x128xi32>
    %add3A_878 = arith.addi %broadcast_in_dim3A_874, %add3A_877 : vector<256x128xi32>
    %shift_left3A_879 = arith.constant 13 : i32
    %shift_left3A_880 = vector.broadcast %shift_left3A_879 : i32 to vector<256x128xi32>
    %shift_left3A_881 = arith.shli %add3A_877, %shift_left3A_880 : vector<256x128xi32>
    %shift_right_logical3A_882 = arith.constant 19 : i32
    %shift_right_logical3A_883 = vector.broadcast %shift_right_logical3A_882 : i32 to vector<256x128xi32>
    %shift_right_logical3A_884 = arith.shrui %add3A_877, %shift_right_logical3A_883 : vector<256x128xi32>
    %or3A_885 = arith.ori %shift_left3A_881, %shift_right_logical3A_884 : vector<256x128xi32>
    %xor3A_886 = arith.xori %or3A_885, %add3A_878 : vector<256x128xi32>
    %add3A_887 = arith.addi %add3A_878, %xor3A_886 : vector<256x128xi32>
    %shift_left3A_888 = arith.constant 15 : i32
    %shift_left3A_889 = vector.broadcast %shift_left3A_888 : i32 to vector<256x128xi32>
    %shift_left3A_890 = arith.shli %xor3A_886, %shift_left3A_889 : vector<256x128xi32>
    %shift_right_logical3A_891 = arith.constant 17 : i32
    %shift_right_logical3A_892 = vector.broadcast %shift_right_logical3A_891 : i32 to vector<256x128xi32>
    %shift_right_logical3A_893 = arith.shrui %xor3A_886, %shift_right_logical3A_892 : vector<256x128xi32>
    %or3A_894 = arith.ori %shift_left3A_890, %shift_right_logical3A_893 : vector<256x128xi32>
    %xor3A_895 = arith.xori %or3A_894, %add3A_887 : vector<256x128xi32>
    %add3A_896 = arith.addi %add3A_887, %xor3A_895 : vector<256x128xi32>
    %shift_left3A_897 = arith.constant 26 : i32
    %shift_left3A_898 = vector.broadcast %shift_left3A_897 : i32 to vector<256x128xi32>
    %shift_left3A_899 = arith.shli %xor3A_895, %shift_left3A_898 : vector<256x128xi32>
    %shift_right_logical3A_900 = arith.constant 6 : i32
    %shift_right_logical3A_901 = vector.broadcast %shift_right_logical3A_900 : i32 to vector<256x128xi32>
    %shift_right_logical3A_902 = arith.shrui %xor3A_895, %shift_right_logical3A_901 : vector<256x128xi32>
    %or3A_903 = arith.ori %shift_left3A_899, %shift_right_logical3A_902 : vector<256x128xi32>
    %xor3A_904 = arith.xori %or3A_903, %add3A_896 : vector<256x128xi32>
    %add3A_905 = arith.addi %add3A_896, %xor3A_904 : vector<256x128xi32>
    %shift_left3A_906 = arith.constant 6 : i32
    %shift_left3A_907 = vector.broadcast %shift_left3A_906 : i32 to vector<256x128xi32>
    %shift_left3A_908 = arith.shli %xor3A_904, %shift_left3A_907 : vector<256x128xi32>
    %shift_right_logical3A_909 = arith.constant 26 : i32
    %shift_right_logical3A_910 = vector.broadcast %shift_right_logical3A_909 : i32 to vector<256x128xi32>
    %shift_right_logical3A_911 = arith.shrui %xor3A_904, %shift_right_logical3A_910 : vector<256x128xi32>
    %or3A_912 = arith.ori %shift_left3A_908, %shift_right_logical3A_911 : vector<256x128xi32>
    %xor3A_913 = arith.xori %or3A_912, %add3A_905 : vector<256x128xi32>
    %add3A_914 = arith.constant 42 : i32
    %add3A_915 = vector.broadcast %add3A_914 : i32 to vector<256x128xi32>
    %add3A_916 = arith.addi %add3A_905, %add3A_915 : vector<256x128xi32>
    %add3A_917 = arith.constant 466689009 : i32
    %add3A_918 = vector.broadcast %add3A_917 : i32 to vector<256x128xi32>
    %add3A_919 = arith.addi %xor3A_913, %add3A_918 : vector<256x128xi32>
    %add3A_920 = arith.addi %add3A_916, %add3A_919 : vector<256x128xi32>
    %shift_left3A_921 = arith.constant 17 : i32
    %shift_left3A_922 = vector.broadcast %shift_left3A_921 : i32 to vector<256x128xi32>
    %shift_left3A_923 = arith.shli %add3A_919, %shift_left3A_922 : vector<256x128xi32>
    %shift_right_logical3A_924 = arith.constant 15 : i32
    %shift_right_logical3A_925 = vector.broadcast %shift_right_logical3A_924 : i32 to vector<256x128xi32>
    %shift_right_logical3A_926 = arith.shrui %add3A_919, %shift_right_logical3A_925 : vector<256x128xi32>
    %or3A_927 = arith.ori %shift_left3A_923, %shift_right_logical3A_926 : vector<256x128xi32>
    %xor3A_928 = arith.xori %or3A_927, %add3A_920 : vector<256x128xi32>
    %add3A_929 = arith.addi %add3A_920, %xor3A_928 : vector<256x128xi32>
    %shift_left3A_930 = arith.constant 29 : i32
    %shift_left3A_931 = vector.broadcast %shift_left3A_930 : i32 to vector<256x128xi32>
    %shift_left3A_932 = arith.shli %xor3A_928, %shift_left3A_931 : vector<256x128xi32>
    %shift_right_logical3A_933 = arith.constant 3 : i32
    %shift_right_logical3A_934 = vector.broadcast %shift_right_logical3A_933 : i32 to vector<256x128xi32>
    %shift_right_logical3A_935 = arith.shrui %xor3A_928, %shift_right_logical3A_934 : vector<256x128xi32>
    %or3A_936 = arith.ori %shift_left3A_932, %shift_right_logical3A_935 : vector<256x128xi32>
    %xor3A_937 = arith.xori %or3A_936, %add3A_929 : vector<256x128xi32>
    %add3A_938 = arith.addi %add3A_929, %xor3A_937 : vector<256x128xi32>
    %shift_left3A_939 = arith.constant 16 : i32
    %shift_left3A_940 = vector.broadcast %shift_left3A_939 : i32 to vector<256x128xi32>
    %shift_left3A_941 = arith.shli %xor3A_937, %shift_left3A_940 : vector<256x128xi32>
    %shift_right_logical3A_942 = arith.constant 16 : i32
    %shift_right_logical3A_943 = vector.broadcast %shift_right_logical3A_942 : i32 to vector<256x128xi32>
    %shift_right_logical3A_944 = arith.shrui %xor3A_937, %shift_right_logical3A_943 : vector<256x128xi32>
    %or3A_945 = arith.ori %shift_left3A_941, %shift_right_logical3A_944 : vector<256x128xi32>
    %xor3A_946 = arith.xori %or3A_945, %add3A_938 : vector<256x128xi32>
    %add3A_947 = arith.addi %add3A_938, %xor3A_946 : vector<256x128xi32>
    %shift_left3A_948 = arith.constant 24 : i32
    %shift_left3A_949 = vector.broadcast %shift_left3A_948 : i32 to vector<256x128xi32>
    %shift_left3A_950 = arith.shli %xor3A_946, %shift_left3A_949 : vector<256x128xi32>
    %shift_right_logical3A_951 = arith.constant 8 : i32
    %shift_right_logical3A_952 = vector.broadcast %shift_right_logical3A_951 : i32 to vector<256x128xi32>
    %shift_right_logical3A_953 = arith.shrui %xor3A_946, %shift_right_logical3A_952 : vector<256x128xi32>
    %or3A_954 = arith.ori %shift_left3A_950, %shift_right_logical3A_953 : vector<256x128xi32>
    %xor3A_955 = arith.xori %or3A_954, %add3A_947 : vector<256x128xi32>
    %add3A_956 = arith.constant 466689008 : i32
    %add3A_957 = vector.broadcast %add3A_956 : i32 to vector<256x128xi32>
    %add3A_958 = arith.addi %add3A_947, %add3A_957 : vector<256x128xi32>
    %add3A_959 = arith.constant 2 : i32
    %add3A_960 = vector.broadcast %add3A_959 : i32 to vector<256x128xi32>
    %add3A_961 = arith.addi %xor3A_955, %add3A_960 : vector<256x128xi32>
    %add3A_962 = arith.addi %add3A_958, %add3A_961 : vector<256x128xi32>
    %shift_left3A_963 = arith.constant 13 : i32
    %shift_left3A_964 = vector.broadcast %shift_left3A_963 : i32 to vector<256x128xi32>
    %shift_left3A_965 = arith.shli %add3A_961, %shift_left3A_964 : vector<256x128xi32>
    %shift_right_logical3A_966 = arith.constant 19 : i32
    %shift_right_logical3A_967 = vector.broadcast %shift_right_logical3A_966 : i32 to vector<256x128xi32>
    %shift_right_logical3A_968 = arith.shrui %add3A_961, %shift_right_logical3A_967 : vector<256x128xi32>
    %or3A_969 = arith.ori %shift_left3A_965, %shift_right_logical3A_968 : vector<256x128xi32>
    %xor3A_970 = arith.xori %or3A_969, %add3A_962 : vector<256x128xi32>
    %add3A_971 = arith.addi %add3A_962, %xor3A_970 : vector<256x128xi32>
    %shift_left3A_972 = arith.constant 15 : i32
    %shift_left3A_973 = vector.broadcast %shift_left3A_972 : i32 to vector<256x128xi32>
    %shift_left3A_974 = arith.shli %xor3A_970, %shift_left3A_973 : vector<256x128xi32>
    %shift_right_logical3A_975 = arith.constant 17 : i32
    %shift_right_logical3A_976 = vector.broadcast %shift_right_logical3A_975 : i32 to vector<256x128xi32>
    %shift_right_logical3A_977 = arith.shrui %xor3A_970, %shift_right_logical3A_976 : vector<256x128xi32>
    %or3A_978 = arith.ori %shift_left3A_974, %shift_right_logical3A_977 : vector<256x128xi32>
    %xor3A_979 = arith.xori %or3A_978, %add3A_971 : vector<256x128xi32>
    %add3A_980 = arith.addi %add3A_971, %xor3A_979 : vector<256x128xi32>
    %shift_left3A_981 = arith.constant 26 : i32
    %shift_left3A_982 = vector.broadcast %shift_left3A_981 : i32 to vector<256x128xi32>
    %shift_left3A_983 = arith.shli %xor3A_979, %shift_left3A_982 : vector<256x128xi32>
    %shift_right_logical3A_984 = arith.constant 6 : i32
    %shift_right_logical3A_985 = vector.broadcast %shift_right_logical3A_984 : i32 to vector<256x128xi32>
    %shift_right_logical3A_986 = arith.shrui %xor3A_979, %shift_right_logical3A_985 : vector<256x128xi32>
    %or3A_987 = arith.ori %shift_left3A_983, %shift_right_logical3A_986 : vector<256x128xi32>
    %xor3A_988 = arith.xori %or3A_987, %add3A_980 : vector<256x128xi32>
    %add3A_989 = arith.addi %add3A_980, %xor3A_988 : vector<256x128xi32>
    %shift_left3A_990 = arith.constant 6 : i32
    %shift_left3A_991 = vector.broadcast %shift_left3A_990 : i32 to vector<256x128xi32>
    %shift_left3A_992 = arith.shli %xor3A_988, %shift_left3A_991 : vector<256x128xi32>
    %shift_right_logical3A_993 = arith.constant 26 : i32
    %shift_right_logical3A_994 = vector.broadcast %shift_right_logical3A_993 : i32 to vector<256x128xi32>
    %shift_right_logical3A_995 = arith.shrui %xor3A_988, %shift_right_logical3A_994 : vector<256x128xi32>
    %or3A_996 = arith.ori %shift_left3A_992, %shift_right_logical3A_995 : vector<256x128xi32>
    %xor3A_997 = arith.xori %or3A_996, %add3A_989 : vector<256x128xi32>
    %add3A_998 = arith.constant 0 : i32
    %add3A_999 = vector.broadcast %add3A_998 : i32 to vector<256x128xi32>
    %add3A_1000 = arith.addi %add3A_989, %add3A_999 : vector<256x128xi32>
    %add3A_1001 = arith.constant 45 : i32
    %add3A_1002 = vector.broadcast %add3A_1001 : i32 to vector<256x128xi32>
    %add3A_1003 = arith.addi %xor3A_997, %add3A_1002 : vector<256x128xi32>
    %add3A_1004 = arith.addi %add3A_1000, %add3A_1003 : vector<256x128xi32>
    %shift_left3A_1005 = arith.constant 17 : i32
    %shift_left3A_1006 = vector.broadcast %shift_left3A_1005 : i32 to vector<256x128xi32>
    %shift_left3A_1007 = arith.shli %add3A_1003, %shift_left3A_1006 : vector<256x128xi32>
    %shift_right_logical3A_1008 = arith.constant 15 : i32
    %shift_right_logical3A_1009 = vector.broadcast %shift_right_logical3A_1008 : i32 to vector<256x128xi32>
    %shift_right_logical3A_1010 = arith.shrui %add3A_1003, %shift_right_logical3A_1009 : vector<256x128xi32>
    %or3A_1011 = arith.ori %shift_left3A_1007, %shift_right_logical3A_1010 : vector<256x128xi32>
    %xor3A_1012 = arith.xori %or3A_1011, %add3A_1004 : vector<256x128xi32>
    %add3A_1013 = arith.addi %add3A_1004, %xor3A_1012 : vector<256x128xi32>
    %shift_left3A_1014 = arith.constant 29 : i32
    %shift_left3A_1015 = vector.broadcast %shift_left3A_1014 : i32 to vector<256x128xi32>
    %shift_left3A_1016 = arith.shli %xor3A_1012, %shift_left3A_1015 : vector<256x128xi32>
    %shift_right_logical3A_1017 = arith.constant 3 : i32
    %shift_right_logical3A_1018 = vector.broadcast %shift_right_logical3A_1017 : i32 to vector<256x128xi32>
    %shift_right_logical3A_1019 = arith.shrui %xor3A_1012, %shift_right_logical3A_1018 : vector<256x128xi32>
    %or3A_1020 = arith.ori %shift_left3A_1016, %shift_right_logical3A_1019 : vector<256x128xi32>
    %xor3A_1021 = arith.xori %or3A_1020, %add3A_1013 : vector<256x128xi32>
    %add3A_1022 = arith.addi %add3A_1013, %xor3A_1021 : vector<256x128xi32>
    %shift_left3A_1023 = arith.constant 16 : i32
    %shift_left3A_1024 = vector.broadcast %shift_left3A_1023 : i32 to vector<256x128xi32>
    %shift_left3A_1025 = arith.shli %xor3A_1021, %shift_left3A_1024 : vector<256x128xi32>
    %shift_right_logical3A_1026 = arith.constant 16 : i32
    %shift_right_logical3A_1027 = vector.broadcast %shift_right_logical3A_1026 : i32 to vector<256x128xi32>
    %shift_right_logical3A_1028 = arith.shrui %xor3A_1021, %shift_right_logical3A_1027 : vector<256x128xi32>
    %or3A_1029 = arith.ori %shift_left3A_1025, %shift_right_logical3A_1028 : vector<256x128xi32>
    %xor3A_1030 = arith.xori %or3A_1029, %add3A_1022 : vector<256x128xi32>
    %add3A_1031 = arith.addi %add3A_1022, %xor3A_1030 : vector<256x128xi32>
    %shift_left3A_1032 = arith.constant 24 : i32
    %shift_left3A_1033 = vector.broadcast %shift_left3A_1032 : i32 to vector<256x128xi32>
    %shift_left3A_1034 = arith.shli %xor3A_1030, %shift_left3A_1033 : vector<256x128xi32>
    %shift_right_logical3A_1035 = arith.constant 8 : i32
    %shift_right_logical3A_1036 = vector.broadcast %shift_right_logical3A_1035 : i32 to vector<256x128xi32>
    %shift_right_logical3A_1037 = arith.shrui %xor3A_1030, %shift_right_logical3A_1036 : vector<256x128xi32>
    %or3A_1038 = arith.ori %shift_left3A_1034, %shift_right_logical3A_1037 : vector<256x128xi32>
    %xor3A_1039 = arith.xori %or3A_1038, %add3A_1031 : vector<256x128xi32>
    %add3A_1040 = arith.constant 42 : i32
    %add3A_1041 = vector.broadcast %add3A_1040 : i32 to vector<256x128xi32>
    %add3A_1042 = arith.addi %add3A_1031, %add3A_1041 : vector<256x128xi32>
    %add3A_1043 = arith.constant 466689012 : i32
    %add3A_1044 = vector.broadcast %add3A_1043 : i32 to vector<256x128xi32>
    %add3A_1045 = arith.addi %xor3A_1039, %add3A_1044 : vector<256x128xi32>
    %add3A_1046 = arith.addi %add3A_1042, %add3A_1045 : vector<256x128xi32>
    %shift_left3A_1047 = arith.constant 13 : i32
    %shift_left3A_1048 = vector.broadcast %shift_left3A_1047 : i32 to vector<256x128xi32>
    %shift_left3A_1049 = arith.shli %add3A_1045, %shift_left3A_1048 : vector<256x128xi32>
    %shift_right_logical3A_1050 = arith.constant 19 : i32
    %shift_right_logical3A_1051 = vector.broadcast %shift_right_logical3A_1050 : i32 to vector<256x128xi32>
    %shift_right_logical3A_1052 = arith.shrui %add3A_1045, %shift_right_logical3A_1051 : vector<256x128xi32>
    %or3A_1053 = arith.ori %shift_left3A_1049, %shift_right_logical3A_1052 : vector<256x128xi32>
    %xor3A_1054 = arith.xori %or3A_1053, %add3A_1046 : vector<256x128xi32>
    %add3A_1055 = arith.addi %add3A_1046, %xor3A_1054 : vector<256x128xi32>
    %shift_left3A_1056 = arith.constant 15 : i32
    %shift_left3A_1057 = vector.broadcast %shift_left3A_1056 : i32 to vector<256x128xi32>
    %shift_left3A_1058 = arith.shli %xor3A_1054, %shift_left3A_1057 : vector<256x128xi32>
    %shift_right_logical3A_1059 = arith.constant 17 : i32
    %shift_right_logical3A_1060 = vector.broadcast %shift_right_logical3A_1059 : i32 to vector<256x128xi32>
    %shift_right_logical3A_1061 = arith.shrui %xor3A_1054, %shift_right_logical3A_1060 : vector<256x128xi32>
    %or3A_1062 = arith.ori %shift_left3A_1058, %shift_right_logical3A_1061 : vector<256x128xi32>
    %xor3A_1063 = arith.xori %or3A_1062, %add3A_1055 : vector<256x128xi32>
    %add3A_1064 = arith.addi %add3A_1055, %xor3A_1063 : vector<256x128xi32>
    %shift_left3A_1065 = arith.constant 26 : i32
    %shift_left3A_1066 = vector.broadcast %shift_left3A_1065 : i32 to vector<256x128xi32>
    %shift_left3A_1067 = arith.shli %xor3A_1063, %shift_left3A_1066 : vector<256x128xi32>
    %shift_right_logical3A_1068 = arith.constant 6 : i32
    %shift_right_logical3A_1069 = vector.broadcast %shift_right_logical3A_1068 : i32 to vector<256x128xi32>
    %shift_right_logical3A_1070 = arith.shrui %xor3A_1063, %shift_right_logical3A_1069 : vector<256x128xi32>
    %or3A_1071 = arith.ori %shift_left3A_1067, %shift_right_logical3A_1070 : vector<256x128xi32>
    %xor3A_1072 = arith.xori %or3A_1071, %add3A_1064 : vector<256x128xi32>
    %add3A_1073 = arith.addi %add3A_1064, %xor3A_1072 : vector<256x128xi32>
    %shift_left3A_1074 = arith.constant 6 : i32
    %shift_left3A_1075 = vector.broadcast %shift_left3A_1074 : i32 to vector<256x128xi32>
    %shift_left3A_1076 = arith.shli %xor3A_1072, %shift_left3A_1075 : vector<256x128xi32>
    %shift_right_logical3A_1077 = arith.constant 26 : i32
    %shift_right_logical3A_1078 = vector.broadcast %shift_right_logical3A_1077 : i32 to vector<256x128xi32>
    %shift_right_logical3A_1079 = arith.shrui %xor3A_1072, %shift_right_logical3A_1078 : vector<256x128xi32>
    %or3A_1080 = arith.ori %shift_left3A_1076, %shift_right_logical3A_1079 : vector<256x128xi32>
    %xor3A_1081 = arith.xori %or3A_1080, %add3A_1073 : vector<256x128xi32>
    %add3A_1082 = arith.constant 466689008 : i32
    %add3A_1083 = vector.broadcast %add3A_1082 : i32 to vector<256x128xi32>
    %add3A_1084 = arith.addi %add3A_1073, %add3A_1083 : vector<256x128xi32>
    %add3A_1085 = arith.constant 5 : i32
    %add3A_1086 = vector.broadcast %add3A_1085 : i32 to vector<256x128xi32>
    %add3A_1087 = arith.addi %xor3A_1081, %add3A_1086 : vector<256x128xi32>
    %xor3A_1088 = arith.xori %add3A_1084, %add3A_1087 : vector<256x128xi32>
    %shift_right_logical3A_1089 = arith.constant 9 : i32
    %shift_right_logical3A_1090 = vector.broadcast %shift_right_logical3A_1089 : i32 to vector<256x128xi32>
    %shift_right_logical3A_1091 = arith.shrui %xor3A_1088, %shift_right_logical3A_1090 : vector<256x128xi32>
    %or3A_1092 = arith.constant 1065353216 : i32
    %or3A_1093 = vector.broadcast %or3A_1092 : i32 to vector<256x128xi32>
    %or3A_1094 = arith.ori %shift_right_logical3A_1091, %or3A_1093 : vector<256x128xi32>
    %bitcast_convert_type3A_1095 = tpu.bitcast %or3A_1094 : vector<256x128xi32> -> vector<256x128xf32>
    %sub3A_1096 = arith.constant 1.000000e+00 : f32
    %sub3A_1097 = vector.broadcast %sub3A_1096 : f32 to vector<256x128xf32>
    %sub3A_1098 = arith.subf %bitcast_convert_type3A_1095, %sub3A_1097 : vector<256x128xf32>
    %add3A_1099 = arith.constant 1.17549435E-38 : f32
    %add3A_1100 = vector.broadcast %add3A_1099 : f32 to vector<256x128xf32>
    %add3A_1101 = arith.addf %sub3A_1098, %add3A_1100 : vector<256x128xf32>
    %log3A_1102 = math.log %add3A_1101 : vector<256x128xf32>
    %neg3A_1103 = arith.constant 0.000000e+00 : f32
    %neg3A_1104 = vector.broadcast %neg3A_1103 : f32 to vector<256x128xf32>
    %neg3A_1105 = arith.subf %neg3A_1104, %log3A_1102 : vector<256x128xf32>
    %mul3A_1106 = arith.mulf %neg3A_1105, %div3A_35 : vector<256x128xf32>
    %get3A_1107 = arith.constant 3 : index
    %get3A_1108 = arith.constant 0 : index
    %get3A_1109 = arith.constant 0 : index
    %get3A_1110 = vector.load %arg6[%get3A_1107, %get3A_1108, %get3A_1109] : memref<8x256x128xf32, #tpu.memory_space<vmem>>, vector<1x256x128xf32>
    %get3A_1111 = vector.shape_cast %get3A_1110 : vector<1x256x128xf32> to vector<256x128xf32>
    %lt3A_1112 = arith.cmpf olt, %mul3A_1106, %get3A_1111 : vector<256x128xf32>
    %get3A_1113 = arith.constant 3 : index
    %get3A_1114 = arith.constant 0 : index
    %get3A_1115 = arith.constant 0 : index
    %get3A_1116 = vector.load %arg7[%get3A_1113, %get3A_1114, %get3A_1115] : memref<8x256x128xi32, #tpu.memory_space<vmem>>, vector<1x256x128xi32>
    %get3A_1117 = vector.shape_cast %get3A_1116 : vector<1x256x128xi32> to vector<256x128xi32>
    %select_n3A_1118 = arith.select %lt3A_1112, %add3A_19, %get3A_1117 : vector<256x128xi1>, vector<256x128xi32>
    %swap3A_1119 = arith.constant 3 : index
    %swap3A_1120 = arith.constant 0 : index
    %swap3A_1121 = arith.constant 0 : index
    %swap3A_1122 = vector.load %arg7[%swap3A_1119, %swap3A_1120, %swap3A_1121] : memref<8x256x128xi32, #tpu.memory_space<vmem>>, vector<1x256x128xi32>
    %swap3A_1123 = vector.shape_cast %swap3A_1122 : vector<1x256x128xi32> to vector<256x128xi32>
    %swap3A_1124 = vector.shape_cast %select_n3A_1118 : vector<256x128xi32> to vector<1x256x128xi32>
    tpu.vector_store %arg7[%swap3A_1119, %swap3A_1120, %swap3A_1121], %swap3A_1124 {strides = array<i32>} : memref<8x256x128xi32, #tpu.memory_space<vmem>>, vector<1x256x128xi32>,
    %get3A_1125 = arith.constant 3 : index
    %get3A_1126 = arith.constant 0 : index
    %get3A_1127 = arith.constant 0 : index
    %get3A_1128 = vector.load %arg8[%get3A_1125, %get3A_1126, %get3A_1127] : memref<8x256x128xf32, #tpu.memory_space<vmem>>, vector<1x256x128xf32>
    %get3A_1129 = vector.shape_cast %get3A_1128 : vector<1x256x128xf32> to vector<256x128xf32>
    %select_n3A_1130 = arith.select %lt3A_1112, %neg3A_1105, %get3A_1129 : vector<256x128xi1>, vector<256x128xf32>
    %swap3A_1131 = arith.constant 3 : index
    %swap3A_1132 = arith.constant 0 : index
    %swap3A_1133 = arith.constant 0 : index
    %swap3A_1134 = vector.load %arg8[%swap3A_1131, %swap3A_1132, %swap3A_1133] : memref<8x256x128xf32, #tpu.memory_space<vmem>>, vector<1x256x128xf32>
    %swap3A_1135 = vector.shape_cast %swap3A_1134 : vector<1x256x128xf32> to vector<256x128xf32>
    %swap3A_1136 = vector.shape_cast %select_n3A_1130 : vector<256x128xf32> to vector<1x256x128xf32>
    tpu.vector_store %arg8[%swap3A_1131, %swap3A_1132, %swap3A_1133], %swap3A_1136 {strides = array<i32>} : memref<8x256x128xf32, #tpu.memory_space<vmem>>, vector<1x256x128xf32>,
    %get3A_1137 = arith.constant 3 : index
    %get3A_1138 = arith.constant 0 : index
    %get3A_1139 = arith.constant 0 : index
    %get3A_1140 = vector.load %arg6[%get3A_1137, %get3A_1138, %get3A_1139] : memref<8x256x128xf32, #tpu.memory_space<vmem>>, vector<1x256x128xf32>
    %get3A_1141 = vector.shape_cast %get3A_1140 : vector<1x256x128xf32> to vector<256x128xf32>
    %select_n3A_1142 = arith.select %lt3A_1112, %mul3A_1106, %get3A_1141 : vector<256x128xi1>, vector<256x128xf32>
    %swap3A_1143 = arith.constant 3 : index
    %swap3A_1144 = arith.constant 0 : index
    %swap3A_1145 = arith.constant 0 : index
    %swap3A_1146 = vector.load %arg6[%swap3A_1143, %swap3A_1144, %swap3A_1145] : memref<8x256x128xf32, #tpu.memory_space<vmem>>, vector<1x256x128xf32>
    %swap3A_1147 = vector.shape_cast %swap3A_1146 : vector<1x256x128xf32> to vector<256x128xf32>
    %swap3A_1148 = vector.shape_cast %select_n3A_1142 : vector<256x128xf32> to vector<1x256x128xf32>
    tpu.vector_store %arg6[%swap3A_1143, %swap3A_1144, %swap3A_1145], %swap3A_1148 {strides = array<i32>} : memref<8x256x128xf32, #tpu.memory_space<vmem>>, vector<1x256x128xf32>,
    %add3A_1149 = arith.constant 64000000 : i32
    %add3A_1150 = arith.addi %mul3A_37, %add3A_1149 : i32
    %add3A_1151 = vector.broadcast %add3A_1150 : i32 to vector<256x128xi32>
    %add3A_1152 = arith.addi %add3A_19, %add3A_1151 : vector<256x128xi32>
    %broadcast_in_dim3A_1153 = arith.constant 0 : i32
    %broadcast_in_dim3A_1154 = vector.broadcast %broadcast_in_dim3A_1153 : i32 to vector<256x128xi32>
    %add3A_1155 = arith.constant 42 : i32
    %add3A_1156 = vector.broadcast %add3A_1155 : i32 to vector<256x128xi32>
    %add3A_1157 = arith.addi %add3A_1152, %add3A_1156 : vector<256x128xi32>
    %add3A_1158 = arith.addi %broadcast_in_dim3A_1154, %add3A_1157 : vector<256x128xi32>
    %shift_left3A_1159 = arith.constant 13 : i32
    %shift_left3A_1160 = vector.broadcast %shift_left3A_1159 : i32 to vector<256x128xi32>
    %shift_left3A_1161 = arith.shli %add3A_1157, %shift_left3A_1160 : vector<256x128xi32>
    %shift_right_logical3A_1162 = arith.constant 19 : i32
    %shift_right_logical3A_1163 = vector.broadcast %shift_right_logical3A_1162 : i32 to vector<256x128xi32>
    %shift_right_logical3A_1164 = arith.shrui %add3A_1157, %shift_right_logical3A_1163 : vector<256x128xi32>
    %or3A_1165 = arith.ori %shift_left3A_1161, %shift_right_logical3A_1164 : vector<256x128xi32>
    %xor3A_1166 = arith.xori %or3A_1165, %add3A_1158 : vector<256x128xi32>
    %add3A_1167 = arith.addi %add3A_1158, %xor3A_1166 : vector<256x128xi32>
    %shift_left3A_1168 = arith.constant 15 : i32
    %shift_left3A_1169 = vector.broadcast %shift_left3A_1168 : i32 to vector<256x128xi32>
    %shift_left3A_1170 = arith.shli %xor3A_1166, %shift_left3A_1169 : vector<256x128xi32>
    %shift_right_logical3A_1171 = arith.constant 17 : i32
    %shift_right_logical3A_1172 = vector.broadcast %shift_right_logical3A_1171 : i32 to vector<256x128xi32>
    %shift_right_logical3A_1173 = arith.shrui %xor3A_1166, %shift_right_logical3A_1172 : vector<256x128xi32>
    %or3A_1174 = arith.ori %shift_left3A_1170, %shift_right_logical3A_1173 : vector<256x128xi32>
    %xor3A_1175 = arith.xori %or3A_1174, %add3A_1167 : vector<256x128xi32>
    %add3A_1176 = arith.addi %add3A_1167, %xor3A_1175 : vector<256x128xi32>
    %shift_left3A_1177 = arith.constant 26 : i32
    %shift_left3A_1178 = vector.broadcast %shift_left3A_1177 : i32 to vector<256x128xi32>
    %shift_left3A_1179 = arith.shli %xor3A_1175, %shift_left3A_1178 : vector<256x128xi32>
    %shift_right_logical3A_1180 = arith.constant 6 : i32
    %shift_right_logical3A_1181 = vector.broadcast %shift_right_logical3A_1180 : i32 to vector<256x128xi32>
    %shift_right_logical3A_1182 = arith.shrui %xor3A_1175, %shift_right_logical3A_1181 : vector<256x128xi32>
    %or3A_1183 = arith.ori %shift_left3A_1179, %shift_right_logical3A_1182 : vector<256x128xi32>
    %xor3A_1184 = arith.xori %or3A_1183, %add3A_1176 : vector<256x128xi32>
    %add3A_1185 = arith.addi %add3A_1176, %xor3A_1184 : vector<256x128xi32>
    %shift_left3A_1186 = arith.constant 6 : i32
    %shift_left3A_1187 = vector.broadcast %shift_left3A_1186 : i32 to vector<256x128xi32>
    %shift_left3A_1188 = arith.shli %xor3A_1184, %shift_left3A_1187 : vector<256x128xi32>
    %shift_right_logical3A_1189 = arith.constant 26 : i32
    %shift_right_logical3A_1190 = vector.broadcast %shift_right_logical3A_1189 : i32 to vector<256x128xi32>
    %shift_right_logical3A_1191 = arith.shrui %xor3A_1184, %shift_right_logical3A_1190 : vector<256x128xi32>
    %or3A_1192 = arith.ori %shift_left3A_1188, %shift_right_logical3A_1191 : vector<256x128xi32>
    %xor3A_1193 = arith.xori %or3A_1192, %add3A_1185 : vector<256x128xi32>
    %add3A_1194 = arith.constant 42 : i32
    %add3A_1195 = vector.broadcast %add3A_1194 : i32 to vector<256x128xi32>
    %add3A_1196 = arith.addi %add3A_1185, %add3A_1195 : vector<256x128xi32>
    %add3A_1197 = arith.constant 466689009 : i32
    %add3A_1198 = vector.broadcast %add3A_1197 : i32 to vector<256x128xi32>
    %add3A_1199 = arith.addi %xor3A_1193, %add3A_1198 : vector<256x128xi32>
    %add3A_1200 = arith.addi %add3A_1196, %add3A_1199 : vector<256x128xi32>
    %shift_left3A_1201 = arith.constant 17 : i32
    %shift_left3A_1202 = vector.broadcast %shift_left3A_1201 : i32 to vector<256x128xi32>
    %shift_left3A_1203 = arith.shli %add3A_1199, %shift_left3A_1202 : vector<256x128xi32>
    %shift_right_logical3A_1204 = arith.constant 15 : i32
    %shift_right_logical3A_1205 = vector.broadcast %shift_right_logical3A_1204 : i32 to vector<256x128xi32>
    %shift_right_logical3A_1206 = arith.shrui %add3A_1199, %shift_right_logical3A_1205 : vector<256x128xi32>
    %or3A_1207 = arith.ori %shift_left3A_1203, %shift_right_logical3A_1206 : vector<256x128xi32>
    %xor3A_1208 = arith.xori %or3A_1207, %add3A_1200 : vector<256x128xi32>
    %add3A_1209 = arith.addi %add3A_1200, %xor3A_1208 : vector<256x128xi32>
    %shift_left3A_1210 = arith.constant 29 : i32
    %shift_left3A_1211 = vector.broadcast %shift_left3A_1210 : i32 to vector<256x128xi32>
    %shift_left3A_1212 = arith.shli %xor3A_1208, %shift_left3A_1211 : vector<256x128xi32>
    %shift_right_logical3A_1213 = arith.constant 3 : i32
    %shift_right_logical3A_1214 = vector.broadcast %shift_right_logical3A_1213 : i32 to vector<256x128xi32>
    %shift_right_logical3A_1215 = arith.shrui %xor3A_1208, %shift_right_logical3A_1214 : vector<256x128xi32>
    %or3A_1216 = arith.ori %shift_left3A_1212, %shift_right_logical3A_1215 : vector<256x128xi32>
    %xor3A_1217 = arith.xori %or3A_1216, %add3A_1209 : vector<256x128xi32>
    %add3A_1218 = arith.addi %add3A_1209, %xor3A_1217 : vector<256x128xi32>
    %shift_left3A_1219 = arith.constant 16 : i32
    %shift_left3A_1220 = vector.broadcast %shift_left3A_1219 : i32 to vector<256x128xi32>
    %shift_left3A_1221 = arith.shli %xor3A_1217, %shift_left3A_1220 : vector<256x128xi32>
    %shift_right_logical3A_1222 = arith.constant 16 : i32
    %shift_right_logical3A_1223 = vector.broadcast %shift_right_logical3A_1222 : i32 to vector<256x128xi32>
    %shift_right_logical3A_1224 = arith.shrui %xor3A_1217, %shift_right_logical3A_1223 : vector<256x128xi32>
    %or3A_1225 = arith.ori %shift_left3A_1221, %shift_right_logical3A_1224 : vector<256x128xi32>
    %xor3A_1226 = arith.xori %or3A_1225, %add3A_1218 : vector<256x128xi32>
    %add3A_1227 = arith.addi %add3A_1218, %xor3A_1226 : vector<256x128xi32>
    %shift_left3A_1228 = arith.constant 24 : i32
    %shift_left3A_1229 = vector.broadcast %shift_left3A_1228 : i32 to vector<256x128xi32>
    %shift_left3A_1230 = arith.shli %xor3A_1226, %shift_left3A_1229 : vector<256x128xi32>
    %shift_right_logical3A_1231 = arith.constant 8 : i32
    %shift_right_logical3A_1232 = vector.broadcast %shift_right_logical3A_1231 : i32 to vector<256x128xi32>
    %shift_right_logical3A_1233 = arith.shrui %xor3A_1226, %shift_right_logical3A_1232 : vector<256x128xi32>
    %or3A_1234 = arith.ori %shift_left3A_1230, %shift_right_logical3A_1233 : vector<256x128xi32>
    %xor3A_1235 = arith.xori %or3A_1234, %add3A_1227 : vector<256x128xi32>
    %add3A_1236 = arith.constant 466689008 : i32
    %add3A_1237 = vector.broadcast %add3A_1236 : i32 to vector<256x128xi32>
    %add3A_1238 = arith.addi %add3A_1227, %add3A_1237 : vector<256x128xi32>
    %add3A_1239 = arith.constant 2 : i32
    %add3A_1240 = vector.broadcast %add3A_1239 : i32 to vector<256x128xi32>
    %add3A_1241 = arith.addi %xor3A_1235, %add3A_1240 : vector<256x128xi32>
    %add3A_1242 = arith.addi %add3A_1238, %add3A_1241 : vector<256x128xi32>
    %shift_left3A_1243 = arith.constant 13 : i32
    %shift_left3A_1244 = vector.broadcast %shift_left3A_1243 : i32 to vector<256x128xi32>
    %shift_left3A_1245 = arith.shli %add3A_1241, %shift_left3A_1244 : vector<256x128xi32>
    %shift_right_logical3A_1246 = arith.constant 19 : i32
    %shift_right_logical3A_1247 = vector.broadcast %shift_right_logical3A_1246 : i32 to vector<256x128xi32>
    %shift_right_logical3A_1248 = arith.shrui %add3A_1241, %shift_right_logical3A_1247 : vector<256x128xi32>
    %or3A_1249 = arith.ori %shift_left3A_1245, %shift_right_logical3A_1248 : vector<256x128xi32>
    %xor3A_1250 = arith.xori %or3A_1249, %add3A_1242 : vector<256x128xi32>
    %add3A_1251 = arith.addi %add3A_1242, %xor3A_1250 : vector<256x128xi32>
    %shift_left3A_1252 = arith.constant 15 : i32
    %shift_left3A_1253 = vector.broadcast %shift_left3A_1252 : i32 to vector<256x128xi32>
    %shift_left3A_1254 = arith.shli %xor3A_1250, %shift_left3A_1253 : vector<256x128xi32>
    %shift_right_logical3A_1255 = arith.constant 17 : i32
    %shift_right_logical3A_1256 = vector.broadcast %shift_right_logical3A_1255 : i32 to vector<256x128xi32>
    %shift_right_logical3A_1257 = arith.shrui %xor3A_1250, %shift_right_logical3A_1256 : vector<256x128xi32>
    %or3A_1258 = arith.ori %shift_left3A_1254, %shift_right_logical3A_1257 : vector<256x128xi32>
    %xor3A_1259 = arith.xori %or3A_1258, %add3A_1251 : vector<256x128xi32>
    %add3A_1260 = arith.addi %add3A_1251, %xor3A_1259 : vector<256x128xi32>
    %shift_left3A_1261 = arith.constant 26 : i32
    %shift_left3A_1262 = vector.broadcast %shift_left3A_1261 : i32 to vector<256x128xi32>
    %shift_left3A_1263 = arith.shli %xor3A_1259, %shift_left3A_1262 : vector<256x128xi32>
    %shift_right_logical3A_1264 = arith.constant 6 : i32
    %shift_right_logical3A_1265 = vector.broadcast %shift_right_logical3A_1264 : i32 to vector<256x128xi32>
    %shift_right_logical3A_1266 = arith.shrui %xor3A_1259, %shift_right_logical3A_1265 : vector<256x128xi32>
    %or3A_1267 = arith.ori %shift_left3A_1263, %shift_right_logical3A_1266 : vector<256x128xi32>
    %xor3A_1268 = arith.xori %or3A_1267, %add3A_1260 : vector<256x128xi32>
    %add3A_1269 = arith.addi %add3A_1260, %xor3A_1268 : vector<256x128xi32>
    %shift_left3A_1270 = arith.constant 6 : i32
    %shift_left3A_1271 = vector.broadcast %shift_left3A_1270 : i32 to vector<256x128xi32>
    %shift_left3A_1272 = arith.shli %xor3A_1268, %shift_left3A_1271 : vector<256x128xi32>
    %shift_right_logical3A_1273 = arith.constant 26 : i32
    %shift_right_logical3A_1274 = vector.broadcast %shift_right_logical3A_1273 : i32 to vector<256x128xi32>
    %shift_right_logical3A_1275 = arith.shrui %xor3A_1268, %shift_right_logical3A_1274 : vector<256x128xi32>
    %or3A_1276 = arith.ori %shift_left3A_1272, %shift_right_logical3A_1275 : vector<256x128xi32>
    %xor3A_1277 = arith.xori %or3A_1276, %add3A_1269 : vector<256x128xi32>
    %add3A_1278 = arith.constant 0 : i32
    %add3A_1279 = vector.broadcast %add3A_1278 : i32 to vector<256x128xi32>
    %add3A_1280 = arith.addi %add3A_1269, %add3A_1279 : vector<256x128xi32>
    %add3A_1281 = arith.constant 45 : i32
    %add3A_1282 = vector.broadcast %add3A_1281 : i32 to vector<256x128xi32>
    %add3A_1283 = arith.addi %xor3A_1277, %add3A_1282 : vector<256x128xi32>
    %add3A_1284 = arith.addi %add3A_1280, %add3A_1283 : vector<256x128xi32>
    %shift_left3A_1285 = arith.constant 17 : i32
    %shift_left3A_1286 = vector.broadcast %shift_left3A_1285 : i32 to vector<256x128xi32>
    %shift_left3A_1287 = arith.shli %add3A_1283, %shift_left3A_1286 : vector<256x128xi32>
    %shift_right_logical3A_1288 = arith.constant 15 : i32
    %shift_right_logical3A_1289 = vector.broadcast %shift_right_logical3A_1288 : i32 to vector<256x128xi32>
    %shift_right_logical3A_1290 = arith.shrui %add3A_1283, %shift_right_logical3A_1289 : vector<256x128xi32>
    %or3A_1291 = arith.ori %shift_left3A_1287, %shift_right_logical3A_1290 : vector<256x128xi32>
    %xor3A_1292 = arith.xori %or3A_1291, %add3A_1284 : vector<256x128xi32>
    %add3A_1293 = arith.addi %add3A_1284, %xor3A_1292 : vector<256x128xi32>
    %shift_left3A_1294 = arith.constant 29 : i32
    %shift_left3A_1295 = vector.broadcast %shift_left3A_1294 : i32 to vector<256x128xi32>
    %shift_left3A_1296 = arith.shli %xor3A_1292, %shift_left3A_1295 : vector<256x128xi32>
    %shift_right_logical3A_1297 = arith.constant 3 : i32
    %shift_right_logical3A_1298 = vector.broadcast %shift_right_logical3A_1297 : i32 to vector<256x128xi32>
    %shift_right_logical3A_1299 = arith.shrui %xor3A_1292, %shift_right_logical3A_1298 : vector<256x128xi32>
    %or3A_1300 = arith.ori %shift_left3A_1296, %shift_right_logical3A_1299 : vector<256x128xi32>
    %xor3A_1301 = arith.xori %or3A_1300, %add3A_1293 : vector<256x128xi32>
    %add3A_1302 = arith.addi %add3A_1293, %xor3A_1301 : vector<256x128xi32>
    %shift_left3A_1303 = arith.constant 16 : i32
    %shift_left3A_1304 = vector.broadcast %shift_left3A_1303 : i32 to vector<256x128xi32>
    %shift_left3A_1305 = arith.shli %xor3A_1301, %shift_left3A_1304 : vector<256x128xi32>
    %shift_right_logical3A_1306 = arith.constant 16 : i32
    %shift_right_logical3A_1307 = vector.broadcast %shift_right_logical3A_1306 : i32 to vector<256x128xi32>
    %shift_right_logical3A_1308 = arith.shrui %xor3A_1301, %shift_right_logical3A_1307 : vector<256x128xi32>
    %or3A_1309 = arith.ori %shift_left3A_1305, %shift_right_logical3A_1308 : vector<256x128xi32>
    %xor3A_1310 = arith.xori %or3A_1309, %add3A_1302 : vector<256x128xi32>
    %add3A_1311 = arith.addi %add3A_1302, %xor3A_1310 : vector<256x128xi32>
    %shift_left3A_1312 = arith.constant 24 : i32
    %shift_left3A_1313 = vector.broadcast %shift_left3A_1312 : i32 to vector<256x128xi32>
    %shift_left3A_1314 = arith.shli %xor3A_1310, %shift_left3A_1313 : vector<256x128xi32>
    %shift_right_logical3A_1315 = arith.constant 8 : i32
    %shift_right_logical3A_1316 = vector.broadcast %shift_right_logical3A_1315 : i32 to vector<256x128xi32>
    %shift_right_logical3A_1317 = arith.shrui %xor3A_1310, %shift_right_logical3A_1316 : vector<256x128xi32>
    %or3A_1318 = arith.ori %shift_left3A_1314, %shift_right_logical3A_1317 : vector<256x128xi32>
    %xor3A_1319 = arith.xori %or3A_1318, %add3A_1311 : vector<256x128xi32>
    %add3A_1320 = arith.constant 42 : i32
    %add3A_1321 = vector.broadcast %add3A_1320 : i32 to vector<256x128xi32>
    %add3A_1322 = arith.addi %add3A_1311, %add3A_1321 : vector<256x128xi32>
    %add3A_1323 = arith.constant 466689012 : i32
    %add3A_1324 = vector.broadcast %add3A_1323 : i32 to vector<256x128xi32>
    %add3A_1325 = arith.addi %xor3A_1319, %add3A_1324 : vector<256x128xi32>
    %add3A_1326 = arith.addi %add3A_1322, %add3A_1325 : vector<256x128xi32>
    %shift_left3A_1327 = arith.constant 13 : i32
    %shift_left3A_1328 = vector.broadcast %shift_left3A_1327 : i32 to vector<256x128xi32>
    %shift_left3A_1329 = arith.shli %add3A_1325, %shift_left3A_1328 : vector<256x128xi32>
    %shift_right_logical3A_1330 = arith.constant 19 : i32
    %shift_right_logical3A_1331 = vector.broadcast %shift_right_logical3A_1330 : i32 to vector<256x128xi32>
    %shift_right_logical3A_1332 = arith.shrui %add3A_1325, %shift_right_logical3A_1331 : vector<256x128xi32>
    %or3A_1333 = arith.ori %shift_left3A_1329, %shift_right_logical3A_1332 : vector<256x128xi32>
    %xor3A_1334 = arith.xori %or3A_1333, %add3A_1326 : vector<256x128xi32>
    %add3A_1335 = arith.addi %add3A_1326, %xor3A_1334 : vector<256x128xi32>
    %shift_left3A_1336 = arith.constant 15 : i32
    %shift_left3A_1337 = vector.broadcast %shift_left3A_1336 : i32 to vector<256x128xi32>
    %shift_left3A_1338 = arith.shli %xor3A_1334, %shift_left3A_1337 : vector<256x128xi32>
    %shift_right_logical3A_1339 = arith.constant 17 : i32
    %shift_right_logical3A_1340 = vector.broadcast %shift_right_logical3A_1339 : i32 to vector<256x128xi32>
    %shift_right_logical3A_1341 = arith.shrui %xor3A_1334, %shift_right_logical3A_1340 : vector<256x128xi32>
    %or3A_1342 = arith.ori %shift_left3A_1338, %shift_right_logical3A_1341 : vector<256x128xi32>
    %xor3A_1343 = arith.xori %or3A_1342, %add3A_1335 : vector<256x128xi32>
    %add3A_1344 = arith.addi %add3A_1335, %xor3A_1343 : vector<256x128xi32>
    %shift_left3A_1345 = arith.constant 26 : i32
    %shift_left3A_1346 = vector.broadcast %shift_left3A_1345 : i32 to vector<256x128xi32>
    %shift_left3A_1347 = arith.shli %xor3A_1343, %shift_left3A_1346 : vector<256x128xi32>
    %shift_right_logical3A_1348 = arith.constant 6 : i32
    %shift_right_logical3A_1349 = vector.broadcast %shift_right_logical3A_1348 : i32 to vector<256x128xi32>
    %shift_right_logical3A_1350 = arith.shrui %xor3A_1343, %shift_right_logical3A_1349 : vector<256x128xi32>
    %or3A_1351 = arith.ori %shift_left3A_1347, %shift_right_logical3A_1350 : vector<256x128xi32>
    %xor3A_1352 = arith.xori %or3A_1351, %add3A_1344 : vector<256x128xi32>
    %add3A_1353 = arith.addi %add3A_1344, %xor3A_1352 : vector<256x128xi32>
    %shift_left3A_1354 = arith.constant 6 : i32
    %shift_left3A_1355 = vector.broadcast %shift_left3A_1354 : i32 to vector<256x128xi32>
    %shift_left3A_1356 = arith.shli %xor3A_1352, %shift_left3A_1355 : vector<256x128xi32>
    %shift_right_logical3A_1357 = arith.constant 26 : i32
    %shift_right_logical3A_1358 = vector.broadcast %shift_right_logical3A_1357 : i32 to vector<256x128xi32>
    %shift_right_logical3A_1359 = arith.shrui %xor3A_1352, %shift_right_logical3A_1358 : vector<256x128xi32>
    %or3A_1360 = arith.ori %shift_left3A_1356, %shift_right_logical3A_1359 : vector<256x128xi32>
    %xor3A_1361 = arith.xori %or3A_1360, %add3A_1353 : vector<256x128xi32>
    %add3A_1362 = arith.constant 466689008 : i32
    %add3A_1363 = vector.broadcast %add3A_1362 : i32 to vector<256x128xi32>
    %add3A_1364 = arith.addi %add3A_1353, %add3A_1363 : vector<256x128xi32>
    %add3A_1365 = arith.constant 5 : i32
    %add3A_1366 = vector.broadcast %add3A_1365 : i32 to vector<256x128xi32>
    %add3A_1367 = arith.addi %xor3A_1361, %add3A_1366 : vector<256x128xi32>
    %xor3A_1368 = arith.xori %add3A_1364, %add3A_1367 : vector<256x128xi32>
    %shift_right_logical3A_1369 = arith.constant 9 : i32
    %shift_right_logical3A_1370 = vector.broadcast %shift_right_logical3A_1369 : i32 to vector<256x128xi32>
    %shift_right_logical3A_1371 = arith.shrui %xor3A_1368, %shift_right_logical3A_1370 : vector<256x128xi32>
    %or3A_1372 = arith.constant 1065353216 : i32
    %or3A_1373 = vector.broadcast %or3A_1372 : i32 to vector<256x128xi32>
    %or3A_1374 = arith.ori %shift_right_logical3A_1371, %or3A_1373 : vector<256x128xi32>
    %bitcast_convert_type3A_1375 = tpu.bitcast %or3A_1374 : vector<256x128xi32> -> vector<256x128xf32>
    %sub3A_1376 = arith.constant 1.000000e+00 : f32
    %sub3A_1377 = vector.broadcast %sub3A_1376 : f32 to vector<256x128xf32>
    %sub3A_1378 = arith.subf %bitcast_convert_type3A_1375, %sub3A_1377 : vector<256x128xf32>
    %add3A_1379 = arith.constant 1.17549435E-38 : f32
    %add3A_1380 = vector.broadcast %add3A_1379 : f32 to vector<256x128xf32>
    %add3A_1381 = arith.addf %sub3A_1378, %add3A_1380 : vector<256x128xf32>
    %log3A_1382 = math.log %add3A_1381 : vector<256x128xf32>
    %neg3A_1383 = arith.constant 0.000000e+00 : f32
    %neg3A_1384 = vector.broadcast %neg3A_1383 : f32 to vector<256x128xf32>
    %neg3A_1385 = arith.subf %neg3A_1384, %log3A_1382 : vector<256x128xf32>
    %mul3A_1386 = arith.mulf %neg3A_1385, %div3A_35 : vector<256x128xf32>
    %get3A_1387 = arith.constant 4 : index
    %get3A_1388 = arith.constant 0 : index
    %get3A_1389 = arith.constant 0 : index
    %get3A_1390 = vector.load %arg6[%get3A_1387, %get3A_1388, %get3A_1389] : memref<8x256x128xf32, #tpu.memory_space<vmem>>, vector<1x256x128xf32>
    %get3A_1391 = vector.shape_cast %get3A_1390 : vector<1x256x128xf32> to vector<256x128xf32>
    %lt3A_1392 = arith.cmpf olt, %mul3A_1386, %get3A_1391 : vector<256x128xf32>
    %get3A_1393 = arith.constant 4 : index
    %get3A_1394 = arith.constant 0 : index
    %get3A_1395 = arith.constant 0 : index
    %get3A_1396 = vector.load %arg7[%get3A_1393, %get3A_1394, %get3A_1395] : memref<8x256x128xi32, #tpu.memory_space<vmem>>, vector<1x256x128xi32>
    %get3A_1397 = vector.shape_cast %get3A_1396 : vector<1x256x128xi32> to vector<256x128xi32>
    %select_n3A_1398 = arith.select %lt3A_1392, %add3A_19, %get3A_1397 : vector<256x128xi1>, vector<256x128xi32>
    %swap3A_1399 = arith.constant 4 : index
    %swap3A_1400 = arith.constant 0 : index
    %swap3A_1401 = arith.constant 0 : index
    %swap3A_1402 = vector.load %arg7[%swap3A_1399, %swap3A_1400, %swap3A_1401] : memref<8x256x128xi32, #tpu.memory_space<vmem>>, vector<1x256x128xi32>
    %swap3A_1403 = vector.shape_cast %swap3A_1402 : vector<1x256x128xi32> to vector<256x128xi32>
    %swap3A_1404 = vector.shape_cast %select_n3A_1398 : vector<256x128xi32> to vector<1x256x128xi32>
    tpu.vector_store %arg7[%swap3A_1399, %swap3A_1400, %swap3A_1401], %swap3A_1404 {strides = array<i32>} : memref<8x256x128xi32, #tpu.memory_space<vmem>>, vector<1x256x128xi32>,
    %get3A_1405 = arith.constant 4 : index
    %get3A_1406 = arith.constant 0 : index
    %get3A_1407 = arith.constant 0 : index
    %get3A_1408 = vector.load %arg8[%get3A_1405, %get3A_1406, %get3A_1407] : memref<8x256x128xf32, #tpu.memory_space<vmem>>, vector<1x256x128xf32>
    %get3A_1409 = vector.shape_cast %get3A_1408 : vector<1x256x128xf32> to vector<256x128xf32>
    %select_n3A_1410 = arith.select %lt3A_1392, %neg3A_1385, %get3A_1409 : vector<256x128xi1>, vector<256x128xf32>
    %swap3A_1411 = arith.constant 4 : index
    %swap3A_1412 = arith.constant 0 : index
    %swap3A_1413 = arith.constant 0 : index
    %swap3A_1414 = vector.load %arg8[%swap3A_1411, %swap3A_1412, %swap3A_1413] : memref<8x256x128xf32, #tpu.memory_space<vmem>>, vector<1x256x128xf32>
    %swap3A_1415 = vector.shape_cast %swap3A_1414 : vector<1x256x128xf32> to vector<256x128xf32>
    %swap3A_1416 = vector.shape_cast %select_n3A_1410 : vector<256x128xf32> to vector<1x256x128xf32>
    tpu.vector_store %arg8[%swap3A_1411, %swap3A_1412, %swap3A_1413], %swap3A_1416 {strides = array<i32>} : memref<8x256x128xf32, #tpu.memory_space<vmem>>, vector<1x256x128xf32>,
    %get3A_1417 = arith.constant 4 : index
    %get3A_1418 = arith.constant 0 : index
    %get3A_1419 = arith.constant 0 : index
    %get3A_1420 = vector.load %arg6[%get3A_1417, %get3A_1418, %get3A_1419] : memref<8x256x128xf32, #tpu.memory_space<vmem>>, vector<1x256x128xf32>
    %get3A_1421 = vector.shape_cast %get3A_1420 : vector<1x256x128xf32> to vector<256x128xf32>
    %select_n3A_1422 = arith.select %lt3A_1392, %mul3A_1386, %get3A_1421 : vector<256x128xi1>, vector<256x128xf32>
    %swap3A_1423 = arith.constant 4 : index
    %swap3A_1424 = arith.constant 0 : index
    %swap3A_1425 = arith.constant 0 : index
    %swap3A_1426 = vector.load %arg6[%swap3A_1423, %swap3A_1424, %swap3A_1425] : memref<8x256x128xf32, #tpu.memory_space<vmem>>, vector<1x256x128xf32>
    %swap3A_1427 = vector.shape_cast %swap3A_1426 : vector<1x256x128xf32> to vector<256x128xf32>
    %swap3A_1428 = vector.shape_cast %select_n3A_1422 : vector<256x128xf32> to vector<1x256x128xf32>
    tpu.vector_store %arg6[%swap3A_1423, %swap3A_1424, %swap3A_1425], %swap3A_1428 {strides = array<i32>} : memref<8x256x128xf32, #tpu.memory_space<vmem>>, vector<1x256x128xf32>,
    %add3A_1429 = arith.constant 80000000 : i32
    %add3A_1430 = arith.addi %mul3A_37, %add3A_1429 : i32
    %add3A_1431 = vector.broadcast %add3A_1430 : i32 to vector<256x128xi32>
    %add3A_1432 = arith.addi %add3A_19, %add3A_1431 : vector<256x128xi32>
    %broadcast_in_dim3A_1433 = arith.constant 0 : i32
    %broadcast_in_dim3A_1434 = vector.broadcast %broadcast_in_dim3A_1433 : i32 to vector<256x128xi32>
    %add3A_1435 = arith.constant 42 : i32
    %add3A_1436 = vector.broadcast %add3A_1435 : i32 to vector<256x128xi32>
    %add3A_1437 = arith.addi %add3A_1432, %add3A_1436 : vector<256x128xi32>
    %add3A_1438 = arith.addi %broadcast_in_dim3A_1434, %add3A_1437 : vector<256x128xi32>
    %shift_left3A_1439 = arith.constant 13 : i32
    %shift_left3A_1440 = vector.broadcast %shift_left3A_1439 : i32 to vector<256x128xi32>
    %shift_left3A_1441 = arith.shli %add3A_1437, %shift_left3A_1440 : vector<256x128xi32>
    %shift_right_logical3A_1442 = arith.constant 19 : i32
    %shift_right_logical3A_1443 = vector.broadcast %shift_right_logical3A_1442 : i32 to vector<256x128xi32>
    %shift_right_logical3A_1444 = arith.shrui %add3A_1437, %shift_right_logical3A_1443 : vector<256x128xi32>
    %or3A_1445 = arith.ori %shift_left3A_1441, %shift_right_logical3A_1444 : vector<256x128xi32>
    %xor3A_1446 = arith.xori %or3A_1445, %add3A_1438 : vector<256x128xi32>
    %add3A_1447 = arith.addi %add3A_1438, %xor3A_1446 : vector<256x128xi32>
    %shift_left3A_1448 = arith.constant 15 : i32
    %shift_left3A_1449 = vector.broadcast %shift_left3A_1448 : i32 to vector<256x128xi32>
    %shift_left3A_1450 = arith.shli %xor3A_1446, %shift_left3A_1449 : vector<256x128xi32>
    %shift_right_logical3A_1451 = arith.constant 17 : i32
    %shift_right_logical3A_1452 = vector.broadcast %shift_right_logical3A_1451 : i32 to vector<256x128xi32>
    %shift_right_logical3A_1453 = arith.shrui %xor3A_1446, %shift_right_logical3A_1452 : vector<256x128xi32>
    %or3A_1454 = arith.ori %shift_left3A_1450, %shift_right_logical3A_1453 : vector<256x128xi32>
    %xor3A_1455 = arith.xori %or3A_1454, %add3A_1447 : vector<256x128xi32>
    %add3A_1456 = arith.addi %add3A_1447, %xor3A_1455 : vector<256x128xi32>
    %shift_left3A_1457 = arith.constant 26 : i32
    %shift_left3A_1458 = vector.broadcast %shift_left3A_1457 : i32 to vector<256x128xi32>
    %shift_left3A_1459 = arith.shli %xor3A_1455, %shift_left3A_1458 : vector<256x128xi32>
    %shift_right_logical3A_1460 = arith.constant 6 : i32
    %shift_right_logical3A_1461 = vector.broadcast %shift_right_logical3A_1460 : i32 to vector<256x128xi32>
    %shift_right_logical3A_1462 = arith.shrui %xor3A_1455, %shift_right_logical3A_1461 : vector<256x128xi32>
    %or3A_1463 = arith.ori %shift_left3A_1459, %shift_right_logical3A_1462 : vector<256x128xi32>
    %xor3A_1464 = arith.xori %or3A_1463, %add3A_1456 : vector<256x128xi32>
    %add3A_1465 = arith.addi %add3A_1456, %xor3A_1464 : vector<256x128xi32>
    %shift_left3A_1466 = arith.constant 6 : i32
    %shift_left3A_1467 = vector.broadcast %shift_left3A_1466 : i32 to vector<256x128xi32>
    %shift_left3A_1468 = arith.shli %xor3A_1464, %shift_left3A_1467 : vector<256x128xi32>
    %shift_right_logical3A_1469 = arith.constant 26 : i32
    %shift_right_logical3A_1470 = vector.broadcast %shift_right_logical3A_1469 : i32 to vector<256x128xi32>
    %shift_right_logical3A_1471 = arith.shrui %xor3A_1464, %shift_right_logical3A_1470 : vector<256x128xi32>
    %or3A_1472 = arith.ori %shift_left3A_1468, %shift_right_logical3A_1471 : vector<256x128xi32>
    %xor3A_1473 = arith.xori %or3A_1472, %add3A_1465 : vector<256x128xi32>
    %add3A_1474 = arith.constant 42 : i32
    %add3A_1475 = vector.broadcast %add3A_1474 : i32 to vector<256x128xi32>
    %add3A_1476 = arith.addi %add3A_1465, %add3A_1475 : vector<256x128xi32>
    %add3A_1477 = arith.constant 466689009 : i32
    %add3A_1478 = vector.broadcast %add3A_1477 : i32 to vector<256x128xi32>
    %add3A_1479 = arith.addi %xor3A_1473, %add3A_1478 : vector<256x128xi32>
    %add3A_1480 = arith.addi %add3A_1476, %add3A_1479 : vector<256x128xi32>
    %shift_left3A_1481 = arith.constant 17 : i32
    %shift_left3A_1482 = vector.broadcast %shift_left3A_1481 : i32 to vector<256x128xi32>
    %shift_left3A_1483 = arith.shli %add3A_1479, %shift_left3A_1482 : vector<256x128xi32>
    %shift_right_logical3A_1484 = arith.constant 15 : i32
    %shift_right_logical3A_1485 = vector.broadcast %shift_right_logical3A_1484 : i32 to vector<256x128xi32>
    %shift_right_logical3A_1486 = arith.shrui %add3A_1479, %shift_right_logical3A_1485 : vector<256x128xi32>
    %or3A_1487 = arith.ori %shift_left3A_1483, %shift_right_logical3A_1486 : vector<256x128xi32>
    %xor3A_1488 = arith.xori %or3A_1487, %add3A_1480 : vector<256x128xi32>
    %add3A_1489 = arith.addi %add3A_1480, %xor3A_1488 : vector<256x128xi32>
    %shift_left3A_1490 = arith.constant 29 : i32
    %shift_left3A_1491 = vector.broadcast %shift_left3A_1490 : i32 to vector<256x128xi32>
    %shift_left3A_1492 = arith.shli %xor3A_1488, %shift_left3A_1491 : vector<256x128xi32>
    %shift_right_logical3A_1493 = arith.constant 3 : i32
    %shift_right_logical3A_1494 = vector.broadcast %shift_right_logical3A_1493 : i32 to vector<256x128xi32>
    %shift_right_logical3A_1495 = arith.shrui %xor3A_1488, %shift_right_logical3A_1494 : vector<256x128xi32>
    %or3A_1496 = arith.ori %shift_left3A_1492, %shift_right_logical3A_1495 : vector<256x128xi32>
    %xor3A_1497 = arith.xori %or3A_1496, %add3A_1489 : vector<256x128xi32>
    %add3A_1498 = arith.addi %add3A_1489, %xor3A_1497 : vector<256x128xi32>
    %shift_left3A_1499 = arith.constant 16 : i32
    %shift_left3A_1500 = vector.broadcast %shift_left3A_1499 : i32 to vector<256x128xi32>
    %shift_left3A_1501 = arith.shli %xor3A_1497, %shift_left3A_1500 : vector<256x128xi32>
    %shift_right_logical3A_1502 = arith.constant 16 : i32
    %shift_right_logical3A_1503 = vector.broadcast %shift_right_logical3A_1502 : i32 to vector<256x128xi32>
    %shift_right_logical3A_1504 = arith.shrui %xor3A_1497, %shift_right_logical3A_1503 : vector<256x128xi32>
    %or3A_1505 = arith.ori %shift_left3A_1501, %shift_right_logical3A_1504 : vector<256x128xi32>
    %xor3A_1506 = arith.xori %or3A_1505, %add3A_1498 : vector<256x128xi32>
    %add3A_1507 = arith.addi %add3A_1498, %xor3A_1506 : vector<256x128xi32>
    %shift_left3A_1508 = arith.constant 24 : i32
    %shift_left3A_1509 = vector.broadcast %shift_left3A_1508 : i32 to vector<256x128xi32>
    %shift_left3A_1510 = arith.shli %xor3A_1506, %shift_left3A_1509 : vector<256x128xi32>
    %shift_right_logical3A_1511 = arith.constant 8 : i32
    %shift_right_logical3A_1512 = vector.broadcast %shift_right_logical3A_1511 : i32 to vector<256x128xi32>
    %shift_right_logical3A_1513 = arith.shrui %xor3A_1506, %shift_right_logical3A_1512 : vector<256x128xi32>
    %or3A_1514 = arith.ori %shift_left3A_1510, %shift_right_logical3A_1513 : vector<256x128xi32>
    %xor3A_1515 = arith.xori %or3A_1514, %add3A_1507 : vector<256x128xi32>
    %add3A_1516 = arith.constant 466689008 : i32
    %add3A_1517 = vector.broadcast %add3A_1516 : i32 to vector<256x128xi32>
    %add3A_1518 = arith.addi %add3A_1507, %add3A_1517 : vector<256x128xi32>
    %add3A_1519 = arith.constant 2 : i32
    %add3A_1520 = vector.broadcast %add3A_1519 : i32 to vector<256x128xi32>
    %add3A_1521 = arith.addi %xor3A_1515, %add3A_1520 : vector<256x128xi32>
    %add3A_1522 = arith.addi %add3A_1518, %add3A_1521 : vector<256x128xi32>
    %shift_left3A_1523 = arith.constant 13 : i32
    %shift_left3A_1524 = vector.broadcast %shift_left3A_1523 : i32 to vector<256x128xi32>
    %shift_left3A_1525 = arith.shli %add3A_1521, %shift_left3A_1524 : vector<256x128xi32>
    %shift_right_logical3A_1526 = arith.constant 19 : i32
    %shift_right_logical3A_1527 = vector.broadcast %shift_right_logical3A_1526 : i32 to vector<256x128xi32>
    %shift_right_logical3A_1528 = arith.shrui %add3A_1521, %shift_right_logical3A_1527 : vector<256x128xi32>
    %or3A_1529 = arith.ori %shift_left3A_1525, %shift_right_logical3A_1528 : vector<256x128xi32>
    %xor3A_1530 = arith.xori %or3A_1529, %add3A_1522 : vector<256x128xi32>
    %add3A_1531 = arith.addi %add3A_1522, %xor3A_1530 : vector<256x128xi32>
    %shift_left3A_1532 = arith.constant 15 : i32
    %shift_left3A_1533 = vector.broadcast %shift_left3A_1532 : i32 to vector<256x128xi32>
    %shift_left3A_1534 = arith.shli %xor3A_1530, %shift_left3A_1533 : vector<256x128xi32>
    %shift_right_logical3A_1535 = arith.constant 17 : i32
    %shift_right_logical3A_1536 = vector.broadcast %shift_right_logical3A_1535 : i32 to vector<256x128xi32>
    %shift_right_logical3A_1537 = arith.shrui %xor3A_1530, %shift_right_logical3A_1536 : vector<256x128xi32>
    %or3A_1538 = arith.ori %shift_left3A_1534, %shift_right_logical3A_1537 : vector<256x128xi32>
    %xor3A_1539 = arith.xori %or3A_1538, %add3A_1531 : vector<256x128xi32>
    %add3A_1540 = arith.addi %add3A_1531, %xor3A_1539 : vector<256x128xi32>
    %shift_left3A_1541 = arith.constant 26 : i32
    %shift_left3A_1542 = vector.broadcast %shift_left3A_1541 : i32 to vector<256x128xi32>
    %shift_left3A_1543 = arith.shli %xor3A_1539, %shift_left3A_1542 : vector<256x128xi32>
    %shift_right_logical3A_1544 = arith.constant 6 : i32
    %shift_right_logical3A_1545 = vector.broadcast %shift_right_logical3A_1544 : i32 to vector<256x128xi32>
    %shift_right_logical3A_1546 = arith.shrui %xor3A_1539, %shift_right_logical3A_1545 : vector<256x128xi32>
    %or3A_1547 = arith.ori %shift_left3A_1543, %shift_right_logical3A_1546 : vector<256x128xi32>
    %xor3A_1548 = arith.xori %or3A_1547, %add3A_1540 : vector<256x128xi32>
    %add3A_1549 = arith.addi %add3A_1540, %xor3A_1548 : vector<256x128xi32>
    %shift_left3A_1550 = arith.constant 6 : i32
    %shift_left3A_1551 = vector.broadcast %shift_left3A_1550 : i32 to vector<256x128xi32>
    %shift_left3A_1552 = arith.shli %xor3A_1548, %shift_left3A_1551 : vector<256x128xi32>
    %shift_right_logical3A_1553 = arith.constant 26 : i32
    %shift_right_logical3A_1554 = vector.broadcast %shift_right_logical3A_1553 : i32 to vector<256x128xi32>
    %shift_right_logical3A_1555 = arith.shrui %xor3A_1548, %shift_right_logical3A_1554 : vector<256x128xi32>
    %or3A_1556 = arith.ori %shift_left3A_1552, %shift_right_logical3A_1555 : vector<256x128xi32>
    %xor3A_1557 = arith.xori %or3A_1556, %add3A_1549 : vector<256x128xi32>
    %add3A_1558 = arith.constant 0 : i32
    %add3A_1559 = vector.broadcast %add3A_1558 : i32 to vector<256x128xi32>
    %add3A_1560 = arith.addi %add3A_1549, %add3A_1559 : vector<256x128xi32>
    %add3A_1561 = arith.constant 45 : i32
    %add3A_1562 = vector.broadcast %add3A_1561 : i32 to vector<256x128xi32>
    %add3A_1563 = arith.addi %xor3A_1557, %add3A_1562 : vector<256x128xi32>
    %add3A_1564 = arith.addi %add3A_1560, %add3A_1563 : vector<256x128xi32>
    %shift_left3A_1565 = arith.constant 17 : i32
    %shift_left3A_1566 = vector.broadcast %shift_left3A_1565 : i32 to vector<256x128xi32>
    %shift_left3A_1567 = arith.shli %add3A_1563, %shift_left3A_1566 : vector<256x128xi32>
    %shift_right_logical3A_1568 = arith.constant 15 : i32
    %shift_right_logical3A_1569 = vector.broadcast %shift_right_logical3A_1568 : i32 to vector<256x128xi32>
    %shift_right_logical3A_1570 = arith.shrui %add3A_1563, %shift_right_logical3A_1569 : vector<256x128xi32>
    %or3A_1571 = arith.ori %shift_left3A_1567, %shift_right_logical3A_1570 : vector<256x128xi32>
    %xor3A_1572 = arith.xori %or3A_1571, %add3A_1564 : vector<256x128xi32>
    %add3A_1573 = arith.addi %add3A_1564, %xor3A_1572 : vector<256x128xi32>
    %shift_left3A_1574 = arith.constant 29 : i32
    %shift_left3A_1575 = vector.broadcast %shift_left3A_1574 : i32 to vector<256x128xi32>
    %shift_left3A_1576 = arith.shli %xor3A_1572, %shift_left3A_1575 : vector<256x128xi32>
    %shift_right_logical3A_1577 = arith.constant 3 : i32
    %shift_right_logical3A_1578 = vector.broadcast %shift_right_logical3A_1577 : i32 to vector<256x128xi32>
    %shift_right_logical3A_1579 = arith.shrui %xor3A_1572, %shift_right_logical3A_1578 : vector<256x128xi32>
    %or3A_1580 = arith.ori %shift_left3A_1576, %shift_right_logical3A_1579 : vector<256x128xi32>
    %xor3A_1581 = arith.xori %or3A_1580, %add3A_1573 : vector<256x128xi32>
    %add3A_1582 = arith.addi %add3A_1573, %xor3A_1581 : vector<256x128xi32>
    %shift_left3A_1583 = arith.constant 16 : i32
    %shift_left3A_1584 = vector.broadcast %shift_left3A_1583 : i32 to vector<256x128xi32>
    %shift_left3A_1585 = arith.shli %xor3A_1581, %shift_left3A_1584 : vector<256x128xi32>
    %shift_right_logical3A_1586 = arith.constant 16 : i32
    %shift_right_logical3A_1587 = vector.broadcast %shift_right_logical3A_1586 : i32 to vector<256x128xi32>
    %shift_right_logical3A_1588 = arith.shrui %xor3A_1581, %shift_right_logical3A_1587 : vector<256x128xi32>
    %or3A_1589 = arith.ori %shift_left3A_1585, %shift_right_logical3A_1588 : vector<256x128xi32>
    %xor3A_1590 = arith.xori %or3A_1589, %add3A_1582 : vector<256x128xi32>
    %add3A_1591 = arith.addi %add3A_1582, %xor3A_1590 : vector<256x128xi32>
    %shift_left3A_1592 = arith.constant 24 : i32
    %shift_left3A_1593 = vector.broadcast %shift_left3A_1592 : i32 to vector<256x128xi32>
    %shift_left3A_1594 = arith.shli %xor3A_1590, %shift_left3A_1593 : vector<256x128xi32>
    %shift_right_logical3A_1595 = arith.constant 8 : i32
    %shift_right_logical3A_1596 = vector.broadcast %shift_right_logical3A_1595 : i32 to vector<256x128xi32>
    %shift_right_logical3A_1597 = arith.shrui %xor3A_1590, %shift_right_logical3A_1596 : vector<256x128xi32>
    %or3A_1598 = arith.ori %shift_left3A_1594, %shift_right_logical3A_1597 : vector<256x128xi32>
    %xor3A_1599 = arith.xori %or3A_1598, %add3A_1591 : vector<256x128xi32>
    %add3A_1600 = arith.constant 42 : i32
    %add3A_1601 = vector.broadcast %add3A_1600 : i32 to vector<256x128xi32>
    %add3A_1602 = arith.addi %add3A_1591, %add3A_1601 : vector<256x128xi32>
    %add3A_1603 = arith.constant 466689012 : i32
    %add3A_1604 = vector.broadcast %add3A_1603 : i32 to vector<256x128xi32>
    %add3A_1605 = arith.addi %xor3A_1599, %add3A_1604 : vector<256x128xi32>
    %add3A_1606 = arith.addi %add3A_1602, %add3A_1605 : vector<256x128xi32>
    %shift_left3A_1607 = arith.constant 13 : i32
    %shift_left3A_1608 = vector.broadcast %shift_left3A_1607 : i32 to vector<256x128xi32>
    %shift_left3A_1609 = arith.shli %add3A_1605, %shift_left3A_1608 : vector<256x128xi32>
    %shift_right_logical3A_1610 = arith.constant 19 : i32
    %shift_right_logical3A_1611 = vector.broadcast %shift_right_logical3A_1610 : i32 to vector<256x128xi32>
    %shift_right_logical3A_1612 = arith.shrui %add3A_1605, %shift_right_logical3A_1611 : vector<256x128xi32>
    %or3A_1613 = arith.ori %shift_left3A_1609, %shift_right_logical3A_1612 : vector<256x128xi32>
    %xor3A_1614 = arith.xori %or3A_1613, %add3A_1606 : vector<256x128xi32>
    %add3A_1615 = arith.addi %add3A_1606, %xor3A_1614 : vector<256x128xi32>
    %shift_left3A_1616 = arith.constant 15 : i32
    %shift_left3A_1617 = vector.broadcast %shift_left3A_1616 : i32 to vector<256x128xi32>
    %shift_left3A_1618 = arith.shli %xor3A_1614, %shift_left3A_1617 : vector<256x128xi32>
    %shift_right_logical3A_1619 = arith.constant 17 : i32
    %shift_right_logical3A_1620 = vector.broadcast %shift_right_logical3A_1619 : i32 to vector<256x128xi32>
    %shift_right_logical3A_1621 = arith.shrui %xor3A_1614, %shift_right_logical3A_1620 : vector<256x128xi32>
    %or3A_1622 = arith.ori %shift_left3A_1618, %shift_right_logical3A_1621 : vector<256x128xi32>
    %xor3A_1623 = arith.xori %or3A_1622, %add3A_1615 : vector<256x128xi32>
    %add3A_1624 = arith.addi %add3A_1615, %xor3A_1623 : vector<256x128xi32>
    %shift_left3A_1625 = arith.constant 26 : i32
    %shift_left3A_1626 = vector.broadcast %shift_left3A_1625 : i32 to vector<256x128xi32>
    %shift_left3A_1627 = arith.shli %xor3A_1623, %shift_left3A_1626 : vector<256x128xi32>
    %shift_right_logical3A_1628 = arith.constant 6 : i32
    %shift_right_logical3A_1629 = vector.broadcast %shift_right_logical3A_1628 : i32 to vector<256x128xi32>
    %shift_right_logical3A_1630 = arith.shrui %xor3A_1623, %shift_right_logical3A_1629 : vector<256x128xi32>
    %or3A_1631 = arith.ori %shift_left3A_1627, %shift_right_logical3A_1630 : vector<256x128xi32>
    %xor3A_1632 = arith.xori %or3A_1631, %add3A_1624 : vector<256x128xi32>
    %add3A_1633 = arith.addi %add3A_1624, %xor3A_1632 : vector<256x128xi32>
    %shift_left3A_1634 = arith.constant 6 : i32
    %shift_left3A_1635 = vector.broadcast %shift_left3A_1634 : i32 to vector<256x128xi32>
    %shift_left3A_1636 = arith.shli %xor3A_1632, %shift_left3A_1635 : vector<256x128xi32>
    %shift_right_logical3A_1637 = arith.constant 26 : i32
    %shift_right_logical3A_1638 = vector.broadcast %shift_right_logical3A_1637 : i32 to vector<256x128xi32>
    %shift_right_logical3A_1639 = arith.shrui %xor3A_1632, %shift_right_logical3A_1638 : vector<256x128xi32>
    %or3A_1640 = arith.ori %shift_left3A_1636, %shift_right_logical3A_1639 : vector<256x128xi32>
    %xor3A_1641 = arith.xori %or3A_1640, %add3A_1633 : vector<256x128xi32>
    %add3A_1642 = arith.constant 466689008 : i32
    %add3A_1643 = vector.broadcast %add3A_1642 : i32 to vector<256x128xi32>
    %add3A_1644 = arith.addi %add3A_1633, %add3A_1643 : vector<256x128xi32>
    %add3A_1645 = arith.constant 5 : i32
    %add3A_1646 = vector.broadcast %add3A_1645 : i32 to vector<256x128xi32>
    %add3A_1647 = arith.addi %xor3A_1641, %add3A_1646 : vector<256x128xi32>
    %xor3A_1648 = arith.xori %add3A_1644, %add3A_1647 : vector<256x128xi32>
    %shift_right_logical3A_1649 = arith.constant 9 : i32
    %shift_right_logical3A_1650 = vector.broadcast %shift_right_logical3A_1649 : i32 to vector<256x128xi32>
    %shift_right_logical3A_1651 = arith.shrui %xor3A_1648, %shift_right_logical3A_1650 : vector<256x128xi32>
    %or3A_1652 = arith.constant 1065353216 : i32
    %or3A_1653 = vector.broadcast %or3A_1652 : i32 to vector<256x128xi32>
    %or3A_1654 = arith.ori %shift_right_logical3A_1651, %or3A_1653 : vector<256x128xi32>
    %bitcast_convert_type3A_1655 = tpu.bitcast %or3A_1654 : vector<256x128xi32> -> vector<256x128xf32>
    %sub3A_1656 = arith.constant 1.000000e+00 : f32
    %sub3A_1657 = vector.broadcast %sub3A_1656 : f32 to vector<256x128xf32>
    %sub3A_1658 = arith.subf %bitcast_convert_type3A_1655, %sub3A_1657 : vector<256x128xf32>
    %add3A_1659 = arith.constant 1.17549435E-38 : f32
    %add3A_1660 = vector.broadcast %add3A_1659 : f32 to vector<256x128xf32>
    %add3A_1661 = arith.addf %sub3A_1658, %add3A_1660 : vector<256x128xf32>
    %log3A_1662 = math.log %add3A_1661 : vector<256x128xf32>
    %neg3A_1663 = arith.constant 0.000000e+00 : f32
    %neg3A_1664 = vector.broadcast %neg3A_1663 : f32 to vector<256x128xf32>
    %neg3A_1665 = arith.subf %neg3A_1664, %log3A_1662 : vector<256x128xf32>
    %mul3A_1666 = arith.mulf %neg3A_1665, %div3A_35 : vector<256x128xf32>
    %get3A_1667 = arith.constant 5 : index
    %get3A_1668 = arith.constant 0 : index
    %get3A_1669 = arith.constant 0 : index
    %get3A_1670 = vector.load %arg6[%get3A_1667, %get3A_1668, %get3A_1669] : memref<8x256x128xf32, #tpu.memory_space<vmem>>, vector<1x256x128xf32>
    %get3A_1671 = vector.shape_cast %get3A_1670 : vector<1x256x128xf32> to vector<256x128xf32>
    %lt3A_1672 = arith.cmpf olt, %mul3A_1666, %get3A_1671 : vector<256x128xf32>
    %get3A_1673 = arith.constant 5 : index
    %get3A_1674 = arith.constant 0 : index
    %get3A_1675 = arith.constant 0 : index
    %get3A_1676 = vector.load %arg7[%get3A_1673, %get3A_1674, %get3A_1675] : memref<8x256x128xi32, #tpu.memory_space<vmem>>, vector<1x256x128xi32>
    %get3A_1677 = vector.shape_cast %get3A_1676 : vector<1x256x128xi32> to vector<256x128xi32>
    %select_n3A_1678 = arith.select %lt3A_1672, %add3A_19, %get3A_1677 : vector<256x128xi1>, vector<256x128xi32>
    %swap3A_1679 = arith.constant 5 : index
    %swap3A_1680 = arith.constant 0 : index
    %swap3A_1681 = arith.constant 0 : index
    %swap3A_1682 = vector.load %arg7[%swap3A_1679, %swap3A_1680, %swap3A_1681] : memref<8x256x128xi32, #tpu.memory_space<vmem>>, vector<1x256x128xi32>
    %swap3A_1683 = vector.shape_cast %swap3A_1682 : vector<1x256x128xi32> to vector<256x128xi32>
    %swap3A_1684 = vector.shape_cast %select_n3A_1678 : vector<256x128xi32> to vector<1x256x128xi32>
    tpu.vector_store %arg7[%swap3A_1679, %swap3A_1680, %swap3A_1681], %swap3A_1684 {strides = array<i32>} : memref<8x256x128xi32, #tpu.memory_space<vmem>>, vector<1x256x128xi32>,
    %get3A_1685 = arith.constant 5 : index
    %get3A_1686 = arith.constant 0 : index
    %get3A_1687 = arith.constant 0 : index
    %get3A_1688 = vector.load %arg8[%get3A_1685, %get3A_1686, %get3A_1687] : memref<8x256x128xf32, #tpu.memory_space<vmem>>, vector<1x256x128xf32>
    %get3A_1689 = vector.shape_cast %get3A_1688 : vector<1x256x128xf32> to vector<256x128xf32>
    %select_n3A_1690 = arith.select %lt3A_1672, %neg3A_1665, %get3A_1689 : vector<256x128xi1>, vector<256x128xf32>
    %swap3A_1691 = arith.constant 5 : index
    %swap3A_1692 = arith.constant 0 : index
    %swap3A_1693 = arith.constant 0 : index
    %swap3A_1694 = vector.load %arg8[%swap3A_1691, %swap3A_1692, %swap3A_1693] : memref<8x256x128xf32, #tpu.memory_space<vmem>>, vector<1x256x128xf32>
    %swap3A_1695 = vector.shape_cast %swap3A_1694 : vector<1x256x128xf32> to vector<256x128xf32>
    %swap3A_1696 = vector.shape_cast %select_n3A_1690 : vector<256x128xf32> to vector<1x256x128xf32>
    tpu.vector_store %arg8[%swap3A_1691, %swap3A_1692, %swap3A_1693], %swap3A_1696 {strides = array<i32>} : memref<8x256x128xf32, #tpu.memory_space<vmem>>, vector<1x256x128xf32>,
    %get3A_1697 = arith.constant 5 : index
    %get3A_1698 = arith.constant 0 : index
    %get3A_1699 = arith.constant 0 : index
    %get3A_1700 = vector.load %arg6[%get3A_1697, %get3A_1698, %get3A_1699] : memref<8x256x128xf32, #tpu.memory_space<vmem>>, vector<1x256x128xf32>
    %get3A_1701 = vector.shape_cast %get3A_1700 : vector<1x256x128xf32> to vector<256x128xf32>
    %select_n3A_1702 = arith.select %lt3A_1672, %mul3A_1666, %get3A_1701 : vector<256x128xi1>, vector<256x128xf32>
    %swap3A_1703 = arith.constant 5 : index
    %swap3A_1704 = arith.constant 0 : index
    %swap3A_1705 = arith.constant 0 : index
    %swap3A_1706 = vector.load %arg6[%swap3A_1703, %swap3A_1704, %swap3A_1705] : memref<8x256x128xf32, #tpu.memory_space<vmem>>, vector<1x256x128xf32>
    %swap3A_1707 = vector.shape_cast %swap3A_1706 : vector<1x256x128xf32> to vector<256x128xf32>
    %swap3A_1708 = vector.shape_cast %select_n3A_1702 : vector<256x128xf32> to vector<1x256x128xf32>
    tpu.vector_store %arg6[%swap3A_1703, %swap3A_1704, %swap3A_1705], %swap3A_1708 {strides = array<i32>} : memref<8x256x128xf32, #tpu.memory_space<vmem>>, vector<1x256x128xf32>,
    %add3A_1709 = arith.constant 96000000 : i32
    %add3A_1710 = arith.addi %mul3A_37, %add3A_1709 : i32
    %add3A_1711 = vector.broadcast %add3A_1710 : i32 to vector<256x128xi32>
    %add3A_1712 = arith.addi %add3A_19, %add3A_1711 : vector<256x128xi32>
    %broadcast_in_dim3A_1713 = arith.constant 0 : i32
    %broadcast_in_dim3A_1714 = vector.broadcast %broadcast_in_dim3A_1713 : i32 to vector<256x128xi32>
    %add3A_1715 = arith.constant 42 : i32
    %add3A_1716 = vector.broadcast %add3A_1715 : i32 to vector<256x128xi32>
    %add3A_1717 = arith.addi %add3A_1712, %add3A_1716 : vector<256x128xi32>
    %add3A_1718 = arith.addi %broadcast_in_dim3A_1714, %add3A_1717 : vector<256x128xi32>
    %shift_left3A_1719 = arith.constant 13 : i32
    %shift_left3A_1720 = vector.broadcast %shift_left3A_1719 : i32 to vector<256x128xi32>
    %shift_left3A_1721 = arith.shli %add3A_1717, %shift_left3A_1720 : vector<256x128xi32>
    %shift_right_logical3A_1722 = arith.constant 19 : i32
    %shift_right_logical3A_1723 = vector.broadcast %shift_right_logical3A_1722 : i32 to vector<256x128xi32>
    %shift_right_logical3A_1724 = arith.shrui %add3A_1717, %shift_right_logical3A_1723 : vector<256x128xi32>
    %or3A_1725 = arith.ori %shift_left3A_1721, %shift_right_logical3A_1724 : vector<256x128xi32>
    %xor3A_1726 = arith.xori %or3A_1725, %add3A_1718 : vector<256x128xi32>
    %add3A_1727 = arith.addi %add3A_1718, %xor3A_1726 : vector<256x128xi32>
    %shift_left3A_1728 = arith.constant 15 : i32
    %shift_left3A_1729 = vector.broadcast %shift_left3A_1728 : i32 to vector<256x128xi32>
    %shift_left3A_1730 = arith.shli %xor3A_1726, %shift_left3A_1729 : vector<256x128xi32>
    %shift_right_logical3A_1731 = arith.constant 17 : i32
    %shift_right_logical3A_1732 = vector.broadcast %shift_right_logical3A_1731 : i32 to vector<256x128xi32>
    %shift_right_logical3A_1733 = arith.shrui %xor3A_1726, %shift_right_logical3A_1732 : vector<256x128xi32>
    %or3A_1734 = arith.ori %shift_left3A_1730, %shift_right_logical3A_1733 : vector<256x128xi32>
    %xor3A_1735 = arith.xori %or3A_1734, %add3A_1727 : vector<256x128xi32>
    %add3A_1736 = arith.addi %add3A_1727, %xor3A_1735 : vector<256x128xi32>
    %shift_left3A_1737 = arith.constant 26 : i32
    %shift_left3A_1738 = vector.broadcast %shift_left3A_1737 : i32 to vector<256x128xi32>
    %shift_left3A_1739 = arith.shli %xor3A_1735, %shift_left3A_1738 : vector<256x128xi32>
    %shift_right_logical3A_1740 = arith.constant 6 : i32
    %shift_right_logical3A_1741 = vector.broadcast %shift_right_logical3A_1740 : i32 to vector<256x128xi32>
    %shift_right_logical3A_1742 = arith.shrui %xor3A_1735, %shift_right_logical3A_1741 : vector<256x128xi32>
    %or3A_1743 = arith.ori %shift_left3A_1739, %shift_right_logical3A_1742 : vector<256x128xi32>
    %xor3A_1744 = arith.xori %or3A_1743, %add3A_1736 : vector<256x128xi32>
    %add3A_1745 = arith.addi %add3A_1736, %xor3A_1744 : vector<256x128xi32>
    %shift_left3A_1746 = arith.constant 6 : i32
    %shift_left3A_1747 = vector.broadcast %shift_left3A_1746 : i32 to vector<256x128xi32>
    %shift_left3A_1748 = arith.shli %xor3A_1744, %shift_left3A_1747 : vector<256x128xi32>
    %shift_right_logical3A_1749 = arith.constant 26 : i32
    %shift_right_logical3A_1750 = vector.broadcast %shift_right_logical3A_1749 : i32 to vector<256x128xi32>
    %shift_right_logical3A_1751 = arith.shrui %xor3A_1744, %shift_right_logical3A_1750 : vector<256x128xi32>
    %or3A_1752 = arith.ori %shift_left3A_1748, %shift_right_logical3A_1751 : vector<256x128xi32>
    %xor3A_1753 = arith.xori %or3A_1752, %add3A_1745 : vector<256x128xi32>
    %add3A_1754 = arith.constant 42 : i32
    %add3A_1755 = vector.broadcast %add3A_1754 : i32 to vector<256x128xi32>
    %add3A_1756 = arith.addi %add3A_1745, %add3A_1755 : vector<256x128xi32>
    %add3A_1757 = arith.constant 466689009 : i32
    %add3A_1758 = vector.broadcast %add3A_1757 : i32 to vector<256x128xi32>
    %add3A_1759 = arith.addi %xor3A_1753, %add3A_1758 : vector<256x128xi32>
    %add3A_1760 = arith.addi %add3A_1756, %add3A_1759 : vector<256x128xi32>
    %shift_left3A_1761 = arith.constant 17 : i32
    %shift_left3A_1762 = vector.broadcast %shift_left3A_1761 : i32 to vector<256x128xi32>
    %shift_left3A_1763 = arith.shli %add3A_1759, %shift_left3A_1762 : vector<256x128xi32>
    %shift_right_logical3A_1764 = arith.constant 15 : i32
    %shift_right_logical3A_1765 = vector.broadcast %shift_right_logical3A_1764 : i32 to vector<256x128xi32>
    %shift_right_logical3A_1766 = arith.shrui %add3A_1759, %shift_right_logical3A_1765 : vector<256x128xi32>
    %or3A_1767 = arith.ori %shift_left3A_1763, %shift_right_logical3A_1766 : vector<256x128xi32>
    %xor3A_1768 = arith.xori %or3A_1767, %add3A_1760 : vector<256x128xi32>
    %add3A_1769 = arith.addi %add3A_1760, %xor3A_1768 : vector<256x128xi32>
    %shift_left3A_1770 = arith.constant 29 : i32
    %shift_left3A_1771 = vector.broadcast %shift_left3A_1770 : i32 to vector<256x128xi32>
    %shift_left3A_1772 = arith.shli %xor3A_1768, %shift_left3A_1771 : vector<256x128xi32>
    %shift_right_logical3A_1773 = arith.constant 3 : i32
    %shift_right_logical3A_1774 = vector.broadcast %shift_right_logical3A_1773 : i32 to vector<256x128xi32>
    %shift_right_logical3A_1775 = arith.shrui %xor3A_1768, %shift_right_logical3A_1774 : vector<256x128xi32>
    %or3A_1776 = arith.ori %shift_left3A_1772, %shift_right_logical3A_1775 : vector<256x128xi32>
    %xor3A_1777 = arith.xori %or3A_1776, %add3A_1769 : vector<256x128xi32>
    %add3A_1778 = arith.addi %add3A_1769, %xor3A_1777 : vector<256x128xi32>
    %shift_left3A_1779 = arith.constant 16 : i32
    %shift_left3A_1780 = vector.broadcast %shift_left3A_1779 : i32 to vector<256x128xi32>
    %shift_left3A_1781 = arith.shli %xor3A_1777, %shift_left3A_1780 : vector<256x128xi32>
    %shift_right_logical3A_1782 = arith.constant 16 : i32
    %shift_right_logical3A_1783 = vector.broadcast %shift_right_logical3A_1782 : i32 to vector<256x128xi32>
    %shift_right_logical3A_1784 = arith.shrui %xor3A_1777, %shift_right_logical3A_1783 : vector<256x128xi32>
    %or3A_1785 = arith.ori %shift_left3A_1781, %shift_right_logical3A_1784 : vector<256x128xi32>
    %xor3A_1786 = arith.xori %or3A_1785, %add3A_1778 : vector<256x128xi32>
    %add3A_1787 = arith.addi %add3A_1778, %xor3A_1786 : vector<256x128xi32>
    %shift_left3A_1788 = arith.constant 24 : i32
    %shift_left3A_1789 = vector.broadcast %shift_left3A_1788 : i32 to vector<256x128xi32>
    %shift_left3A_1790 = arith.shli %xor3A_1786, %shift_left3A_1789 : vector<256x128xi32>
    %shift_right_logical3A_1791 = arith.constant 8 : i32
    %shift_right_logical3A_1792 = vector.broadcast %shift_right_logical3A_1791 : i32 to vector<256x128xi32>
    %shift_right_logical3A_1793 = arith.shrui %xor3A_1786, %shift_right_logical3A_1792 : vector<256x128xi32>
    %or3A_1794 = arith.ori %shift_left3A_1790, %shift_right_logical3A_1793 : vector<256x128xi32>
    %xor3A_1795 = arith.xori %or3A_1794, %add3A_1787 : vector<256x128xi32>
    %add3A_1796 = arith.constant 466689008 : i32
    %add3A_1797 = vector.broadcast %add3A_1796 : i32 to vector<256x128xi32>
    %add3A_1798 = arith.addi %add3A_1787, %add3A_1797 : vector<256x128xi32>
    %add3A_1799 = arith.constant 2 : i32
    %add3A_1800 = vector.broadcast %add3A_1799 : i32 to vector<256x128xi32>
    %add3A_1801 = arith.addi %xor3A_1795, %add3A_1800 : vector<256x128xi32>
    %add3A_1802 = arith.addi %add3A_1798, %add3A_1801 : vector<256x128xi32>
    %shift_left3A_1803 = arith.constant 13 : i32
    %shift_left3A_1804 = vector.broadcast %shift_left3A_1803 : i32 to vector<256x128xi32>
    %shift_left3A_1805 = arith.shli %add3A_1801, %shift_left3A_1804 : vector<256x128xi32>
    %shift_right_logical3A_1806 = arith.constant 19 : i32
    %shift_right_logical3A_1807 = vector.broadcast %shift_right_logical3A_1806 : i32 to vector<256x128xi32>
    %shift_right_logical3A_1808 = arith.shrui %add3A_1801, %shift_right_logical3A_1807 : vector<256x128xi32>
    %or3A_1809 = arith.ori %shift_left3A_1805, %shift_right_logical3A_1808 : vector<256x128xi32>
    %xor3A_1810 = arith.xori %or3A_1809, %add3A_1802 : vector<256x128xi32>
    %add3A_1811 = arith.addi %add3A_1802, %xor3A_1810 : vector<256x128xi32>
    %shift_left3A_1812 = arith.constant 15 : i32
    %shift_left3A_1813 = vector.broadcast %shift_left3A_1812 : i32 to vector<256x128xi32>
    %shift_left3A_1814 = arith.shli %xor3A_1810, %shift_left3A_1813 : vector<256x128xi32>
    %shift_right_logical3A_1815 = arith.constant 17 : i32
    %shift_right_logical3A_1816 = vector.broadcast %shift_right_logical3A_1815 : i32 to vector<256x128xi32>
    %shift_right_logical3A_1817 = arith.shrui %xor3A_1810, %shift_right_logical3A_1816 : vector<256x128xi32>
    %or3A_1818 = arith.ori %shift_left3A_1814, %shift_right_logical3A_1817 : vector<256x128xi32>
    %xor3A_1819 = arith.xori %or3A_1818, %add3A_1811 : vector<256x128xi32>
    %add3A_1820 = arith.addi %add3A_1811, %xor3A_1819 : vector<256x128xi32>
    %shift_left3A_1821 = arith.constant 26 : i32
    %shift_left3A_1822 = vector.broadcast %shift_left3A_1821 : i32 to vector<256x128xi32>
    %shift_left3A_1823 = arith.shli %xor3A_1819, %shift_left3A_1822 : vector<256x128xi32>
    %shift_right_logical3A_1824 = arith.constant 6 : i32
    %shift_right_logical3A_1825 = vector.broadcast %shift_right_logical3A_1824 : i32 to vector<256x128xi32>
    %shift_right_logical3A_1826 = arith.shrui %xor3A_1819, %shift_right_logical3A_1825 : vector<256x128xi32>
    %or3A_1827 = arith.ori %shift_left3A_1823, %shift_right_logical3A_1826 : vector<256x128xi32>
    %xor3A_1828 = arith.xori %or3A_1827, %add3A_1820 : vector<256x128xi32>
    %add3A_1829 = arith.addi %add3A_1820, %xor3A_1828 : vector<256x128xi32>
    %shift_left3A_1830 = arith.constant 6 : i32
    %shift_left3A_1831 = vector.broadcast %shift_left3A_1830 : i32 to vector<256x128xi32>
    %shift_left3A_1832 = arith.shli %xor3A_1828, %shift_left3A_1831 : vector<256x128xi32>
    %shift_right_logical3A_1833 = arith.constant 26 : i32
    %shift_right_logical3A_1834 = vector.broadcast %shift_right_logical3A_1833 : i32 to vector<256x128xi32>
    %shift_right_logical3A_1835 = arith.shrui %xor3A_1828, %shift_right_logical3A_1834 : vector<256x128xi32>
    %or3A_1836 = arith.ori %shift_left3A_1832, %shift_right_logical3A_1835 : vector<256x128xi32>
    %xor3A_1837 = arith.xori %or3A_1836, %add3A_1829 : vector<256x128xi32>
    %add3A_1838 = arith.constant 0 : i32
    %add3A_1839 = vector.broadcast %add3A_1838 : i32 to vector<256x128xi32>
    %add3A_1840 = arith.addi %add3A_1829, %add3A_1839 : vector<256x128xi32>
    %add3A_1841 = arith.constant 45 : i32
    %add3A_1842 = vector.broadcast %add3A_1841 : i32 to vector<256x128xi32>
    %add3A_1843 = arith.addi %xor3A_1837, %add3A_1842 : vector<256x128xi32>
    %add3A_1844 = arith.addi %add3A_1840, %add3A_1843 : vector<256x128xi32>
    %shift_left3A_1845 = arith.constant 17 : i32
    %shift_left3A_1846 = vector.broadcast %shift_left3A_1845 : i32 to vector<256x128xi32>
    %shift_left3A_1847 = arith.shli %add3A_1843, %shift_left3A_1846 : vector<256x128xi32>
    %shift_right_logical3A_1848 = arith.constant 15 : i32
    %shift_right_logical3A_1849 = vector.broadcast %shift_right_logical3A_1848 : i32 to vector<256x128xi32>
    %shift_right_logical3A_1850 = arith.shrui %add3A_1843, %shift_right_logical3A_1849 : vector<256x128xi32>
    %or3A_1851 = arith.ori %shift_left3A_1847, %shift_right_logical3A_1850 : vector<256x128xi32>
    %xor3A_1852 = arith.xori %or3A_1851, %add3A_1844 : vector<256x128xi32>
    %add3A_1853 = arith.addi %add3A_1844, %xor3A_1852 : vector<256x128xi32>
    %shift_left3A_1854 = arith.constant 29 : i32
    %shift_left3A_1855 = vector.broadcast %shift_left3A_1854 : i32 to vector<256x128xi32>
    %shift_left3A_1856 = arith.shli %xor3A_1852, %shift_left3A_1855 : vector<256x128xi32>
    %shift_right_logical3A_1857 = arith.constant 3 : i32
    %shift_right_logical3A_1858 = vector.broadcast %shift_right_logical3A_1857 : i32 to vector<256x128xi32>
    %shift_right_logical3A_1859 = arith.shrui %xor3A_1852, %shift_right_logical3A_1858 : vector<256x128xi32>
    %or3A_1860 = arith.ori %shift_left3A_1856, %shift_right_logical3A_1859 : vector<256x128xi32>
    %xor3A_1861 = arith.xori %or3A_1860, %add3A_1853 : vector<256x128xi32>
    %add3A_1862 = arith.addi %add3A_1853, %xor3A_1861 : vector<256x128xi32>
    %shift_left3A_1863 = arith.constant 16 : i32
    %shift_left3A_1864 = vector.broadcast %shift_left3A_1863 : i32 to vector<256x128xi32>
    %shift_left3A_1865 = arith.shli %xor3A_1861, %shift_left3A_1864 : vector<256x128xi32>
    %shift_right_logical3A_1866 = arith.constant 16 : i32
    %shift_right_logical3A_1867 = vector.broadcast %shift_right_logical3A_1866 : i32 to vector<256x128xi32>
    %shift_right_logical3A_1868 = arith.shrui %xor3A_1861, %shift_right_logical3A_1867 : vector<256x128xi32>
    %or3A_1869 = arith.ori %shift_left3A_1865, %shift_right_logical3A_1868 : vector<256x128xi32>
    %xor3A_1870 = arith.xori %or3A_1869, %add3A_1862 : vector<256x128xi32>
    %add3A_1871 = arith.addi %add3A_1862, %xor3A_1870 : vector<256x128xi32>
    %shift_left3A_1872 = arith.constant 24 : i32
    %shift_left3A_1873 = vector.broadcast %shift_left3A_1872 : i32 to vector<256x128xi32>
    %shift_left3A_1874 = arith.shli %xor3A_1870, %shift_left3A_1873 : vector<256x128xi32>
    %shift_right_logical3A_1875 = arith.constant 8 : i32
    %shift_right_logical3A_1876 = vector.broadcast %shift_right_logical3A_1875 : i32 to vector<256x128xi32>
    %shift_right_logical3A_1877 = arith.shrui %xor3A_1870, %shift_right_logical3A_1876 : vector<256x128xi32>
    %or3A_1878 = arith.ori %shift_left3A_1874, %shift_right_logical3A_1877 : vector<256x128xi32>
    %xor3A_1879 = arith.xori %or3A_1878, %add3A_1871 : vector<256x128xi32>
    %add3A_1880 = arith.constant 42 : i32
    %add3A_1881 = vector.broadcast %add3A_1880 : i32 to vector<256x128xi32>
    %add3A_1882 = arith.addi %add3A_1871, %add3A_1881 : vector<256x128xi32>
    %add3A_1883 = arith.constant 466689012 : i32
    %add3A_1884 = vector.broadcast %add3A_1883 : i32 to vector<256x128xi32>
    %add3A_1885 = arith.addi %xor3A_1879, %add3A_1884 : vector<256x128xi32>
    %add3A_1886 = arith.addi %add3A_1882, %add3A_1885 : vector<256x128xi32>
    %shift_left3A_1887 = arith.constant 13 : i32
    %shift_left3A_1888 = vector.broadcast %shift_left3A_1887 : i32 to vector<256x128xi32>
    %shift_left3A_1889 = arith.shli %add3A_1885, %shift_left3A_1888 : vector<256x128xi32>
    %shift_right_logical3A_1890 = arith.constant 19 : i32
    %shift_right_logical3A_1891 = vector.broadcast %shift_right_logical3A_1890 : i32 to vector<256x128xi32>
    %shift_right_logical3A_1892 = arith.shrui %add3A_1885, %shift_right_logical3A_1891 : vector<256x128xi32>
    %or3A_1893 = arith.ori %shift_left3A_1889, %shift_right_logical3A_1892 : vector<256x128xi32>
    %xor3A_1894 = arith.xori %or3A_1893, %add3A_1886 : vector<256x128xi32>
    %add3A_1895 = arith.addi %add3A_1886, %xor3A_1894 : vector<256x128xi32>
    %shift_left3A_1896 = arith.constant 15 : i32
    %shift_left3A_1897 = vector.broadcast %shift_left3A_1896 : i32 to vector<256x128xi32>
    %shift_left3A_1898 = arith.shli %xor3A_1894, %shift_left3A_1897 : vector<256x128xi32>
    %shift_right_logical3A_1899 = arith.constant 17 : i32
    %shift_right_logical3A_1900 = vector.broadcast %shift_right_logical3A_1899 : i32 to vector<256x128xi32>
    %shift_right_logical3A_1901 = arith.shrui %xor3A_1894, %shift_right_logical3A_1900 : vector<256x128xi32>
    %or3A_1902 = arith.ori %shift_left3A_1898, %shift_right_logical3A_1901 : vector<256x128xi32>
    %xor3A_1903 = arith.xori %or3A_1902, %add3A_1895 : vector<256x128xi32>
    %add3A_1904 = arith.addi %add3A_1895, %xor3A_1903 : vector<256x128xi32>
    %shift_left3A_1905 = arith.constant 26 : i32
    %shift_left3A_1906 = vector.broadcast %shift_left3A_1905 : i32 to vector<256x128xi32>
    %shift_left3A_1907 = arith.shli %xor3A_1903, %shift_left3A_1906 : vector<256x128xi32>
    %shift_right_logical3A_1908 = arith.constant 6 : i32
    %shift_right_logical3A_1909 = vector.broadcast %shift_right_logical3A_1908 : i32 to vector<256x128xi32>
    %shift_right_logical3A_1910 = arith.shrui %xor3A_1903, %shift_right_logical3A_1909 : vector<256x128xi32>
    %or3A_1911 = arith.ori %shift_left3A_1907, %shift_right_logical3A_1910 : vector<256x128xi32>
    %xor3A_1912 = arith.xori %or3A_1911, %add3A_1904 : vector<256x128xi32>
    %add3A_1913 = arith.addi %add3A_1904, %xor3A_1912 : vector<256x128xi32>
    %shift_left3A_1914 = arith.constant 6 : i32
    %shift_left3A_1915 = vector.broadcast %shift_left3A_1914 : i32 to vector<256x128xi32>
    %shift_left3A_1916 = arith.shli %xor3A_1912, %shift_left3A_1915 : vector<256x128xi32>
    %shift_right_logical3A_1917 = arith.constant 26 : i32
    %shift_right_logical3A_1918 = vector.broadcast %shift_right_logical3A_1917 : i32 to vector<256x128xi32>
    %shift_right_logical3A_1919 = arith.shrui %xor3A_1912, %shift_right_logical3A_1918 : vector<256x128xi32>
    %or3A_1920 = arith.ori %shift_left3A_1916, %shift_right_logical3A_1919 : vector<256x128xi32>
    %xor3A_1921 = arith.xori %or3A_1920, %add3A_1913 : vector<256x128xi32>
    %add3A_1922 = arith.constant 466689008 : i32
    %add3A_1923 = vector.broadcast %add3A_1922 : i32 to vector<256x128xi32>
    %add3A_1924 = arith.addi %add3A_1913, %add3A_1923 : vector<256x128xi32>
    %add3A_1925 = arith.constant 5 : i32
    %add3A_1926 = vector.broadcast %add3A_1925 : i32 to vector<256x128xi32>
    %add3A_1927 = arith.addi %xor3A_1921, %add3A_1926 : vector<256x128xi32>
    %xor3A_1928 = arith.xori %add3A_1924, %add3A_1927 : vector<256x128xi32>
    %shift_right_logical3A_1929 = arith.constant 9 : i32
    %shift_right_logical3A_1930 = vector.broadcast %shift_right_logical3A_1929 : i32 to vector<256x128xi32>
    %shift_right_logical3A_1931 = arith.shrui %xor3A_1928, %shift_right_logical3A_1930 : vector<256x128xi32>
    %or3A_1932 = arith.constant 1065353216 : i32
    %or3A_1933 = vector.broadcast %or3A_1932 : i32 to vector<256x128xi32>
    %or3A_1934 = arith.ori %shift_right_logical3A_1931, %or3A_1933 : vector<256x128xi32>
    %bitcast_convert_type3A_1935 = tpu.bitcast %or3A_1934 : vector<256x128xi32> -> vector<256x128xf32>
    %sub3A_1936 = arith.constant 1.000000e+00 : f32
    %sub3A_1937 = vector.broadcast %sub3A_1936 : f32 to vector<256x128xf32>
    %sub3A_1938 = arith.subf %bitcast_convert_type3A_1935, %sub3A_1937 : vector<256x128xf32>
    %add3A_1939 = arith.constant 1.17549435E-38 : f32
    %add3A_1940 = vector.broadcast %add3A_1939 : f32 to vector<256x128xf32>
    %add3A_1941 = arith.addf %sub3A_1938, %add3A_1940 : vector<256x128xf32>
    %log3A_1942 = math.log %add3A_1941 : vector<256x128xf32>
    %neg3A_1943 = arith.constant 0.000000e+00 : f32
    %neg3A_1944 = vector.broadcast %neg3A_1943 : f32 to vector<256x128xf32>
    %neg3A_1945 = arith.subf %neg3A_1944, %log3A_1942 : vector<256x128xf32>
    %mul3A_1946 = arith.mulf %neg3A_1945, %div3A_35 : vector<256x128xf32>
    %get3A_1947 = arith.constant 6 : index
    %get3A_1948 = arith.constant 0 : index
    %get3A_1949 = arith.constant 0 : index
    %get3A_1950 = vector.load %arg6[%get3A_1947, %get3A_1948, %get3A_1949] : memref<8x256x128xf32, #tpu.memory_space<vmem>>, vector<1x256x128xf32>
    %get3A_1951 = vector.shape_cast %get3A_1950 : vector<1x256x128xf32> to vector<256x128xf32>
    %lt3A_1952 = arith.cmpf olt, %mul3A_1946, %get3A_1951 : vector<256x128xf32>
    %get3A_1953 = arith.constant 6 : index
    %get3A_1954 = arith.constant 0 : index
    %get3A_1955 = arith.constant 0 : index
    %get3A_1956 = vector.load %arg7[%get3A_1953, %get3A_1954, %get3A_1955] : memref<8x256x128xi32, #tpu.memory_space<vmem>>, vector<1x256x128xi32>
    %get3A_1957 = vector.shape_cast %get3A_1956 : vector<1x256x128xi32> to vector<256x128xi32>
    %select_n3A_1958 = arith.select %lt3A_1952, %add3A_19, %get3A_1957 : vector<256x128xi1>, vector<256x128xi32>
    %swap3A_1959 = arith.constant 6 : index
    %swap3A_1960 = arith.constant 0 : index
    %swap3A_1961 = arith.constant 0 : index
    %swap3A_1962 = vector.load %arg7[%swap3A_1959, %swap3A_1960, %swap3A_1961] : memref<8x256x128xi32, #tpu.memory_space<vmem>>, vector<1x256x128xi32>
    %swap3A_1963 = vector.shape_cast %swap3A_1962 : vector<1x256x128xi32> to vector<256x128xi32>
    %swap3A_1964 = vector.shape_cast %select_n3A_1958 : vector<256x128xi32> to vector<1x256x128xi32>
    tpu.vector_store %arg7[%swap3A_1959, %swap3A_1960, %swap3A_1961], %swap3A_1964 {strides = array<i32>} : memref<8x256x128xi32, #tpu.memory_space<vmem>>, vector<1x256x128xi32>,
    %get3A_1965 = arith.constant 6 : index
    %get3A_1966 = arith.constant 0 : index
    %get3A_1967 = arith.constant 0 : index
    %get3A_1968 = vector.load %arg8[%get3A_1965, %get3A_1966, %get3A_1967] : memref<8x256x128xf32, #tpu.memory_space<vmem>>, vector<1x256x128xf32>
    %get3A_1969 = vector.shape_cast %get3A_1968 : vector<1x256x128xf32> to vector<256x128xf32>
    %select_n3A_1970 = arith.select %lt3A_1952, %neg3A_1945, %get3A_1969 : vector<256x128xi1>, vector<256x128xf32>
    %swap3A_1971 = arith.constant 6 : index
    %swap3A_1972 = arith.constant 0 : index
    %swap3A_1973 = arith.constant 0 : index
    %swap3A_1974 = vector.load %arg8[%swap3A_1971, %swap3A_1972, %swap3A_1973] : memref<8x256x128xf32, #tpu.memory_space<vmem>>, vector<1x256x128xf32>
    %swap3A_1975 = vector.shape_cast %swap3A_1974 : vector<1x256x128xf32> to vector<256x128xf32>
    %swap3A_1976 = vector.shape_cast %select_n3A_1970 : vector<256x128xf32> to vector<1x256x128xf32>
    tpu.vector_store %arg8[%swap3A_1971, %swap3A_1972, %swap3A_1973], %swap3A_1976 {strides = array<i32>} : memref<8x256x128xf32, #tpu.memory_space<vmem>>, vector<1x256x128xf32>,
    %get3A_1977 = arith.constant 6 : index
    %get3A_1978 = arith.constant 0 : index
    %get3A_1979 = arith.constant 0 : index
    %get3A_1980 = vector.load %arg6[%get3A_1977, %get3A_1978, %get3A_1979] : memref<8x256x128xf32, #tpu.memory_space<vmem>>, vector<1x256x128xf32>
    %get3A_1981 = vector.shape_cast %get3A_1980 : vector<1x256x128xf32> to vector<256x128xf32>
    %select_n3A_1982 = arith.select %lt3A_1952, %mul3A_1946, %get3A_1981 : vector<256x128xi1>, vector<256x128xf32>
    %swap3A_1983 = arith.constant 6 : index
    %swap3A_1984 = arith.constant 0 : index
    %swap3A_1985 = arith.constant 0 : index
    %swap3A_1986 = vector.load %arg6[%swap3A_1983, %swap3A_1984, %swap3A_1985] : memref<8x256x128xf32, #tpu.memory_space<vmem>>, vector<1x256x128xf32>
    %swap3A_1987 = vector.shape_cast %swap3A_1986 : vector<1x256x128xf32> to vector<256x128xf32>
    %swap3A_1988 = vector.shape_cast %select_n3A_1982 : vector<256x128xf32> to vector<1x256x128xf32>
    tpu.vector_store %arg6[%swap3A_1983, %swap3A_1984, %swap3A_1985], %swap3A_1988 {strides = array<i32>} : memref<8x256x128xf32, #tpu.memory_space<vmem>>, vector<1x256x128xf32>,
    %add3A_1989 = arith.constant 112000000 : i32
    %add3A_1990 = arith.addi %mul3A_37, %add3A_1989 : i32
    %add3A_1991 = vector.broadcast %add3A_1990 : i32 to vector<256x128xi32>
    %add3A_1992 = arith.addi %add3A_19, %add3A_1991 : vector<256x128xi32>
    %broadcast_in_dim3A_1993 = arith.constant 0 : i32
    %broadcast_in_dim3A_1994 = vector.broadcast %broadcast_in_dim3A_1993 : i32 to vector<256x128xi32>
    %add3A_1995 = arith.constant 42 : i32
    %add3A_1996 = vector.broadcast %add3A_1995 : i32 to vector<256x128xi32>
    %add3A_1997 = arith.addi %add3A_1992, %add3A_1996 : vector<256x128xi32>
    %add3A_1998 = arith.addi %broadcast_in_dim3A_1994, %add3A_1997 : vector<256x128xi32>
    %shift_left3A_1999 = arith.constant 13 : i32
    %shift_left3A_2000 = vector.broadcast %shift_left3A_1999 : i32 to vector<256x128xi32>
    %shift_left3A_2001 = arith.shli %add3A_1997, %shift_left3A_2000 : vector<256x128xi32>
    %shift_right_logical3A_2002 = arith.constant 19 : i32
    %shift_right_logical3A_2003 = vector.broadcast %shift_right_logical3A_2002 : i32 to vector<256x128xi32>
    %shift_right_logical3A_2004 = arith.shrui %add3A_1997, %shift_right_logical3A_2003 : vector<256x128xi32>
    %or3A_2005 = arith.ori %shift_left3A_2001, %shift_right_logical3A_2004 : vector<256x128xi32>
    %xor3A_2006 = arith.xori %or3A_2005, %add3A_1998 : vector<256x128xi32>
    %add3A_2007 = arith.addi %add3A_1998, %xor3A_2006 : vector<256x128xi32>
    %shift_left3A_2008 = arith.constant 15 : i32
    %shift_left3A_2009 = vector.broadcast %shift_left3A_2008 : i32 to vector<256x128xi32>
    %shift_left3A_2010 = arith.shli %xor3A_2006, %shift_left3A_2009 : vector<256x128xi32>
    %shift_right_logical3A_2011 = arith.constant 17 : i32
    %shift_right_logical3A_2012 = vector.broadcast %shift_right_logical3A_2011 : i32 to vector<256x128xi32>
    %shift_right_logical3A_2013 = arith.shrui %xor3A_2006, %shift_right_logical3A_2012 : vector<256x128xi32>
    %or3A_2014 = arith.ori %shift_left3A_2010, %shift_right_logical3A_2013 : vector<256x128xi32>
    %xor3A_2015 = arith.xori %or3A_2014, %add3A_2007 : vector<256x128xi32>
    %add3A_2016 = arith.addi %add3A_2007, %xor3A_2015 : vector<256x128xi32>
    %shift_left3A_2017 = arith.constant 26 : i32
    %shift_left3A_2018 = vector.broadcast %shift_left3A_2017 : i32 to vector<256x128xi32>
    %shift_left3A_2019 = arith.shli %xor3A_2015, %shift_left3A_2018 : vector<256x128xi32>
    %shift_right_logical3A_2020 = arith.constant 6 : i32
    %shift_right_logical3A_2021 = vector.broadcast %shift_right_logical3A_2020 : i32 to vector<256x128xi32>
    %shift_right_logical3A_2022 = arith.shrui %xor3A_2015, %shift_right_logical3A_2021 : vector<256x128xi32>
    %or3A_2023 = arith.ori %shift_left3A_2019, %shift_right_logical3A_2022 : vector<256x128xi32>
    %xor3A_2024 = arith.xori %or3A_2023, %add3A_2016 : vector<256x128xi32>
    %add3A_2025 = arith.addi %add3A_2016, %xor3A_2024 : vector<256x128xi32>
    %shift_left3A_2026 = arith.constant 6 : i32
    %shift_left3A_2027 = vector.broadcast %shift_left3A_2026 : i32 to vector<256x128xi32>
    %shift_left3A_2028 = arith.shli %xor3A_2024, %shift_left3A_2027 : vector<256x128xi32>
    %shift_right_logical3A_2029 = arith.constant 26 : i32
    %shift_right_logical3A_2030 = vector.broadcast %shift_right_logical3A_2029 : i32 to vector<256x128xi32>
    %shift_right_logical3A_2031 = arith.shrui %xor3A_2024, %shift_right_logical3A_2030 : vector<256x128xi32>
    %or3A_2032 = arith.ori %shift_left3A_2028, %shift_right_logical3A_2031 : vector<256x128xi32>
    %xor3A_2033 = arith.xori %or3A_2032, %add3A_2025 : vector<256x128xi32>
    %add3A_2034 = arith.constant 42 : i32
    %add3A_2035 = vector.broadcast %add3A_2034 : i32 to vector<256x128xi32>
    %add3A_2036 = arith.addi %add3A_2025, %add3A_2035 : vector<256x128xi32>
    %add3A_2037 = arith.constant 466689009 : i32
    %add3A_2038 = vector.broadcast %add3A_2037 : i32 to vector<256x128xi32>
    %add3A_2039 = arith.addi %xor3A_2033, %add3A_2038 : vector<256x128xi32>
    %add3A_2040 = arith.addi %add3A_2036, %add3A_2039 : vector<256x128xi32>
    %shift_left3A_2041 = arith.constant 17 : i32
    %shift_left3A_2042 = vector.broadcast %shift_left3A_2041 : i32 to vector<256x128xi32>
    %shift_left3A_2043 = arith.shli %add3A_2039, %shift_left3A_2042 : vector<256x128xi32>
    %shift_right_logical3A_2044 = arith.constant 15 : i32
    %shift_right_logical3A_2045 = vector.broadcast %shift_right_logical3A_2044 : i32 to vector<256x128xi32>
    %shift_right_logical3A_2046 = arith.shrui %add3A_2039, %shift_right_logical3A_2045 : vector<256x128xi32>
    %or3A_2047 = arith.ori %shift_left3A_2043, %shift_right_logical3A_2046 : vector<256x128xi32>
    %xor3A_2048 = arith.xori %or3A_2047, %add3A_2040 : vector<256x128xi32>
    %add3A_2049 = arith.addi %add3A_2040, %xor3A_2048 : vector<256x128xi32>
    %shift_left3A_2050 = arith.constant 29 : i32
    %shift_left3A_2051 = vector.broadcast %shift_left3A_2050 : i32 to vector<256x128xi32>
    %shift_left3A_2052 = arith.shli %xor3A_2048, %shift_left3A_2051 : vector<256x128xi32>
    %shift_right_logical3A_2053 = arith.constant 3 : i32
    %shift_right_logical3A_2054 = vector.broadcast %shift_right_logical3A_2053 : i32 to vector<256x128xi32>
    %shift_right_logical3A_2055 = arith.shrui %xor3A_2048, %shift_right_logical3A_2054 : vector<256x128xi32>
    %or3A_2056 = arith.ori %shift_left3A_2052, %shift_right_logical3A_2055 : vector<256x128xi32>
    %xor3A_2057 = arith.xori %or3A_2056, %add3A_2049 : vector<256x128xi32>
    %add3A_2058 = arith.addi %add3A_2049, %xor3A_2057 : vector<256x128xi32>
    %shift_left3A_2059 = arith.constant 16 : i32
    %shift_left3A_2060 = vector.broadcast %shift_left3A_2059 : i32 to vector<256x128xi32>
    %shift_left3A_2061 = arith.shli %xor3A_2057, %shift_left3A_2060 : vector<256x128xi32>
    %shift_right_logical3A_2062 = arith.constant 16 : i32
    %shift_right_logical3A_2063 = vector.broadcast %shift_right_logical3A_2062 : i32 to vector<256x128xi32>
    %shift_right_logical3A_2064 = arith.shrui %xor3A_2057, %shift_right_logical3A_2063 : vector<256x128xi32>
    %or3A_2065 = arith.ori %shift_left3A_2061, %shift_right_logical3A_2064 : vector<256x128xi32>
    %xor3A_2066 = arith.xori %or3A_2065, %add3A_2058 : vector<256x128xi32>
    %add3A_2067 = arith.addi %add3A_2058, %xor3A_2066 : vector<256x128xi32>
    %shift_left3A_2068 = arith.constant 24 : i32
    %shift_left3A_2069 = vector.broadcast %shift_left3A_2068 : i32 to vector<256x128xi32>
    %shift_left3A_2070 = arith.shli %xor3A_2066, %shift_left3A_2069 : vector<256x128xi32>
    %shift_right_logical3A_2071 = arith.constant 8 : i32
    %shift_right_logical3A_2072 = vector.broadcast %shift_right_logical3A_2071 : i32 to vector<256x128xi32>
    %shift_right_logical3A_2073 = arith.shrui %xor3A_2066, %shift_right_logical3A_2072 : vector<256x128xi32>
    %or3A_2074 = arith.ori %shift_left3A_2070, %shift_right_logical3A_2073 : vector<256x128xi32>
    %xor3A_2075 = arith.xori %or3A_2074, %add3A_2067 : vector<256x128xi32>
    %add3A_2076 = arith.constant 466689008 : i32
    %add3A_2077 = vector.broadcast %add3A_2076 : i32 to vector<256x128xi32>
    %add3A_2078 = arith.addi %add3A_2067, %add3A_2077 : vector<256x128xi32>
    %add3A_2079 = arith.constant 2 : i32
    %add3A_2080 = vector.broadcast %add3A_2079 : i32 to vector<256x128xi32>
    %add3A_2081 = arith.addi %xor3A_2075, %add3A_2080 : vector<256x128xi32>
    %add3A_2082 = arith.addi %add3A_2078, %add3A_2081 : vector<256x128xi32>
    %shift_left3A_2083 = arith.constant 13 : i32
    %shift_left3A_2084 = vector.broadcast %shift_left3A_2083 : i32 to vector<256x128xi32>
    %shift_left3A_2085 = arith.shli %add3A_2081, %shift_left3A_2084 : vector<256x128xi32>
    %shift_right_logical3A_2086 = arith.constant 19 : i32
    %shift_right_logical3A_2087 = vector.broadcast %shift_right_logical3A_2086 : i32 to vector<256x128xi32>
    %shift_right_logical3A_2088 = arith.shrui %add3A_2081, %shift_right_logical3A_2087 : vector<256x128xi32>
    %or3A_2089 = arith.ori %shift_left3A_2085, %shift_right_logical3A_2088 : vector<256x128xi32>
    %xor3A_2090 = arith.xori %or3A_2089, %add3A_2082 : vector<256x128xi32>
    %add3A_2091 = arith.addi %add3A_2082, %xor3A_2090 : vector<256x128xi32>
    %shift_left3A_2092 = arith.constant 15 : i32
    %shift_left3A_2093 = vector.broadcast %shift_left3A_2092 : i32 to vector<256x128xi32>
    %shift_left3A_2094 = arith.shli %xor3A_2090, %shift_left3A_2093 : vector<256x128xi32>
    %shift_right_logical3A_2095 = arith.constant 17 : i32
    %shift_right_logical3A_2096 = vector.broadcast %shift_right_logical3A_2095 : i32 to vector<256x128xi32>
    %shift_right_logical3A_2097 = arith.shrui %xor3A_2090, %shift_right_logical3A_2096 : vector<256x128xi32>
    %or3A_2098 = arith.ori %shift_left3A_2094, %shift_right_logical3A_2097 : vector<256x128xi32>
    %xor3A_2099 = arith.xori %or3A_2098, %add3A_2091 : vector<256x128xi32>
    %add3A_2100 = arith.addi %add3A_2091, %xor3A_2099 : vector<256x128xi32>
    %shift_left3A_2101 = arith.constant 26 : i32
    %shift_left3A_2102 = vector.broadcast %shift_left3A_2101 : i32 to vector<256x128xi32>
    %shift_left3A_2103 = arith.shli %xor3A_2099, %shift_left3A_2102 : vector<256x128xi32>
    %shift_right_logical3A_2104 = arith.constant 6 : i32
    %shift_right_logical3A_2105 = vector.broadcast %shift_right_logical3A_2104 : i32 to vector<256x128xi32>
    %shift_right_logical3A_2106 = arith.shrui %xor3A_2099, %shift_right_logical3A_2105 : vector<256x128xi32>
    %or3A_2107 = arith.ori %shift_left3A_2103, %shift_right_logical3A_2106 : vector<256x128xi32>
    %xor3A_2108 = arith.xori %or3A_2107, %add3A_2100 : vector<256x128xi32>
    %add3A_2109 = arith.addi %add3A_2100, %xor3A_2108 : vector<256x128xi32>
    %shift_left3A_2110 = arith.constant 6 : i32
    %shift_left3A_2111 = vector.broadcast %shift_left3A_2110 : i32 to vector<256x128xi32>
    %shift_left3A_2112 = arith.shli %xor3A_2108, %shift_left3A_2111 : vector<256x128xi32>
    %shift_right_logical3A_2113 = arith.constant 26 : i32
    %shift_right_logical3A_2114 = vector.broadcast %shift_right_logical3A_2113 : i32 to vector<256x128xi32>
    %shift_right_logical3A_2115 = arith.shrui %xor3A_2108, %shift_right_logical3A_2114 : vector<256x128xi32>
    %or3A_2116 = arith.ori %shift_left3A_2112, %shift_right_logical3A_2115 : vector<256x128xi32>
    %xor3A_2117 = arith.xori %or3A_2116, %add3A_2109 : vector<256x128xi32>
    %add3A_2118 = arith.constant 0 : i32
    %add3A_2119 = vector.broadcast %add3A_2118 : i32 to vector<256x128xi32>
    %add3A_2120 = arith.addi %add3A_2109, %add3A_2119 : vector<256x128xi32>
    %add3A_2121 = arith.constant 45 : i32
    %add3A_2122 = vector.broadcast %add3A_2121 : i32 to vector<256x128xi32>
    %add3A_2123 = arith.addi %xor3A_2117, %add3A_2122 : vector<256x128xi32>
    %add3A_2124 = arith.addi %add3A_2120, %add3A_2123 : vector<256x128xi32>
    %shift_left3A_2125 = arith.constant 17 : i32
    %shift_left3A_2126 = vector.broadcast %shift_left3A_2125 : i32 to vector<256x128xi32>
    %shift_left3A_2127 = arith.shli %add3A_2123, %shift_left3A_2126 : vector<256x128xi32>
    %shift_right_logical3A_2128 = arith.constant 15 : i32
    %shift_right_logical3A_2129 = vector.broadcast %shift_right_logical3A_2128 : i32 to vector<256x128xi32>
    %shift_right_logical3A_2130 = arith.shrui %add3A_2123, %shift_right_logical3A_2129 : vector<256x128xi32>
    %or3A_2131 = arith.ori %shift_left3A_2127, %shift_right_logical3A_2130 : vector<256x128xi32>
    %xor3A_2132 = arith.xori %or3A_2131, %add3A_2124 : vector<256x128xi32>
    %add3A_2133 = arith.addi %add3A_2124, %xor3A_2132 : vector<256x128xi32>
    %shift_left3A_2134 = arith.constant 29 : i32
    %shift_left3A_2135 = vector.broadcast %shift_left3A_2134 : i32 to vector<256x128xi32>
    %shift_left3A_2136 = arith.shli %xor3A_2132, %shift_left3A_2135 : vector<256x128xi32>
    %shift_right_logical3A_2137 = arith.constant 3 : i32
    %shift_right_logical3A_2138 = vector.broadcast %shift_right_logical3A_2137 : i32 to vector<256x128xi32>
    %shift_right_logical3A_2139 = arith.shrui %xor3A_2132, %shift_right_logical3A_2138 : vector<256x128xi32>
    %or3A_2140 = arith.ori %shift_left3A_2136, %shift_right_logical3A_2139 : vector<256x128xi32>
    %xor3A_2141 = arith.xori %or3A_2140, %add3A_2133 : vector<256x128xi32>
    %add3A_2142 = arith.addi %add3A_2133, %xor3A_2141 : vector<256x128xi32>
    %shift_left3A_2143 = arith.constant 16 : i32
    %shift_left3A_2144 = vector.broadcast %shift_left3A_2143 : i32 to vector<256x128xi32>
    %shift_left3A_2145 = arith.shli %xor3A_2141, %shift_left3A_2144 : vector<256x128xi32>
    %shift_right_logical3A_2146 = arith.constant 16 : i32
    %shift_right_logical3A_2147 = vector.broadcast %shift_right_logical3A_2146 : i32 to vector<256x128xi32>
    %shift_right_logical3A_2148 = arith.shrui %xor3A_2141, %shift_right_logical3A_2147 : vector<256x128xi32>
    %or3A_2149 = arith.ori %shift_left3A_2145, %shift_right_logical3A_2148 : vector<256x128xi32>
    %xor3A_2150 = arith.xori %or3A_2149, %add3A_2142 : vector<256x128xi32>
    %add3A_2151 = arith.addi %add3A_2142, %xor3A_2150 : vector<256x128xi32>
    %shift_left3A_2152 = arith.constant 24 : i32
    %shift_left3A_2153 = vector.broadcast %shift_left3A_2152 : i32 to vector<256x128xi32>
    %shift_left3A_2154 = arith.shli %xor3A_2150, %shift_left3A_2153 : vector<256x128xi32>
    %shift_right_logical3A_2155 = arith.constant 8 : i32
    %shift_right_logical3A_2156 = vector.broadcast %shift_right_logical3A_2155 : i32 to vector<256x128xi32>
    %shift_right_logical3A_2157 = arith.shrui %xor3A_2150, %shift_right_logical3A_2156 : vector<256x128xi32>
    %or3A_2158 = arith.ori %shift_left3A_2154, %shift_right_logical3A_2157 : vector<256x128xi32>
    %xor3A_2159 = arith.xori %or3A_2158, %add3A_2151 : vector<256x128xi32>
    %add3A_2160 = arith.constant 42 : i32
    %add3A_2161 = vector.broadcast %add3A_2160 : i32 to vector<256x128xi32>
    %add3A_2162 = arith.addi %add3A_2151, %add3A_2161 : vector<256x128xi32>
    %add3A_2163 = arith.constant 466689012 : i32
    %add3A_2164 = vector.broadcast %add3A_2163 : i32 to vector<256x128xi32>
    %add3A_2165 = arith.addi %xor3A_2159, %add3A_2164 : vector<256x128xi32>
    %add3A_2166 = arith.addi %add3A_2162, %add3A_2165 : vector<256x128xi32>
    %shift_left3A_2167 = arith.constant 13 : i32
    %shift_left3A_2168 = vector.broadcast %shift_left3A_2167 : i32 to vector<256x128xi32>
    %shift_left3A_2169 = arith.shli %add3A_2165, %shift_left3A_2168 : vector<256x128xi32>
    %shift_right_logical3A_2170 = arith.constant 19 : i32
    %shift_right_logical3A_2171 = vector.broadcast %shift_right_logical3A_2170 : i32 to vector<256x128xi32>
    %shift_right_logical3A_2172 = arith.shrui %add3A_2165, %shift_right_logical3A_2171 : vector<256x128xi32>
    %or3A_2173 = arith.ori %shift_left3A_2169, %shift_right_logical3A_2172 : vector<256x128xi32>
    %xor3A_2174 = arith.xori %or3A_2173, %add3A_2166 : vector<256x128xi32>
    %add3A_2175 = arith.addi %add3A_2166, %xor3A_2174 : vector<256x128xi32>
    %shift_left3A_2176 = arith.constant 15 : i32
    %shift_left3A_2177 = vector.broadcast %shift_left3A_2176 : i32 to vector<256x128xi32>
    %shift_left3A_2178 = arith.shli %xor3A_2174, %shift_left3A_2177 : vector<256x128xi32>
    %shift_right_logical3A_2179 = arith.constant 17 : i32
    %shift_right_logical3A_2180 = vector.broadcast %shift_right_logical3A_2179 : i32 to vector<256x128xi32>
    %shift_right_logical3A_2181 = arith.shrui %xor3A_2174, %shift_right_logical3A_2180 : vector<256x128xi32>
    %or3A_2182 = arith.ori %shift_left3A_2178, %shift_right_logical3A_2181 : vector<256x128xi32>
    %xor3A_2183 = arith.xori %or3A_2182, %add3A_2175 : vector<256x128xi32>
    %add3A_2184 = arith.addi %add3A_2175, %xor3A_2183 : vector<256x128xi32>
    %shift_left3A_2185 = arith.constant 26 : i32
    %shift_left3A_2186 = vector.broadcast %shift_left3A_2185 : i32 to vector<256x128xi32>
    %shift_left3A_2187 = arith.shli %xor3A_2183, %shift_left3A_2186 : vector<256x128xi32>
    %shift_right_logical3A_2188 = arith.constant 6 : i32
    %shift_right_logical3A_2189 = vector.broadcast %shift_right_logical3A_2188 : i32 to vector<256x128xi32>
    %shift_right_logical3A_2190 = arith.shrui %xor3A_2183, %shift_right_logical3A_2189 : vector<256x128xi32>
    %or3A_2191 = arith.ori %shift_left3A_2187, %shift_right_logical3A_2190 : vector<256x128xi32>
    %xor3A_2192 = arith.xori %or3A_2191, %add3A_2184 : vector<256x128xi32>
    %add3A_2193 = arith.addi %add3A_2184, %xor3A_2192 : vector<256x128xi32>
    %shift_left3A_2194 = arith.constant 6 : i32
    %shift_left3A_2195 = vector.broadcast %shift_left3A_2194 : i32 to vector<256x128xi32>
    %shift_left3A_2196 = arith.shli %xor3A_2192, %shift_left3A_2195 : vector<256x128xi32>
    %shift_right_logical3A_2197 = arith.constant 26 : i32
    %shift_right_logical3A_2198 = vector.broadcast %shift_right_logical3A_2197 : i32 to vector<256x128xi32>
    %shift_right_logical3A_2199 = arith.shrui %xor3A_2192, %shift_right_logical3A_2198 : vector<256x128xi32>
    %or3A_2200 = arith.ori %shift_left3A_2196, %shift_right_logical3A_2199 : vector<256x128xi32>
    %xor3A_2201 = arith.xori %or3A_2200, %add3A_2193 : vector<256x128xi32>
    %add3A_2202 = arith.constant 466689008 : i32
    %add3A_2203 = vector.broadcast %add3A_2202 : i32 to vector<256x128xi32>
    %add3A_2204 = arith.addi %add3A_2193, %add3A_2203 : vector<256x128xi32>
    %add3A_2205 = arith.constant 5 : i32
    %add3A_2206 = vector.broadcast %add3A_2205 : i32 to vector<256x128xi32>
    %add3A_2207 = arith.addi %xor3A_2201, %add3A_2206 : vector<256x128xi32>
    %xor3A_2208 = arith.xori %add3A_2204, %add3A_2207 : vector<256x128xi32>
    %shift_right_logical3A_2209 = arith.constant 9 : i32
    %shift_right_logical3A_2210 = vector.broadcast %shift_right_logical3A_2209 : i32 to vector<256x128xi32>
    %shift_right_logical3A_2211 = arith.shrui %xor3A_2208, %shift_right_logical3A_2210 : vector<256x128xi32>
    %or3A_2212 = arith.constant 1065353216 : i32
    %or3A_2213 = vector.broadcast %or3A_2212 : i32 to vector<256x128xi32>
    %or3A_2214 = arith.ori %shift_right_logical3A_2211, %or3A_2213 : vector<256x128xi32>
    %bitcast_convert_type3A_2215 = tpu.bitcast %or3A_2214 : vector<256x128xi32> -> vector<256x128xf32>
    %sub3A_2216 = arith.constant 1.000000e+00 : f32
    %sub3A_2217 = vector.broadcast %sub3A_2216 : f32 to vector<256x128xf32>
    %sub3A_2218 = arith.subf %bitcast_convert_type3A_2215, %sub3A_2217 : vector<256x128xf32>
    %add3A_2219 = arith.constant 1.17549435E-38 : f32
    %add3A_2220 = vector.broadcast %add3A_2219 : f32 to vector<256x128xf32>
    %add3A_2221 = arith.addf %sub3A_2218, %add3A_2220 : vector<256x128xf32>
    %log3A_2222 = math.log %add3A_2221 : vector<256x128xf32>
    %neg3A_2223 = arith.constant 0.000000e+00 : f32
    %neg3A_2224 = vector.broadcast %neg3A_2223 : f32 to vector<256x128xf32>
    %neg3A_2225 = arith.subf %neg3A_2224, %log3A_2222 : vector<256x128xf32>
    %mul3A_2226 = arith.mulf %neg3A_2225, %div3A_35 : vector<256x128xf32>
    %get3A_2227 = arith.constant 7 : index
    %get3A_2228 = arith.constant 0 : index
    %get3A_2229 = arith.constant 0 : index
    %get3A_2230 = vector.load %arg6[%get3A_2227, %get3A_2228, %get3A_2229] : memref<8x256x128xf32, #tpu.memory_space<vmem>>, vector<1x256x128xf32>
    %get3A_2231 = vector.shape_cast %get3A_2230 : vector<1x256x128xf32> to vector<256x128xf32>
    %lt3A_2232 = arith.cmpf olt, %mul3A_2226, %get3A_2231 : vector<256x128xf32>
    %get3A_2233 = arith.constant 7 : index
    %get3A_2234 = arith.constant 0 : index
    %get3A_2235 = arith.constant 0 : index
    %get3A_2236 = vector.load %arg7[%get3A_2233, %get3A_2234, %get3A_2235] : memref<8x256x128xi32, #tpu.memory_space<vmem>>, vector<1x256x128xi32>
    %get3A_2237 = vector.shape_cast %get3A_2236 : vector<1x256x128xi32> to vector<256x128xi32>
    %select_n3A_2238 = arith.select %lt3A_2232, %add3A_19, %get3A_2237 : vector<256x128xi1>, vector<256x128xi32>
    %swap3A_2239 = arith.constant 7 : index
    %swap3A_2240 = arith.constant 0 : index
    %swap3A_2241 = arith.constant 0 : index
    %swap3A_2242 = vector.load %arg7[%swap3A_2239, %swap3A_2240, %swap3A_2241] : memref<8x256x128xi32, #tpu.memory_space<vmem>>, vector<1x256x128xi32>
    %swap3A_2243 = vector.shape_cast %swap3A_2242 : vector<1x256x128xi32> to vector<256x128xi32>
    %swap3A_2244 = vector.shape_cast %select_n3A_2238 : vector<256x128xi32> to vector<1x256x128xi32>
    tpu.vector_store %arg7[%swap3A_2239, %swap3A_2240, %swap3A_2241], %swap3A_2244 {strides = array<i32>} : memref<8x256x128xi32, #tpu.memory_space<vmem>>, vector<1x256x128xi32>,
    %get3A_2245 = arith.constant 7 : index
    %get3A_2246 = arith.constant 0 : index
    %get3A_2247 = arith.constant 0 : index
    %get3A_2248 = vector.load %arg8[%get3A_2245, %get3A_2246, %get3A_2247] : memref<8x256x128xf32, #tpu.memory_space<vmem>>, vector<1x256x128xf32>
    %get3A_2249 = vector.shape_cast %get3A_2248 : vector<1x256x128xf32> to vector<256x128xf32>
    %select_n3A_2250 = arith.select %lt3A_2232, %neg3A_2225, %get3A_2249 : vector<256x128xi1>, vector<256x128xf32>
    %swap3A_2251 = arith.constant 7 : index
    %swap3A_2252 = arith.constant 0 : index
    %swap3A_2253 = arith.constant 0 : index
    %swap3A_2254 = vector.load %arg8[%swap3A_2251, %swap3A_2252, %swap3A_2253] : memref<8x256x128xf32, #tpu.memory_space<vmem>>, vector<1x256x128xf32>
    %swap3A_2255 = vector.shape_cast %swap3A_2254 : vector<1x256x128xf32> to vector<256x128xf32>
    %swap3A_2256 = vector.shape_cast %select_n3A_2250 : vector<256x128xf32> to vector<1x256x128xf32>
    tpu.vector_store %arg8[%swap3A_2251, %swap3A_2252, %swap3A_2253], %swap3A_2256 {strides = array<i32>} : memref<8x256x128xf32, #tpu.memory_space<vmem>>, vector<1x256x128xf32>,
    %get3A_2257 = arith.constant 7 : index
    %get3A_2258 = arith.constant 0 : index
    %get3A_2259 = arith.constant 0 : index
    %get3A_2260 = vector.load %arg6[%get3A_2257, %get3A_2258, %get3A_2259] : memref<8x256x128xf32, #tpu.memory_space<vmem>>, vector<1x256x128xf32>
    %get3A_2261 = vector.shape_cast %get3A_2260 : vector<1x256x128xf32> to vector<256x128xf32>
    %select_n3A_2262 = arith.select %lt3A_2232, %mul3A_2226, %get3A_2261 : vector<256x128xi1>, vector<256x128xf32>
    %swap3A_2263 = arith.constant 7 : index
    %swap3A_2264 = arith.constant 0 : index
    %swap3A_2265 = arith.constant 0 : index
    %swap3A_2266 = vector.load %arg6[%swap3A_2263, %swap3A_2264, %swap3A_2265] : memref<8x256x128xf32, #tpu.memory_space<vmem>>, vector<1x256x128xf32>
    %swap3A_2267 = vector.shape_cast %swap3A_2266 : vector<1x256x128xf32> to vector<256x128xf32>
    %swap3A_2268 = vector.shape_cast %select_n3A_2262 : vector<256x128xf32> to vector<1x256x128xf32>
    tpu.vector_store %arg6[%swap3A_2263, %swap3A_2264, %swap3A_2265], %swap3A_2268 {strides = array<i32>} : memref<8x256x128xf32, #tpu.memory_space<vmem>>, vector<1x256x128xf32>,
    %eq3A_2269 = arith.constant 30 : i32
    %eq3A_2270 = arith.cmpi eq, %arg1, %eq3A_2269 : i32
    %convert_element_type3A_2271 = arith.extui %eq3A_2270 : i1 to i32
    %cond3A_2272 = arith.constant 0 : i32
    %cond3A_2273 = arith.cmpi ne, %convert_element_type3A_2271, %cond3A_2272 : i32
    scf.if %cond3A_2273 {
      %get3A_2274 = arith.constant 0 : index
      %get3A_2275 = arith.constant 0 : index
      %get3A_2276 = vector.load %arg9[%get3A_2274, %get3A_2275] : memref<256x128xf32, #tpu.memory_space<vmem>>, vector<256x128xf32>
      %reduce_sum3A = vector.shape_cast %get3A_2276 : vector<256x128xf32> to vector<1x256x128xf32>
      %reduce_sum3A_2277 = arith.constant dense<0.000000e+00> : vector<1xf32>
      %reduce_sum3A_2278 = vector.multi_reduction <add>, %reduce_sum3A, %reduce_sum3A_2277 [1, 2] : vector<1x256x128xf32> to vector<1xf32>
      %reduce_sum3A_2279 = vector.shape_cast %reduce_sum3A_2278 : vector<1xf32> to vector<1x1x1xf32>
      %reduce_sum3A_2280 = vector.extract %reduce_sum3A_2279[0, 0, 0] : f32 from vector<1x1x1xf32>
      %get3A_2281 = arith.constant 0 : index
      %get3A_2282 = arith.constant 0 : index
      %get3A_2283 = arith.constant 0 : index
      %get3A_2284 = vector.load %arg6[%get3A_2281, %get3A_2282, %get3A_2283] : memref<8x256x128xf32, #tpu.memory_space<vmem>>, vector<1x256x128xf32>
      %get3A_2285 = vector.shape_cast %get3A_2284 : vector<1x256x128xf32> to vector<256x128xf32>
      %reduce_min3A = vector.shape_cast %get3A_2285 : vector<256x128xf32> to vector<1x256x128xf32>
      %reduce_min3A_2286 = arith.constant dense<0x7F800000> : vector<1xf32>
      %reduce_min3A_2287 = vector.multi_reduction <minimumf>, %reduce_min3A, %reduce_min3A_2286 [1, 2] : vector<1x256x128xf32> to vector<1xf32>
      %reduce_min3A_2288 = vector.shape_cast %reduce_min3A_2287 : vector<1xf32> to vector<1x1x1xf32>
      %reduce_min3A_2289 = vector.extract %reduce_min3A_2288[0, 0, 0] : f32 from vector<1x1x1xf32>
      %eq3A_2290 = vector.broadcast %reduce_min3A_2289 : f32 to vector<256x128xf32>
      %eq3A_2291 = arith.cmpf oeq, %get3A_2285, %eq3A_2290 : vector<256x128xf32>
      %get3A_2292 = arith.constant 0 : index
      %get3A_2293 = arith.constant 0 : index
      %get3A_2294 = arith.constant 0 : index
      %get3A_2295 = vector.load %arg7[%get3A_2292, %get3A_2293, %get3A_2294] : memref<8x256x128xi32, #tpu.memory_space<vmem>>, vector<1x256x128xi32>
      %get3A_2296 = vector.shape_cast %get3A_2295 : vector<1x256x128xi32> to vector<256x128xi32>
      %jit3A_2297 = arith.constant 2147483647 : i32
      %broadcast_in_dim3A_2298 = vector.broadcast %jit3A_2297 : i32 to vector<256x128xi32>
      %select_n3A_2299 = arith.select %eq3A_2291, %get3A_2296, %broadcast_in_dim3A_2298 : vector<256x128xi1>, vector<256x128xi32>
      %reduce_min3A_2300 = vector.shape_cast %select_n3A_2299 : vector<256x128xi32> to vector<1x256x128xi32>
      %reduce_min3A_2301 = arith.constant dense<2147483647> : vector<1xi32>
      %reduce_min3A_2302 = vector.multi_reduction <minsi>, %reduce_min3A_2300, %reduce_min3A_2301 [1, 2] : vector<1x256x128xi32> to vector<1xi32>
      %reduce_min3A_2303 = vector.shape_cast %reduce_min3A_2302 : vector<1xi32> to vector<1x1x1xi32>
      %reduce_min3A_2304 = vector.extract %reduce_min3A_2303[0, 0, 0] : i32 from vector<1x1x1xi32>
      %get3A_2305 = arith.constant 0 : index
      %get3A_2306 = arith.constant 0 : index
      %get3A_2307 = arith.constant 0 : index
      %get3A_2308 = vector.load %arg7[%get3A_2305, %get3A_2306, %get3A_2307] : memref<8x256x128xi32, #tpu.memory_space<vmem>>, vector<1x256x128xi32>
      %get3A_2309 = vector.shape_cast %get3A_2308 : vector<1x256x128xi32> to vector<256x128xi32>
      %eq3A_2310 = vector.broadcast %reduce_min3A_2304 : i32 to vector<256x128xi32>
      %eq3A_2311 = arith.cmpi eq, %get3A_2309, %eq3A_2310 : vector<256x128xi32>
      %and3A = arith.andi %eq3A_2291, %eq3A_2311 : vector<256x128xi1>
      %get3A_2312 = arith.constant 0 : index
      %get3A_2313 = arith.constant 0 : index
      %get3A_2314 = arith.constant 0 : index
      %get3A_2315 = vector.load %arg8[%get3A_2312, %get3A_2313, %get3A_2314] : memref<8x256x128xf32, #tpu.memory_space<vmem>>, vector<1x256x128xf32>
      %get3A_2316 = vector.shape_cast %get3A_2315 : vector<1x256x128xf32> to vector<256x128xf32>
      %jit3A_2317 = arith.constant 0x7F800000 : f32
      %broadcast_in_dim3A_2318 = vector.broadcast %jit3A_2317 : f32 to vector<256x128xf32>
      %select_n3A_2319 = arith.select %and3A, %get3A_2316, %broadcast_in_dim3A_2318 : vector<256x128xi1>, vector<256x128xf32>
      %reduce_min3A_2320 = vector.shape_cast %select_n3A_2319 : vector<256x128xf32> to vector<1x256x128xf32>
      %reduce_min3A_2321 = arith.constant dense<0x7F800000> : vector<1xf32>
      %reduce_min3A_2322 = vector.multi_reduction <minimumf>, %reduce_min3A_2320, %reduce_min3A_2321 [1, 2] : vector<1x256x128xf32> to vector<1xf32>
      %reduce_min3A_2323 = vector.shape_cast %reduce_min3A_2322 : vector<1xf32> to vector<1x1x1xf32>
      %reduce_min3A_2324 = vector.extract %reduce_min3A_2323[0, 0, 0] : f32 from vector<1x1x1xf32>
      %swap3A_2325 = arith.index_cast %arg0 : i32 to index
      %swap3A_2326 = arith.constant 0 : index
      %swap3A_2327 = memref.load %arg4[%swap3A_2325, %swap3A_2326] : memref<16x8xi32, #tpu.memory_space<smem>>
      memref.store %reduce_min3A_2304, %arg4[%swap3A_2325, %swap3A_2326] : memref<16x8xi32, #tpu.memory_space<smem>>
      %div3A_2328 = arith.divf %reduce_min3A_2324, %reduce_min3A_2289 : f32
      %div3A_2329 = arith.divf %div3A_2328, %reduce_sum3A_2280 : f32
      %swap3A_2330 = arith.index_cast %arg0 : i32 to index
      %swap3A_2331 = arith.constant 0 : index
      %swap3A_2332 = memref.load %arg5[%swap3A_2330, %swap3A_2331] : memref<16x8xf32, #tpu.memory_space<smem>>
      memref.store %div3A_2329, %arg5[%swap3A_2330, %swap3A_2331] : memref<16x8xf32, #tpu.memory_space<smem>>
      %get3A_2333 = arith.constant 1 : index
      %get3A_2334 = arith.constant 0 : index
      %get3A_2335 = arith.constant 0 : index
      %get3A_2336 = vector.load %arg6[%get3A_2333, %get3A_2334, %get3A_2335] : memref<8x256x128xf32, #tpu.memory_space<vmem>>, vector<1x256x128xf32>
      %get3A_2337 = vector.shape_cast %get3A_2336 : vector<1x256x128xf32> to vector<256x128xf32>
      %reduce_min3A_2338 = vector.shape_cast %get3A_2337 : vector<256x128xf32> to vector<1x256x128xf32>
      %reduce_min3A_2339 = arith.constant dense<0x7F800000> : vector<1xf32>
      %reduce_min3A_2340 = vector.multi_reduction <minimumf>, %reduce_min3A_2338, %reduce_min3A_2339 [1, 2] : vector<1x256x128xf32> to vector<1xf32>
      %reduce_min3A_2341 = vector.shape_cast %reduce_min3A_2340 : vector<1xf32> to vector<1x1x1xf32>
      %reduce_min3A_2342 = vector.extract %reduce_min3A_2341[0, 0, 0] : f32 from vector<1x1x1xf32>
      %eq3A_2343 = vector.broadcast %reduce_min3A_2342 : f32 to vector<256x128xf32>
      %eq3A_2344 = arith.cmpf oeq, %get3A_2337, %eq3A_2343 : vector<256x128xf32>
      %get3A_2345 = arith.constant 1 : index
      %get3A_2346 = arith.constant 0 : index
      %get3A_2347 = arith.constant 0 : index
      %get3A_2348 = vector.load %arg7[%get3A_2345, %get3A_2346, %get3A_2347] : memref<8x256x128xi32, #tpu.memory_space<vmem>>, vector<1x256x128xi32>
      %get3A_2349 = vector.shape_cast %get3A_2348 : vector<1x256x128xi32> to vector<256x128xi32>
      %jit3A_2350 = arith.constant 2147483647 : i32
      %broadcast_in_dim3A_2351 = vector.broadcast %jit3A_2350 : i32 to vector<256x128xi32>
      %select_n3A_2352 = arith.select %eq3A_2344, %get3A_2349, %broadcast_in_dim3A_2351 : vector<256x128xi1>, vector<256x128xi32>
      %reduce_min3A_2353 = vector.shape_cast %select_n3A_2352 : vector<256x128xi32> to vector<1x256x128xi32>
      %reduce_min3A_2354 = arith.constant dense<2147483647> : vector<1xi32>
      %reduce_min3A_2355 = vector.multi_reduction <minsi>, %reduce_min3A_2353, %reduce_min3A_2354 [1, 2] : vector<1x256x128xi32> to vector<1xi32>
      %reduce_min3A_2356 = vector.shape_cast %reduce_min3A_2355 : vector<1xi32> to vector<1x1x1xi32>
      %reduce_min3A_2357 = vector.extract %reduce_min3A_2356[0, 0, 0] : i32 from vector<1x1x1xi32>
      %get3A_2358 = arith.constant 1 : index
      %get3A_2359 = arith.constant 0 : index
      %get3A_2360 = arith.constant 0 : index
      %get3A_2361 = vector.load %arg7[%get3A_2358, %get3A_2359, %get3A_2360] : memref<8x256x128xi32, #tpu.memory_space<vmem>>, vector<1x256x128xi32>
      %get3A_2362 = vector.shape_cast %get3A_2361 : vector<1x256x128xi32> to vector<256x128xi32>
      %eq3A_2363 = vector.broadcast %reduce_min3A_2357 : i32 to vector<256x128xi32>
      %eq3A_2364 = arith.cmpi eq, %get3A_2362, %eq3A_2363 : vector<256x128xi32>
      %and3A_2365 = arith.andi %eq3A_2344, %eq3A_2364 : vector<256x128xi1>
      %get3A_2366 = arith.constant 1 : index
      %get3A_2367 = arith.constant 0 : index
      %get3A_2368 = arith.constant 0 : index
      %get3A_2369 = vector.load %arg8[%get3A_2366, %get3A_2367, %get3A_2368] : memref<8x256x128xf32, #tpu.memory_space<vmem>>, vector<1x256x128xf32>
      %get3A_2370 = vector.shape_cast %get3A_2369 : vector<1x256x128xf32> to vector<256x128xf32>
      %jit3A_2371 = arith.constant 0x7F800000 : f32
      %broadcast_in_dim3A_2372 = vector.broadcast %jit3A_2371 : f32 to vector<256x128xf32>
      %select_n3A_2373 = arith.select %and3A_2365, %get3A_2370, %broadcast_in_dim3A_2372 : vector<256x128xi1>, vector<256x128xf32>
      %reduce_min3A_2374 = vector.shape_cast %select_n3A_2373 : vector<256x128xf32> to vector<1x256x128xf32>
      %reduce_min3A_2375 = arith.constant dense<0x7F800000> : vector<1xf32>
      %reduce_min3A_2376 = vector.multi_reduction <minimumf>, %reduce_min3A_2374, %reduce_min3A_2375 [1, 2] : vector<1x256x128xf32> to vector<1xf32>
      %reduce_min3A_2377 = vector.shape_cast %reduce_min3A_2376 : vector<1xf32> to vector<1x1x1xf32>
      %reduce_min3A_2378 = vector.extract %reduce_min3A_2377[0, 0, 0] : f32 from vector<1x1x1xf32>
      %swap3A_2379 = arith.index_cast %arg0 : i32 to index
      %swap3A_2380 = arith.constant 1 : index
      %swap3A_2381 = memref.load %arg4[%swap3A_2379, %swap3A_2380] : memref<16x8xi32, #tpu.memory_space<smem>>
      memref.store %reduce_min3A_2357, %arg4[%swap3A_2379, %swap3A_2380] : memref<16x8xi32, #tpu.memory_space<smem>>
      %div3A_2382 = arith.divf %reduce_min3A_2378, %reduce_min3A_2342 : f32
      %div3A_2383 = arith.divf %div3A_2382, %reduce_sum3A_2280 : f32
      %swap3A_2384 = arith.index_cast %arg0 : i32 to index
      %swap3A_2385 = arith.constant 1 : index
      %swap3A_2386 = memref.load %arg5[%swap3A_2384, %swap3A_2385] : memref<16x8xf32, #tpu.memory_space<smem>>
      memref.store %div3A_2383, %arg5[%swap3A_2384, %swap3A_2385] : memref<16x8xf32, #tpu.memory_space<smem>>
      %get3A_2387 = arith.constant 2 : index
      %get3A_2388 = arith.constant 0 : index
      %get3A_2389 = arith.constant 0 : index
      %get3A_2390 = vector.load %arg6[%get3A_2387, %get3A_2388, %get3A_2389] : memref<8x256x128xf32, #tpu.memory_space<vmem>>, vector<1x256x128xf32>
      %get3A_2391 = vector.shape_cast %get3A_2390 : vector<1x256x128xf32> to vector<256x128xf32>
      %reduce_min3A_2392 = vector.shape_cast %get3A_2391 : vector<256x128xf32> to vector<1x256x128xf32>
      %reduce_min3A_2393 = arith.constant dense<0x7F800000> : vector<1xf32>
      %reduce_min3A_2394 = vector.multi_reduction <minimumf>, %reduce_min3A_2392, %reduce_min3A_2393 [1, 2] : vector<1x256x128xf32> to vector<1xf32>
      %reduce_min3A_2395 = vector.shape_cast %reduce_min3A_2394 : vector<1xf32> to vector<1x1x1xf32>
      %reduce_min3A_2396 = vector.extract %reduce_min3A_2395[0, 0, 0] : f32 from vector<1x1x1xf32>
      %eq3A_2397 = vector.broadcast %reduce_min3A_2396 : f32 to vector<256x128xf32>
      %eq3A_2398 = arith.cmpf oeq, %get3A_2391, %eq3A_2397 : vector<256x128xf32>
      %get3A_2399 = arith.constant 2 : index
      %get3A_2400 = arith.constant 0 : index
      %get3A_2401 = arith.constant 0 : index
      %get3A_2402 = vector.load %arg7[%get3A_2399, %get3A_2400, %get3A_2401] : memref<8x256x128xi32, #tpu.memory_space<vmem>>, vector<1x256x128xi32>
      %get3A_2403 = vector.shape_cast %get3A_2402 : vector<1x256x128xi32> to vector<256x128xi32>
      %jit3A_2404 = arith.constant 2147483647 : i32
      %broadcast_in_dim3A_2405 = vector.broadcast %jit3A_2404 : i32 to vector<256x128xi32>
      %select_n3A_2406 = arith.select %eq3A_2398, %get3A_2403, %broadcast_in_dim3A_2405 : vector<256x128xi1>, vector<256x128xi32>
      %reduce_min3A_2407 = vector.shape_cast %select_n3A_2406 : vector<256x128xi32> to vector<1x256x128xi32>
      %reduce_min3A_2408 = arith.constant dense<2147483647> : vector<1xi32>
      %reduce_min3A_2409 = vector.multi_reduction <minsi>, %reduce_min3A_2407, %reduce_min3A_2408 [1, 2] : vector<1x256x128xi32> to vector<1xi32>
      %reduce_min3A_2410 = vector.shape_cast %reduce_min3A_2409 : vector<1xi32> to vector<1x1x1xi32>
      %reduce_min3A_2411 = vector.extract %reduce_min3A_2410[0, 0, 0] : i32 from vector<1x1x1xi32>
      %get3A_2412 = arith.constant 2 : index
      %get3A_2413 = arith.constant 0 : index
      %get3A_2414 = arith.constant 0 : index
      %get3A_2415 = vector.load %arg7[%get3A_2412, %get3A_2413, %get3A_2414] : memref<8x256x128xi32, #tpu.memory_space<vmem>>, vector<1x256x128xi32>
      %get3A_2416 = vector.shape_cast %get3A_2415 : vector<1x256x128xi32> to vector<256x128xi32>
      %eq3A_2417 = vector.broadcast %reduce_min3A_2411 : i32 to vector<256x128xi32>
      %eq3A_2418 = arith.cmpi eq, %get3A_2416, %eq3A_2417 : vector<256x128xi32>
      %and3A_2419 = arith.andi %eq3A_2398, %eq3A_2418 : vector<256x128xi1>
      %get3A_2420 = arith.constant 2 : index
      %get3A_2421 = arith.constant 0 : index
      %get3A_2422 = arith.constant 0 : index
      %get3A_2423 = vector.load %arg8[%get3A_2420, %get3A_2421, %get3A_2422] : memref<8x256x128xf32, #tpu.memory_space<vmem>>, vector<1x256x128xf32>
      %get3A_2424 = vector.shape_cast %get3A_2423 : vector<1x256x128xf32> to vector<256x128xf32>
      %jit3A_2425 = arith.constant 0x7F800000 : f32
      %broadcast_in_dim3A_2426 = vector.broadcast %jit3A_2425 : f32 to vector<256x128xf32>
      %select_n3A_2427 = arith.select %and3A_2419, %get3A_2424, %broadcast_in_dim3A_2426 : vector<256x128xi1>, vector<256x128xf32>
      %reduce_min3A_2428 = vector.shape_cast %select_n3A_2427 : vector<256x128xf32> to vector<1x256x128xf32>
      %reduce_min3A_2429 = arith.constant dense<0x7F800000> : vector<1xf32>
      %reduce_min3A_2430 = vector.multi_reduction <minimumf>, %reduce_min3A_2428, %reduce_min3A_2429 [1, 2] : vector<1x256x128xf32> to vector<1xf32>
      %reduce_min3A_2431 = vector.shape_cast %reduce_min3A_2430 : vector<1xf32> to vector<1x1x1xf32>
      %reduce_min3A_2432 = vector.extract %reduce_min3A_2431[0, 0, 0] : f32 from vector<1x1x1xf32>
      %swap3A_2433 = arith.index_cast %arg0 : i32 to index
      %swap3A_2434 = arith.constant 2 : index
      %swap3A_2435 = memref.load %arg4[%swap3A_2433, %swap3A_2434] : memref<16x8xi32, #tpu.memory_space<smem>>
      memref.store %reduce_min3A_2411, %arg4[%swap3A_2433, %swap3A_2434] : memref<16x8xi32, #tpu.memory_space<smem>>
      %div3A_2436 = arith.divf %reduce_min3A_2432, %reduce_min3A_2396 : f32
      %div3A_2437 = arith.divf %div3A_2436, %reduce_sum3A_2280 : f32
      %swap3A_2438 = arith.index_cast %arg0 : i32 to index
      %swap3A_2439 = arith.constant 2 : index
      %swap3A_2440 = memref.load %arg5[%swap3A_2438, %swap3A_2439] : memref<16x8xf32, #tpu.memory_space<smem>>
      memref.store %div3A_2437, %arg5[%swap3A_2438, %swap3A_2439] : memref<16x8xf32, #tpu.memory_space<smem>>
      %get3A_2441 = arith.constant 3 : index
      %get3A_2442 = arith.constant 0 : index
      %get3A_2443 = arith.constant 0 : index
      %get3A_2444 = vector.load %arg6[%get3A_2441, %get3A_2442, %get3A_2443] : memref<8x256x128xf32, #tpu.memory_space<vmem>>, vector<1x256x128xf32>
      %get3A_2445 = vector.shape_cast %get3A_2444 : vector<1x256x128xf32> to vector<256x128xf32>
      %reduce_min3A_2446 = vector.shape_cast %get3A_2445 : vector<256x128xf32> to vector<1x256x128xf32>
      %reduce_min3A_2447 = arith.constant dense<0x7F800000> : vector<1xf32>
      %reduce_min3A_2448 = vector.multi_reduction <minimumf>, %reduce_min3A_2446, %reduce_min3A_2447 [1, 2] : vector<1x256x128xf32> to vector<1xf32>
      %reduce_min3A_2449 = vector.shape_cast %reduce_min3A_2448 : vector<1xf32> to vector<1x1x1xf32>
      %reduce_min3A_2450 = vector.extract %reduce_min3A_2449[0, 0, 0] : f32 from vector<1x1x1xf32>
      %eq3A_2451 = vector.broadcast %reduce_min3A_2450 : f32 to vector<256x128xf32>
      %eq3A_2452 = arith.cmpf oeq, %get3A_2445, %eq3A_2451 : vector<256x128xf32>
      %get3A_2453 = arith.constant 3 : index
      %get3A_2454 = arith.constant 0 : index
      %get3A_2455 = arith.constant 0 : index
      %get3A_2456 = vector.load %arg7[%get3A_2453, %get3A_2454, %get3A_2455] : memref<8x256x128xi32, #tpu.memory_space<vmem>>, vector<1x256x128xi32>
      %get3A_2457 = vector.shape_cast %get3A_2456 : vector<1x256x128xi32> to vector<256x128xi32>
      %jit3A_2458 = arith.constant 2147483647 : i32
      %broadcast_in_dim3A_2459 = vector.broadcast %jit3A_2458 : i32 to vector<256x128xi32>
      %select_n3A_2460 = arith.select %eq3A_2452, %get3A_2457, %broadcast_in_dim3A_2459 : vector<256x128xi1>, vector<256x128xi32>
      %reduce_min3A_2461 = vector.shape_cast %select_n3A_2460 : vector<256x128xi32> to vector<1x256x128xi32>
      %reduce_min3A_2462 = arith.constant dense<2147483647> : vector<1xi32>
      %reduce_min3A_2463 = vector.multi_reduction <minsi>, %reduce_min3A_2461, %reduce_min3A_2462 [1, 2] : vector<1x256x128xi32> to vector<1xi32>
      %reduce_min3A_2464 = vector.shape_cast %reduce_min3A_2463 : vector<1xi32> to vector<1x1x1xi32>
      %reduce_min3A_2465 = vector.extract %reduce_min3A_2464[0, 0, 0] : i32 from vector<1x1x1xi32>
      %get3A_2466 = arith.constant 3 : index
      %get3A_2467 = arith.constant 0 : index
      %get3A_2468 = arith.constant 0 : index
      %get3A_2469 = vector.load %arg7[%get3A_2466, %get3A_2467, %get3A_2468] : memref<8x256x128xi32, #tpu.memory_space<vmem>>, vector<1x256x128xi32>
      %get3A_2470 = vector.shape_cast %get3A_2469 : vector<1x256x128xi32> to vector<256x128xi32>
      %eq3A_2471 = vector.broadcast %reduce_min3A_2465 : i32 to vector<256x128xi32>
      %eq3A_2472 = arith.cmpi eq, %get3A_2470, %eq3A_2471 : vector<256x128xi32>
      %and3A_2473 = arith.andi %eq3A_2452, %eq3A_2472 : vector<256x128xi1>
      %get3A_2474 = arith.constant 3 : index
      %get3A_2475 = arith.constant 0 : index
      %get3A_2476 = arith.constant 0 : index
      %get3A_2477 = vector.load %arg8[%get3A_2474, %get3A_2475, %get3A_2476] : memref<8x256x128xf32, #tpu.memory_space<vmem>>, vector<1x256x128xf32>
      %get3A_2478 = vector.shape_cast %get3A_2477 : vector<1x256x128xf32> to vector<256x128xf32>
      %jit3A_2479 = arith.constant 0x7F800000 : f32
      %broadcast_in_dim3A_2480 = vector.broadcast %jit3A_2479 : f32 to vector<256x128xf32>
      %select_n3A_2481 = arith.select %and3A_2473, %get3A_2478, %broadcast_in_dim3A_2480 : vector<256x128xi1>, vector<256x128xf32>
      %reduce_min3A_2482 = vector.shape_cast %select_n3A_2481 : vector<256x128xf32> to vector<1x256x128xf32>
      %reduce_min3A_2483 = arith.constant dense<0x7F800000> : vector<1xf32>
      %reduce_min3A_2484 = vector.multi_reduction <minimumf>, %reduce_min3A_2482, %reduce_min3A_2483 [1, 2] : vector<1x256x128xf32> to vector<1xf32>
      %reduce_min3A_2485 = vector.shape_cast %reduce_min3A_2484 : vector<1xf32> to vector<1x1x1xf32>
      %reduce_min3A_2486 = vector.extract %reduce_min3A_2485[0, 0, 0] : f32 from vector<1x1x1xf32>
      %swap3A_2487 = arith.index_cast %arg0 : i32 to index
      %swap3A_2488 = arith.constant 3 : index
      %swap3A_2489 = memref.load %arg4[%swap3A_2487, %swap3A_2488] : memref<16x8xi32, #tpu.memory_space<smem>>
      memref.store %reduce_min3A_2465, %arg4[%swap3A_2487, %swap3A_2488] : memref<16x8xi32, #tpu.memory_space<smem>>
      %div3A_2490 = arith.divf %reduce_min3A_2486, %reduce_min3A_2450 : f32
      %div3A_2491 = arith.divf %div3A_2490, %reduce_sum3A_2280 : f32
      %swap3A_2492 = arith.index_cast %arg0 : i32 to index
      %swap3A_2493 = arith.constant 3 : index
      %swap3A_2494 = memref.load %arg5[%swap3A_2492, %swap3A_2493] : memref<16x8xf32, #tpu.memory_space<smem>>
      memref.store %div3A_2491, %arg5[%swap3A_2492, %swap3A_2493] : memref<16x8xf32, #tpu.memory_space<smem>>
      %get3A_2495 = arith.constant 4 : index
      %get3A_2496 = arith.constant 0 : index
      %get3A_2497 = arith.constant 0 : index
      %get3A_2498 = vector.load %arg6[%get3A_2495, %get3A_2496, %get3A_2497] : memref<8x256x128xf32, #tpu.memory_space<vmem>>, vector<1x256x128xf32>
      %get3A_2499 = vector.shape_cast %get3A_2498 : vector<1x256x128xf32> to vector<256x128xf32>
      %reduce_min3A_2500 = vector.shape_cast %get3A_2499 : vector<256x128xf32> to vector<1x256x128xf32>
      %reduce_min3A_2501 = arith.constant dense<0x7F800000> : vector<1xf32>
      %reduce_min3A_2502 = vector.multi_reduction <minimumf>, %reduce_min3A_2500, %reduce_min3A_2501 [1, 2] : vector<1x256x128xf32> to vector<1xf32>
      %reduce_min3A_2503 = vector.shape_cast %reduce_min3A_2502 : vector<1xf32> to vector<1x1x1xf32>
      %reduce_min3A_2504 = vector.extract %reduce_min3A_2503[0, 0, 0] : f32 from vector<1x1x1xf32>
      %eq3A_2505 = vector.broadcast %reduce_min3A_2504 : f32 to vector<256x128xf32>
      %eq3A_2506 = arith.cmpf oeq, %get3A_2499, %eq3A_2505 : vector<256x128xf32>
      %get3A_2507 = arith.constant 4 : index
      %get3A_2508 = arith.constant 0 : index
      %get3A_2509 = arith.constant 0 : index
      %get3A_2510 = vector.load %arg7[%get3A_2507, %get3A_2508, %get3A_2509] : memref<8x256x128xi32, #tpu.memory_space<vmem>>, vector<1x256x128xi32>
      %get3A_2511 = vector.shape_cast %get3A_2510 : vector<1x256x128xi32> to vector<256x128xi32>
      %jit3A_2512 = arith.constant 2147483647 : i32
      %broadcast_in_dim3A_2513 = vector.broadcast %jit3A_2512 : i32 to vector<256x128xi32>
      %select_n3A_2514 = arith.select %eq3A_2506, %get3A_2511, %broadcast_in_dim3A_2513 : vector<256x128xi1>, vector<256x128xi32>
      %reduce_min3A_2515 = vector.shape_cast %select_n3A_2514 : vector<256x128xi32> to vector<1x256x128xi32>
      %reduce_min3A_2516 = arith.constant dense<2147483647> : vector<1xi32>
      %reduce_min3A_2517 = vector.multi_reduction <minsi>, %reduce_min3A_2515, %reduce_min3A_2516 [1, 2] : vector<1x256x128xi32> to vector<1xi32>
      %reduce_min3A_2518 = vector.shape_cast %reduce_min3A_2517 : vector<1xi32> to vector<1x1x1xi32>
      %reduce_min3A_2519 = vector.extract %reduce_min3A_2518[0, 0, 0] : i32 from vector<1x1x1xi32>
      %get3A_2520 = arith.constant 4 : index
      %get3A_2521 = arith.constant 0 : index
      %get3A_2522 = arith.constant 0 : index
      %get3A_2523 = vector.load %arg7[%get3A_2520, %get3A_2521, %get3A_2522] : memref<8x256x128xi32, #tpu.memory_space<vmem>>, vector<1x256x128xi32>
      %get3A_2524 = vector.shape_cast %get3A_2523 : vector<1x256x128xi32> to vector<256x128xi32>
      %eq3A_2525 = vector.broadcast %reduce_min3A_2519 : i32 to vector<256x128xi32>
      %eq3A_2526 = arith.cmpi eq, %get3A_2524, %eq3A_2525 : vector<256x128xi32>
      %and3A_2527 = arith.andi %eq3A_2506, %eq3A_2526 : vector<256x128xi1>
      %get3A_2528 = arith.constant 4 : index
      %get3A_2529 = arith.constant 0 : index
      %get3A_2530 = arith.constant 0 : index
      %get3A_2531 = vector.load %arg8[%get3A_2528, %get3A_2529, %get3A_2530] : memref<8x256x128xf32, #tpu.memory_space<vmem>>, vector<1x256x128xf32>
      %get3A_2532 = vector.shape_cast %get3A_2531 : vector<1x256x128xf32> to vector<256x128xf32>
      %jit3A_2533 = arith.constant 0x7F800000 : f32
      %broadcast_in_dim3A_2534 = vector.broadcast %jit3A_2533 : f32 to vector<256x128xf32>
      %select_n3A_2535 = arith.select %and3A_2527, %get3A_2532, %broadcast_in_dim3A_2534 : vector<256x128xi1>, vector<256x128xf32>
      %reduce_min3A_2536 = vector.shape_cast %select_n3A_2535 : vector<256x128xf32> to vector<1x256x128xf32>
      %reduce_min3A_2537 = arith.constant dense<0x7F800000> : vector<1xf32>
      %reduce_min3A_2538 = vector.multi_reduction <minimumf>, %reduce_min3A_2536, %reduce_min3A_2537 [1, 2] : vector<1x256x128xf32> to vector<1xf32>
      %reduce_min3A_2539 = vector.shape_cast %reduce_min3A_2538 : vector<1xf32> to vector<1x1x1xf32>
      %reduce_min3A_2540 = vector.extract %reduce_min3A_2539[0, 0, 0] : f32 from vector<1x1x1xf32>
      %swap3A_2541 = arith.index_cast %arg0 : i32 to index
      %swap3A_2542 = arith.constant 4 : index
      %swap3A_2543 = memref.load %arg4[%swap3A_2541, %swap3A_2542] : memref<16x8xi32, #tpu.memory_space<smem>>
      memref.store %reduce_min3A_2519, %arg4[%swap3A_2541, %swap3A_2542] : memref<16x8xi32, #tpu.memory_space<smem>>
      %div3A_2544 = arith.divf %reduce_min3A_2540, %reduce_min3A_2504 : f32
      %div3A_2545 = arith.divf %div3A_2544, %reduce_sum3A_2280 : f32
      %swap3A_2546 = arith.index_cast %arg0 : i32 to index
      %swap3A_2547 = arith.constant 4 : index
      %swap3A_2548 = memref.load %arg5[%swap3A_2546, %swap3A_2547] : memref<16x8xf32, #tpu.memory_space<smem>>
      memref.store %div3A_2545, %arg5[%swap3A_2546, %swap3A_2547] : memref<16x8xf32, #tpu.memory_space<smem>>
      %get3A_2549 = arith.constant 5 : index
      %get3A_2550 = arith.constant 0 : index
      %get3A_2551 = arith.constant 0 : index
      %get3A_2552 = vector.load %arg6[%get3A_2549, %get3A_2550, %get3A_2551] : memref<8x256x128xf32, #tpu.memory_space<vmem>>, vector<1x256x128xf32>
      %get3A_2553 = vector.shape_cast %get3A_2552 : vector<1x256x128xf32> to vector<256x128xf32>
      %reduce_min3A_2554 = vector.shape_cast %get3A_2553 : vector<256x128xf32> to vector<1x256x128xf32>
      %reduce_min3A_2555 = arith.constant dense<0x7F800000> : vector<1xf32>
      %reduce_min3A_2556 = vector.multi_reduction <minimumf>, %reduce_min3A_2554, %reduce_min3A_2555 [1, 2] : vector<1x256x128xf32> to vector<1xf32>
      %reduce_min3A_2557 = vector.shape_cast %reduce_min3A_2556 : vector<1xf32> to vector<1x1x1xf32>
      %reduce_min3A_2558 = vector.extract %reduce_min3A_2557[0, 0, 0] : f32 from vector<1x1x1xf32>
      %eq3A_2559 = vector.broadcast %reduce_min3A_2558 : f32 to vector<256x128xf32>
      %eq3A_2560 = arith.cmpf oeq, %get3A_2553, %eq3A_2559 : vector<256x128xf32>
      %get3A_2561 = arith.constant 5 : index
      %get3A_2562 = arith.constant 0 : index
      %get3A_2563 = arith.constant 0 : index
      %get3A_2564 = vector.load %arg7[%get3A_2561, %get3A_2562, %get3A_2563] : memref<8x256x128xi32, #tpu.memory_space<vmem>>, vector<1x256x128xi32>
      %get3A_2565 = vector.shape_cast %get3A_2564 : vector<1x256x128xi32> to vector<256x128xi32>
      %jit3A_2566 = arith.constant 2147483647 : i32
      %broadcast_in_dim3A_2567 = vector.broadcast %jit3A_2566 : i32 to vector<256x128xi32>
      %select_n3A_2568 = arith.select %eq3A_2560, %get3A_2565, %broadcast_in_dim3A_2567 : vector<256x128xi1>, vector<256x128xi32>
      %reduce_min3A_2569 = vector.shape_cast %select_n3A_2568 : vector<256x128xi32> to vector<1x256x128xi32>
      %reduce_min3A_2570 = arith.constant dense<2147483647> : vector<1xi32>
      %reduce_min3A_2571 = vector.multi_reduction <minsi>, %reduce_min3A_2569, %reduce_min3A_2570 [1, 2] : vector<1x256x128xi32> to vector<1xi32>
      %reduce_min3A_2572 = vector.shape_cast %reduce_min3A_2571 : vector<1xi32> to vector<1x1x1xi32>
      %reduce_min3A_2573 = vector.extract %reduce_min3A_2572[0, 0, 0] : i32 from vector<1x1x1xi32>
      %get3A_2574 = arith.constant 5 : index
      %get3A_2575 = arith.constant 0 : index
      %get3A_2576 = arith.constant 0 : index
      %get3A_2577 = vector.load %arg7[%get3A_2574, %get3A_2575, %get3A_2576] : memref<8x256x128xi32, #tpu.memory_space<vmem>>, vector<1x256x128xi32>
      %get3A_2578 = vector.shape_cast %get3A_2577 : vector<1x256x128xi32> to vector<256x128xi32>
      %eq3A_2579 = vector.broadcast %reduce_min3A_2573 : i32 to vector<256x128xi32>
      %eq3A_2580 = arith.cmpi eq, %get3A_2578, %eq3A_2579 : vector<256x128xi32>
      %and3A_2581 = arith.andi %eq3A_2560, %eq3A_2580 : vector<256x128xi1>
      %get3A_2582 = arith.constant 5 : index
      %get3A_2583 = arith.constant 0 : index
      %get3A_2584 = arith.constant 0 : index
      %get3A_2585 = vector.load %arg8[%get3A_2582, %get3A_2583, %get3A_2584] : memref<8x256x128xf32, #tpu.memory_space<vmem>>, vector<1x256x128xf32>
      %get3A_2586 = vector.shape_cast %get3A_2585 : vector<1x256x128xf32> to vector<256x128xf32>
      %jit3A_2587 = arith.constant 0x7F800000 : f32
      %broadcast_in_dim3A_2588 = vector.broadcast %jit3A_2587 : f32 to vector<256x128xf32>
      %select_n3A_2589 = arith.select %and3A_2581, %get3A_2586, %broadcast_in_dim3A_2588 : vector<256x128xi1>, vector<256x128xf32>
      %reduce_min3A_2590 = vector.shape_cast %select_n3A_2589 : vector<256x128xf32> to vector<1x256x128xf32>
      %reduce_min3A_2591 = arith.constant dense<0x7F800000> : vector<1xf32>
      %reduce_min3A_2592 = vector.multi_reduction <minimumf>, %reduce_min3A_2590, %reduce_min3A_2591 [1, 2] : vector<1x256x128xf32> to vector<1xf32>
      %reduce_min3A_2593 = vector.shape_cast %reduce_min3A_2592 : vector<1xf32> to vector<1x1x1xf32>
      %reduce_min3A_2594 = vector.extract %reduce_min3A_2593[0, 0, 0] : f32 from vector<1x1x1xf32>
      %swap3A_2595 = arith.index_cast %arg0 : i32 to index
      %swap3A_2596 = arith.constant 5 : index
      %swap3A_2597 = memref.load %arg4[%swap3A_2595, %swap3A_2596] : memref<16x8xi32, #tpu.memory_space<smem>>
      memref.store %reduce_min3A_2573, %arg4[%swap3A_2595, %swap3A_2596] : memref<16x8xi32, #tpu.memory_space<smem>>
      %div3A_2598 = arith.divf %reduce_min3A_2594, %reduce_min3A_2558 : f32
      %div3A_2599 = arith.divf %div3A_2598, %reduce_sum3A_2280 : f32
      %swap3A_2600 = arith.index_cast %arg0 : i32 to index
      %swap3A_2601 = arith.constant 5 : index
      %swap3A_2602 = memref.load %arg5[%swap3A_2600, %swap3A_2601] : memref<16x8xf32, #tpu.memory_space<smem>>
      memref.store %div3A_2599, %arg5[%swap3A_2600, %swap3A_2601] : memref<16x8xf32, #tpu.memory_space<smem>>
      %get3A_2603 = arith.constant 6 : index
      %get3A_2604 = arith.constant 0 : index
      %get3A_2605 = arith.constant 0 : index
      %get3A_2606 = vector.load %arg6[%get3A_2603, %get3A_2604, %get3A_2605] : memref<8x256x128xf32, #tpu.memory_space<vmem>>, vector<1x256x128xf32>
      %get3A_2607 = vector.shape_cast %get3A_2606 : vector<1x256x128xf32> to vector<256x128xf32>
      %reduce_min3A_2608 = vector.shape_cast %get3A_2607 : vector<256x128xf32> to vector<1x256x128xf32>
      %reduce_min3A_2609 = arith.constant dense<0x7F800000> : vector<1xf32>
      %reduce_min3A_2610 = vector.multi_reduction <minimumf>, %reduce_min3A_2608, %reduce_min3A_2609 [1, 2] : vector<1x256x128xf32> to vector<1xf32>
      %reduce_min3A_2611 = vector.shape_cast %reduce_min3A_2610 : vector<1xf32> to vector<1x1x1xf32>
      %reduce_min3A_2612 = vector.extract %reduce_min3A_2611[0, 0, 0] : f32 from vector<1x1x1xf32>
      %eq3A_2613 = vector.broadcast %reduce_min3A_2612 : f32 to vector<256x128xf32>
      %eq3A_2614 = arith.cmpf oeq, %get3A_2607, %eq3A_2613 : vector<256x128xf32>
      %get3A_2615 = arith.constant 6 : index
      %get3A_2616 = arith.constant 0 : index
      %get3A_2617 = arith.constant 0 : index
      %get3A_2618 = vector.load %arg7[%get3A_2615, %get3A_2616, %get3A_2617] : memref<8x256x128xi32, #tpu.memory_space<vmem>>, vector<1x256x128xi32>
      %get3A_2619 = vector.shape_cast %get3A_2618 : vector<1x256x128xi32> to vector<256x128xi32>
      %jit3A_2620 = arith.constant 2147483647 : i32
      %broadcast_in_dim3A_2621 = vector.broadcast %jit3A_2620 : i32 to vector<256x128xi32>
      %select_n3A_2622 = arith.select %eq3A_2614, %get3A_2619, %broadcast_in_dim3A_2621 : vector<256x128xi1>, vector<256x128xi32>
      %reduce_min3A_2623 = vector.shape_cast %select_n3A_2622 : vector<256x128xi32> to vector<1x256x128xi32>
      %reduce_min3A_2624 = arith.constant dense<2147483647> : vector<1xi32>
      %reduce_min3A_2625 = vector.multi_reduction <minsi>, %reduce_min3A_2623, %reduce_min3A_2624 [1, 2] : vector<1x256x128xi32> to vector<1xi32>
      %reduce_min3A_2626 = vector.shape_cast %reduce_min3A_2625 : vector<1xi32> to vector<1x1x1xi32>
      %reduce_min3A_2627 = vector.extract %reduce_min3A_2626[0, 0, 0] : i32 from vector<1x1x1xi32>
      %get3A_2628 = arith.constant 6 : index
      %get3A_2629 = arith.constant 0 : index
      %get3A_2630 = arith.constant 0 : index
      %get3A_2631 = vector.load %arg7[%get3A_2628, %get3A_2629, %get3A_2630] : memref<8x256x128xi32, #tpu.memory_space<vmem>>, vector<1x256x128xi32>
      %get3A_2632 = vector.shape_cast %get3A_2631 : vector<1x256x128xi32> to vector<256x128xi32>
      %eq3A_2633 = vector.broadcast %reduce_min3A_2627 : i32 to vector<256x128xi32>
      %eq3A_2634 = arith.cmpi eq, %get3A_2632, %eq3A_2633 : vector<256x128xi32>
      %and3A_2635 = arith.andi %eq3A_2614, %eq3A_2634 : vector<256x128xi1>
      %get3A_2636 = arith.constant 6 : index
      %get3A_2637 = arith.constant 0 : index
      %get3A_2638 = arith.constant 0 : index
      %get3A_2639 = vector.load %arg8[%get3A_2636, %get3A_2637, %get3A_2638] : memref<8x256x128xf32, #tpu.memory_space<vmem>>, vector<1x256x128xf32>
      %get3A_2640 = vector.shape_cast %get3A_2639 : vector<1x256x128xf32> to vector<256x128xf32>
      %jit3A_2641 = arith.constant 0x7F800000 : f32
      %broadcast_in_dim3A_2642 = vector.broadcast %jit3A_2641 : f32 to vector<256x128xf32>
      %select_n3A_2643 = arith.select %and3A_2635, %get3A_2640, %broadcast_in_dim3A_2642 : vector<256x128xi1>, vector<256x128xf32>
      %reduce_min3A_2644 = vector.shape_cast %select_n3A_2643 : vector<256x128xf32> to vector<1x256x128xf32>
      %reduce_min3A_2645 = arith.constant dense<0x7F800000> : vector<1xf32>
      %reduce_min3A_2646 = vector.multi_reduction <minimumf>, %reduce_min3A_2644, %reduce_min3A_2645 [1, 2] : vector<1x256x128xf32> to vector<1xf32>
      %reduce_min3A_2647 = vector.shape_cast %reduce_min3A_2646 : vector<1xf32> to vector<1x1x1xf32>
      %reduce_min3A_2648 = vector.extract %reduce_min3A_2647[0, 0, 0] : f32 from vector<1x1x1xf32>
      %swap3A_2649 = arith.index_cast %arg0 : i32 to index
      %swap3A_2650 = arith.constant 6 : index
      %swap3A_2651 = memref.load %arg4[%swap3A_2649, %swap3A_2650] : memref<16x8xi32, #tpu.memory_space<smem>>
      memref.store %reduce_min3A_2627, %arg4[%swap3A_2649, %swap3A_2650] : memref<16x8xi32, #tpu.memory_space<smem>>
      %div3A_2652 = arith.divf %reduce_min3A_2648, %reduce_min3A_2612 : f32
      %div3A_2653 = arith.divf %div3A_2652, %reduce_sum3A_2280 : f32
      %swap3A_2654 = arith.index_cast %arg0 : i32 to index
      %swap3A_2655 = arith.constant 6 : index
      %swap3A_2656 = memref.load %arg5[%swap3A_2654, %swap3A_2655] : memref<16x8xf32, #tpu.memory_space<smem>>
      memref.store %div3A_2653, %arg5[%swap3A_2654, %swap3A_2655] : memref<16x8xf32, #tpu.memory_space<smem>>
      %get3A_2657 = arith.constant 7 : index
      %get3A_2658 = arith.constant 0 : index
      %get3A_2659 = arith.constant 0 : index
      %get3A_2660 = vector.load %arg6[%get3A_2657, %get3A_2658, %get3A_2659] : memref<8x256x128xf32, #tpu.memory_space<vmem>>, vector<1x256x128xf32>
      %get3A_2661 = vector.shape_cast %get3A_2660 : vector<1x256x128xf32> to vector<256x128xf32>
      %reduce_min3A_2662 = vector.shape_cast %get3A_2661 : vector<256x128xf32> to vector<1x256x128xf32>
      %reduce_min3A_2663 = arith.constant dense<0x7F800000> : vector<1xf32>
      %reduce_min3A_2664 = vector.multi_reduction <minimumf>, %reduce_min3A_2662, %reduce_min3A_2663 [1, 2] : vector<1x256x128xf32> to vector<1xf32>
      %reduce_min3A_2665 = vector.shape_cast %reduce_min3A_2664 : vector<1xf32> to vector<1x1x1xf32>
      %reduce_min3A_2666 = vector.extract %reduce_min3A_2665[0, 0, 0] : f32 from vector<1x1x1xf32>
      %eq3A_2667 = vector.broadcast %reduce_min3A_2666 : f32 to vector<256x128xf32>
      %eq3A_2668 = arith.cmpf oeq, %get3A_2661, %eq3A_2667 : vector<256x128xf32>
      %get3A_2669 = arith.constant 7 : index
      %get3A_2670 = arith.constant 0 : index
      %get3A_2671 = arith.constant 0 : index
      %get3A_2672 = vector.load %arg7[%get3A_2669, %get3A_2670, %get3A_2671] : memref<8x256x128xi32, #tpu.memory_space<vmem>>, vector<1x256x128xi32>
      %get3A_2673 = vector.shape_cast %get3A_2672 : vector<1x256x128xi32> to vector<256x128xi32>
      %jit3A_2674 = arith.constant 2147483647 : i32
      %broadcast_in_dim3A_2675 = vector.broadcast %jit3A_2674 : i32 to vector<256x128xi32>
      %select_n3A_2676 = arith.select %eq3A_2668, %get3A_2673, %broadcast_in_dim3A_2675 : vector<256x128xi1>, vector<256x128xi32>
      %reduce_min3A_2677 = vector.shape_cast %select_n3A_2676 : vector<256x128xi32> to vector<1x256x128xi32>
      %reduce_min3A_2678 = arith.constant dense<2147483647> : vector<1xi32>
      %reduce_min3A_2679 = vector.multi_reduction <minsi>, %reduce_min3A_2677, %reduce_min3A_2678 [1, 2] : vector<1x256x128xi32> to vector<1xi32>
      %reduce_min3A_2680 = vector.shape_cast %reduce_min3A_2679 : vector<1xi32> to vector<1x1x1xi32>
      %reduce_min3A_2681 = vector.extract %reduce_min3A_2680[0, 0, 0] : i32 from vector<1x1x1xi32>
      %get3A_2682 = arith.constant 7 : index
      %get3A_2683 = arith.constant 0 : index
      %get3A_2684 = arith.constant 0 : index
      %get3A_2685 = vector.load %arg7[%get3A_2682, %get3A_2683, %get3A_2684] : memref<8x256x128xi32, #tpu.memory_space<vmem>>, vector<1x256x128xi32>
      %get3A_2686 = vector.shape_cast %get3A_2685 : vector<1x256x128xi32> to vector<256x128xi32>
      %eq3A_2687 = vector.broadcast %reduce_min3A_2681 : i32 to vector<256x128xi32>
      %eq3A_2688 = arith.cmpi eq, %get3A_2686, %eq3A_2687 : vector<256x128xi32>
      %and3A_2689 = arith.andi %eq3A_2668, %eq3A_2688 : vector<256x128xi1>
      %get3A_2690 = arith.constant 7 : index
      %get3A_2691 = arith.constant 0 : index
      %get3A_2692 = arith.constant 0 : index
      %get3A_2693 = vector.load %arg8[%get3A_2690, %get3A_2691, %get3A_2692] : memref<8x256x128xf32, #tpu.memory_space<vmem>>, vector<1x256x128xf32>
      %get3A_2694 = vector.shape_cast %get3A_2693 : vector<1x256x128xf32> to vector<256x128xf32>
      %jit3A_2695 = arith.constant 0x7F800000 : f32
      %broadcast_in_dim3A_2696 = vector.broadcast %jit3A_2695 : f32 to vector<256x128xf32>
      %select_n3A_2697 = arith.select %and3A_2689, %get3A_2694, %broadcast_in_dim3A_2696 : vector<256x128xi1>, vector<256x128xf32>
      %reduce_min3A_2698 = vector.shape_cast %select_n3A_2697 : vector<256x128xf32> to vector<1x256x128xf32>
      %reduce_min3A_2699 = arith.constant dense<0x7F800000> : vector<1xf32>
      %reduce_min3A_2700 = vector.multi_reduction <minimumf>, %reduce_min3A_2698, %reduce_min3A_2699 [1, 2] : vector<1x256x128xf32> to vector<1xf32>
      %reduce_min3A_2701 = vector.shape_cast %reduce_min3A_2700 : vector<1xf32> to vector<1x1x1xf32>
      %reduce_min3A_2702 = vector.extract %reduce_min3A_2701[0, 0, 0] : f32 from vector<1x1x1xf32>
      %swap3A_2703 = arith.index_cast %arg0 : i32 to index
      %swap3A_2704 = arith.constant 7 : index
      %swap3A_2705 = memref.load %arg4[%swap3A_2703, %swap3A_2704] : memref<16x8xi32, #tpu.memory_space<smem>>
      memref.store %reduce_min3A_2681, %arg4[%swap3A_2703, %swap3A_2704] : memref<16x8xi32, #tpu.memory_space<smem>>
      %div3A_2706 = arith.divf %reduce_min3A_2702, %reduce_min3A_2666 : f32
      %div3A_2707 = arith.divf %div3A_2706, %reduce_sum3A_2280 : f32
      %swap3A_2708 = arith.index_cast %arg0 : i32 to index
      %swap3A_2709 = arith.constant 7 : index
      %swap3A_2710 = memref.load %arg5[%swap3A_2708, %swap3A_2709] : memref<16x8xf32, #tpu.memory_space<smem>>
      memref.store %div3A_2707, %arg5[%swap3A_2708, %swap3A_2709] : memref<16x8xf32, #tpu.memory_space<smem>>
    } else {
    }
    return
  }
  func.func @transform_0(%arg0: i32, %arg1: i32) -> (i32, i32, i32, i32) {
    %c0_i32 = arith.constant 0 : i32
    %c0_i32_0 = arith.constant 0 : i32
    %c0_i32_1 = arith.constant 0 : i32
    return %arg0, %arg1, %c0_i32, %c0_i32_0 : i32, i32, i32, i32
  }
  func.func @transform_1(%arg0: i32, %arg1: i32) -> (i32, i32, i32, i32) {
    %c0_i32 = arith.constant 0 : i32
    %c0_i32_0 = arith.constant 0 : i32
    %c0_i32_1 = arith.constant 0 : i32
    return %arg0, %arg1, %c0_i32, %c0_i32_0 : i32, i32, i32, i32
  }
  func.func @transform_2(%arg0: i32, %arg1: i32) -> (i32, i32) {
    %c0_i32 = arith.constant 0 : i32
    %c0_i32_0 = arith.constant 0 : i32
    %c0_i32_1 = arith.constant 0 : i32
    return %c0_i32, %c0_i32_0 : i32, i32
  }
  func.func @transform_3(%arg0: i32, %arg1: i32) -> (i32, i32) {
    %c0_i32 = arith.constant 0 : i32
    %c0_i32_0 = arith.constant 0 : i32
    %c0_i32_1 = arith.constant 0 : i32
    return %c0_i32, %c0_i32_0 : i32, i32
  }
}

</mosaic_0001>

<sc_bundles>
// kernel: sparse-core-data-format-call.1.cloned.1.call-start
scs
called_computation.1_lowered:
.L_overlay_start_0:
0x0: {  	s2 =	sld [smem:$0x3FD9]  }
0x1: {  	s3 =	sld [smem:$0x3FFE];
	_ =	sdelay $0x1  }
0x2: {  	s1 =	srdreg.scid  }
0x3: {  	s0 =	sand.u32 $0x1, s1  }
0x4: {  	s18 =	sshll.u32 s0, $0xA;
	s2 =	sadd.s32 s3, s2  }
0x5: {  	s2 =	sadd.s32 s2, s18  }
0x6: {  	[smem:$0x3FC6] =	sst s2  }
0x7: {  	_ = 	snop  }
0x8: {  	(tm) =	ssettm $0x1  }
0x9: {  	s19 =	sld [smem:$0x3FFB];
	_ =	sdelay $0x3  }
0xa: {  	_ =	strace s19  }
0xb: {  	s2 =	sld [smem:$0x3FFC];
	_ =	sdelay $0x3  }
0xc: {  	_ =	strace s2  }
0xd: {  	s2 =	sld [smem:$0x3FFD];
	_ =	sdelay $0x3  }
0xe: {  	_ =	strace s2  }
0xf: {  	_ =	strace $0x8FFFFFFF  }
0x10: {  	s20 =	sld [smem:$0x3FDB];
	_ =	sdelay $0x1  }
0x11: {  	s21 =	simm.s32 $_scs_section_size  }
0x12: {  	s4 =	simm.s32 $_size__tile_overlayer_lowered;
	s5 =	simm.s32 $_tile_overlayer_lowered  }
0x13: {  	s6 =	simm.s32 $0x1BFF;
	s22 =	sshll.u32 s5, $0x1;
	s3 =	sadd.s32 s21, s20  }
0x14: {  	s23 =	simm.s32 $0x0;
	s4 =	sshll.u32 s4, $0x1;
	s5 =	sadd.s32 s22, s3  }
0x15: {  	[timem:s23], [sflag:s6] =	dma.local [hbm:s5], s4  }
0x16: {  	_ =	swait.ge [sflag:s6], s4  }
0x17: {  	s4 =	ssub.s32 $0x0, s4;
	[sflag:s6] =	ssyncset.done $0x0  }
0x18: {  	[sflag:s6] =	ssyncadd.s32 s4;
	_ =	sdelay $0x1  }
0x19: {  	s24 =	simm.s32 $0x1B8B  }
0x1a: {  	_ =	swait.ge [sflag:s24], $0x1  }
0x1b: {  	[sflag:s24] =	ssyncset.done $0x0  }
0x1c: {  	[sflag:s24] =	ssyncadd.s32 $0xFFFFFFFF  }
0x1d: {  	s4 =	sld [smem:$0x0]  }
0x1e: {  	s5 =	sand.u32 $0xFFFFFFFE, s1  }
0x1f: {  	p0 =	sne.s32 s1, s5  }
0x20: {  	s5 =	sshll.u32 @p0 s5, $0xE  }
0x21: {  	s5 =	sadd.s32 @p0 $0x11B8D, s5;
	s6 =	sshll.u32 @p0 s4, $0x11  }
0x22: {  	s5 =	sor.u32 @p0 s6, s5  }
0x23: {  	[sflag:s5] =	ssyncadd.remote.s32 @p0 $0x1;
	_ =	sdelay $0x1  }
0x24: {  	s5 =	simm.s32 @p0 $0x1B8D  }
0x25: {  	_ =	swait.eq @p0 [sflag:s5], $0x1  }
0x26: {  	[sflag:s5] =	ssyncadd.s32 @p0 $0xFFFFFFFF  }
0x27: {  	s6 =	sshll.u32 @!p0 s1, $0xE  }
0x28: {  	s6 =	sor.u32 @!p0 $0x4000, s6;
	s5 =	simm.s32 @!p0 $0x1B8D  }
0x29: {  	s4 =	sshll.u32 @!p0 s4, $0x11;
	s6 =	sadd.s32 @!p0 $0x11B8D, s6;
	_ =	swait.eq @!p0 [sflag:s5], $0x1  }
0x2a: {  	s4 =	sor.u32 @!p0 s4, s6;
	[sflag:s5] =	ssyncadd.s32 @!p0 $0xFFFFFFFF  }
0x2b: {  	s26 =	simm.s32 $0x1B8E;
	s25 =	sld [smem:$0x3FFE];
	[sflag:s4] =	ssyncadd.remote.s32 @!p0 $0x1  }
0x2c: {  	s27 =	simm.s32 $execute0_lowered;
	[smem:$0x3FD2] =	sst s26  }
0x2d: {  	s5 =	sshll.u32 s27, $0x1;
	_ =	strace $0x80000049;
	[dreg:$0x1] =	wrdreg $0xFFFFFFFF  }
0x2e: {  	s28 =	simm.s32 $_size_execute0_lowered;
	s3 =	sadd.s32 s3, s5;
	[dreg:$0x0] =	wrdreg $0x0  }
0x2f: {  	s5 =	sshll.u32 s28, $0x1;
	[dreg:$0x2] =	wrdreg s3  }
0x30: {  	[dreg:$0x3] =	wrdreg s5  }
0x31: {  	[dreg:$0x4] =	wrdreg $0xC0  }
0x32: {  	_ =	task [dreg:s23], $0x5FFFF  }
0x33: {  	[dreg:$0x1] =	wrdreg $0xFFFFFFFF  }
0x34: {  	[dreg:$0x0] =	wrdreg $0x60  }
0x35: {  	[dreg:$0x2] =	wrdreg s25  }
0x36: {  	[dreg:$0x3] =	wrdreg $0xA  }
0x37: {  	_ =	task.clear_ibuf [dreg:s23], $0x4FFFF;
	_ =	strace $0x90000049  }
0x38: {  	s29 =	simm.s32 $0xA;
	_ =	strace $0x8000004B  }
0x39: {  	_ =	swait.ge [sflag:s29], $0x1  }
0x3a: {  	[sflag:s29] =	ssyncadd.s32 $0xFFFFFFFF  }
0x3b: {  	_ =	strace $0x9000004B  }
0x3c: {  	_ =	sfence  }
0x3d: {  	s30 =	sld [smem:$0x0];
	_ =	sdelay $0x2  }
0x3e: {  	s31 =	sshll.u32 s1, $0xD;
	s1 =	sshrl.u32 s1, $0x2  }
0x3f: {  	s4 =	sand.u32 $0x4000, s31;
	s1 =	sadd.s32 s1, s30  }
0x40: {  	s0 =	sor.u32 s4, s0;
	s1 =	sshll.u32 s1, $0x11  }
0x41: {  	s0 =	sor.u32 s1, s0  }
0x42: {  	s0 =	sadd.s32 $0x8F2B, s0  }
0x43: {  	[sflag:s0] =	ssyncadd.remote.s32 $0x1  }
0x44: {  	_ =	sfence.sel $0xFFFF  }
0x45: {  	[dreg:$0x0] =	wrdreg $0xFFFFFFFF;
	(pc) =	sbr.abs _section_cstart, $3  }
0x46: {  	[dreg:$0x1] =	wrdreg $0xFFFFFFFF  }
0x47: {  	_ =	task.clear_ibuf [dreg:s23], $0x2FFFF;
	_ =	strace $0x9FFFFFFF  }
0x48: {  	(tm) =	ssettm $0x7FFFFFFF  }
0x49: {  	_ =	shalt  }
tec
execute0_lowered:
.L_overlay_start_1:
0x0: {  	(tag) =	ssettag $0x1  }
0x1: {  	s0 =	stileid.u32;
	s1 =	srdreg.scid  }
0x2: {  	s7 =	rddreg [dreg:$0x0];
	s31 =	simm.s32 $0x2;
	s15 =	simm.s32 $0x0  }
0x3: {  	s9 =	simm.s32 $0x800;
	s2 =	sshll.u32 s0, $0x3;
	s1 =	sshll.u32 s1, $0x7  }
0x4: {  	s10 =	simm.s32 $0xF8000;
	s1 =	sor.u32 s2, s1;
	s2 =	sand.u32 $0x1, s0  }
0x5: {  	s11 =	simm.s32 $0x0;
	s1 =	sand.u32 $0xF0, s1;
	s4 =	ssub.s32 $0x2, s2  }
0x6: {  	s16 =	simm.s32 $0x0;
	s3 =	ssub.s32 $0x1F00, s1;
	s6 =	sshrl.u32 s4, $0x1  }
0x7: {  	s4 =	sand.u32 $0x1, s4;
	s5 =	sand.u32 $0xF0, s3;
	s8 =	sshrl.u32 s3, $0x8  }
0x8: {  	s3 =	rddreg [dreg:$0x1];
	p0 =	sne.s32 s5, $0x0;
	s5 =	simm.s32 $0x1  }
.Ltmp0:
0x9: {  	s6 =	sadd.s32 s4, s6;
	s5 =	simm.s32 @!p0 $0x0;
	(pc) =	sbr.rel .LBB1_1-.Ltmp0, $4  }
0xa: {  	_ =	strace $0x8000004A;
	s4 =	simm.s32 $0x1;
	s5 =	sadd.s32 s5, s8  }
0xb: {  	s14 =	simm.s32 $0x0;
	[sflag:s4] =	ssyncpa.u1 $0x0;
	s5 =	smul.u32 s6, s5  }
0xc: {  	s13 =	smov.u32 s2;
	s12 =	smov.u32 s1;
	[sflag:s31] =	ssyncpa.u1 $0x0  }
0xd: {  	s6 =	sadd.s32 $0x3E0A00, s7;
	s7 =	sadd.s32 $0x5D0A00, s7;
	s8 =	sadd.s32 $0x1, s5  }
.LBB1_7:
0xe: {  	s17 =	sadd.s32 $0x100, s12  }
0xf: {  	s15 =	sadd.s32 $0x2, s13;
	s19 =	smov.u32 s13;
	p1 =	sgt.s32 s17, $0x1EFF  }
0x10: {  	s19 =	smov.u32 @p1 s15  }
0x11: {  	s17 =	smov.u32 @p1 s1;
	p1 =	sgt.s32 s19, $0x1  }
0x12: {  	s19 =	smov.u32 @p1 s2;
	p1 =	sne.s32 s14, s8  }
.Ltmp1:
0x13: {  	p0 =	slt.u32 s14, $0x2;
	(pc) =	sbr.rel @!p1 .LBB1_8-.Ltmp1, $4  }
0x14: {  	s18 =	simm.s32 @!p0 $0x2  }
0x15: {  	s16 =	smov.u32 s13;
	s11 =	sadd.s32 $0x4000, s11;
	_ =	swait.ge @!p0 [sflag:s18], $0x4000  }
0x16: {  	s15 =	smov.u32 s12;
	[sflag:s18] =	ssyncset.done @!p0 $0x0;
	s12 =	smov.u32 s17  }
0x17: {  	s14 =	sadd.s32 $0x1, s14;
	[sflag:s18] =	ssyncadd.s32 @!p0 $0xFFFFC000;
	s13 =	smov.u32 s19  }
.LBB1_1:
0x18: {  	p0 =	sge.u32 s14, s5  }
0x19: {  	s17 =	smul.u32 @!p0 $0xF8000, s13  }
0x1a: {  	s31 =	sadd.s32 $0xFFFFFFFF, s14;
	s18 =	sxor.u32 @!p0 $0xFFFFFFFF, s14  }
0x1b: {  	s19 =	sshll.u32 @!p0 s12, $0x7;
	s18 =	sshll.u32 @!p0 s18, $0xE;
	s17 =	sadd.s32 @!p0 s6, s17  }
0x1c: {  	s18 =	sand.u32 @!p0 $0x4000, s18;
	s17 =	sadd.s32 @!p0 s19, s17;
	s19 =	simm.s32 @!p0 $0x0  }
0x1d: {  	[tilespmem:s18], [sflag:$0x1] =	stream.linear.gather @!p0 [hbm4b:s17+s19], $0x4000, $0x38;
	[tilespmem:$0x10000] =	vst v63  }
0x1e: {  	p0 =	sge.u32 s31, s5  }
.Ltmp2:
0x1f: {  	_ = 	snop;
	(pc) =	sbr.rel @p0 .LBB1_7-.Ltmp2, $1  }
0x20: {  	_ =	sdelay $0x3  }
0x21: {  	s17 =	sand.u32 $0x4000, s11  }
0x22: {  	_ =	swait.ge [sflag:s4], $0x4000;
	s20 =	sshll.u32 s14, $0xE;
	s18 =	sor.u32 $0x8040, s17  }
0x23: {  	s19 =	sor.u32 $0x40, s17;
	[sflag:s4] =	ssyncset.done $0x0;
	s31 =	sand.u32 $0x4000, s20  }
0x24: {  	s20 =	simm.s32 $0x0;
	[sflag:s4] =	ssyncadd.s32 $0xFFFFC000;
	s17 =	sor.u32 $0x8000, s31  }
.LBB1_3:
0x25: {  	v0 =	vmov s19;
	_ =	sdelay $0x3  }
0x26: {  	s22 =	simm.s32 $0x0  }
0x27: {  	v6 =	vld.idx.msk [tilespmem:v0+s22+$0x30 ss:$0x1], $0xffff  }
0x28: {  	v7 =	vld.idx.msk [tilespmem:v0+s22+$0xFFFFFFC0 ss:$0x1], $0xffff  }
0x29: {  	v5 =	vld.idx.msk [tilespmem:v0+s22+$0xFFFFFFD0 ss:$0x1], $0xffff  }
0x2a: {  	v4 =	vld.idx.msk [tilespmem:v0+s22+$0xFFFFFFE0 ss:$0x1], $0xffff  }
0x2b: {  	v3 =	vld.idx.msk [tilespmem:v0+s22+$0xFFFFFFF0 ss:$0x1], $0xffff  }
0x2c: {  	v1 =	vld.idx.msk [tilespmem:v0+s22+$0x0 ss:$0x1], $0xffff  }
0x2d: {  	v2 =	vld.idx.msk [tilespmem:v0+s22+$0x10 ss:$0x1], $0xffff;
	[tilespmem:s18+$0x30] =	vst v6  }
0x2e: {  	s21 =	simm.s32 $0x80;
	s23 =	simm.s32 $0x400;
	[tilespmem:s18+$0xFFFFFFC0] =	vst v7;
	v6 =	vld.idx.msk [tilespmem:v0+s22+$0x20 ss:$0x1], $0xffff;
	s22 =	smov.u32 s18  }
.LBB1_4:
0x2f: {  	p0 =	sne.s32 s23, $0xE00;
	v7 =	vld.idx.msk [tilespmem:v0+s21+$0x30 ss:$0x1], $0xffff;
	[tilespmem:s22+$0xFFFFFFD0] =	vst v5  }
0x30: {  	v8 =	vld.idx.msk [tilespmem:v0+s21+$0xFFFFFFC0 ss:$0x1], $0xffff;
	[tilespmem:s22+$0xFFFFFFE0] =	vst v4  }
0x31: {  	v5 =	vld.idx.msk [tilespmem:v0+s21+$0xFFFFFFD0 ss:$0x1], $0xffff;
	[tilespmem:s22+$0xFFFFFFF0] =	vst v3  }
.Ltmp3:
0x32: {  	v4 =	vld.idx.msk [tilespmem:v0+s21+$0xFFFFFFE0 ss:$0x1], $0xffff;
	[tilespmem:s22+$0x0] =	vst v1;
	(pc) =	sbr.rel @p0 .LBB1_4-.Ltmp3, $4  }
0x33: {  	v3 =	vld.idx.msk [tilespmem:v0+s21+$0xFFFFFFF0 ss:$0x1], $0xffff;
	[tilespmem:s22+$0x10] =	vst v2  }
0x34: {  	v1 =	vld.idx.msk [tilespmem:v0+s21+$0x0 ss:$0x1], $0xffff;
	[tilespmem:s22+$0x20] =	vst v6;
	s22 =	sadd.s32 $0x800, s22  }
0x35: {  	v2 =	vld.idx.msk [tilespmem:v0+s21+$0x10 ss:$0x1], $0xffff;
	[tilespmem:s22+$0x30] =	vst v7  }
0x36: {  	[tilespmem:s22+$0xFFFFFFC0] =	vst v8;
	v6 =	vld.idx.msk [tilespmem:v0+s21+$0x20 ss:$0x1], $0xffff;
	s21 =	sshra.s32 s23, $0x2;
	s23 =	sadd.s32 $0x200, s23  }
0x37: {  	_ =	sdelay $0x2  }
0x38: {  	[tilespmem:s22+$0xFFFFFFD0] =	vst v5  }
0x39: {  	v56 =	vld.idx.msk [tilespmem:v0+s21+$0x30 ss:$0x1], $0xffff;
	[tilespmem:s22+$0xFFFFFFE0] =	vst v4  }
0x3a: {  	v57 =	vld.idx.msk [tilespmem:v0+s21+$0xFFFFFFC0 ss:$0x1], $0xffff;
	[tilespmem:s22+$0xFFFFFFF0] =	vst v3  }
0x3b: {  	v58 =	vld.idx.msk [tilespmem:v0+s21+$0xFFFFFFD0 ss:$0x1], $0xffff;
	[tilespmem:s22+$0x0] =	vst v1  }
0x3c: {  	v59 =	vld.idx.msk [tilespmem:v0+s21+$0xFFFFFFE0 ss:$0x1], $0xffff;
	[tilespmem:s22+$0x10] =	vst v2  }
0x3d: {  	v60 =	vld.idx.msk [tilespmem:v0+s21+$0xFFFFFFF0 ss:$0x1], $0xffff;
	s31 =	sadd.s32 $0x800, s22;
	[tilespmem:s22+$0x20] =	vst v6  }
0x3e: {  	v61 =	vld.idx.msk [tilespmem:v0+s21+$0x0 ss:$0x1], $0xffff;
	[tilespmem:s31+$0x30] =	vst v56  }
0x3f: {  	v62 =	vld.idx.msk [tilespmem:v0+s21+$0x10 ss:$0x1], $0xffff;
	s20 =	sadd.s32 $0x1, s20;
	[tilespmem:s31+$0xFFFFFFC0] =	vst v57  }
0x40: {  	v63 =	vld.idx.msk [tilespmem:v0+s21+$0x20 ss:$0x1], $0xffff;
	p0 =	sne.s32 s20, $0x10;
	[tilespmem:s31+$0xFFFFFFD0] =	vst v58  }
.Ltmp4:
0x41: {  	[tilespmem:s31+$0xFFFFFFE0] =	vst v59;
	(pc) =	sbr.rel @p0 .LBB1_3-.Ltmp4, $4  }
0x42: {  	[tilespmem:s31+$0xFFFFFFF0] =	vst v60  }
0x43: {  	[tilespmem:s31+$0x0] =	vst v61  }
0x44: {  	[tilespmem:s31+$0x10] =	vst v62  }
0x45: {  	s18 =	sadd.s32 $0x80, s18;
	s19 =	sadd.s32 $0x400, s19;
	[tilespmem:s31+$0x20] =	vst v63  }
0x46: {  	s15 =	sand.u32 $0x1FFFFFF, s15  }
0x47: {  	s18 =	smulhi.u32 $0x1084211, s15;
	_ =	sdelay $0x1  }
0x48: {  	s16 =	smul.u32 $0xF8000, s16;
	s18 =	sshrl.u32 s18, $0x5  }
0x49: {  	s18 =	smul.u32 $0x1F00, s18  }
.Ltmp5:
0x4a: {  	_ = 	snop;
	(pc) =	sbr.rel .LBB1_7-.Ltmp5, $4  }
0x4b: {  	s15 =	ssub.s32 s15, s18  }
0x4c: {  	s16 =	sadd.s32 s7, s16;
	s15 =	sshll.u32 s15, $0x4  }
0x4d: {  	s15 =	sadd.s32 s15, s16  }
0x4e: {  	[hbm4b:s15+s9] =	stream.strided.scatter [tilespmem:s17], [sflag:$0x2], $0x4000, s10, s9, $0x38;
	[tilespmem:$0x10000] =	vst v63  }
.LBB1_8:
0x4f: {  	_ =	sfence.sel $0x180000  }
0x50: {  	s1 =	simm.s32 $0x1;
	[bflag:$0x0] =	sbarrier.arrive $0xFFFF  }
0x51: {  	s31 =	simm.s32 $0x2;
	[sflag:s1] =	ssyncpa.u1 $0x1  }
0x52: {  	[sflag:s31] =	ssyncpa.u1 $0x1  }
0x53: {  	p0 =	sne.s32 s0, $0x0;
	_ =	strace $0x9000004A  }
0x54: {  	s0 =	sadd.s32 @!p0 $0x100000, s3;
	[bflag:$0x2] =	sbarrier.arrive $0xFFFF  }
0x55: {  	[sflag:s0] =	ssyncadd.tile.s32 @!p0 $0x1;
	_ =	shalt  }
.Lfunc_end1:
_tile_overlayer_lowered:
.L_overlay_start_2:
0x56: {  	(tag) =	ssettag $0x2  }
0x57: {  	s0 =	rddreg [dreg:$0x0];
	s2 =	stileid.u32  }
0x58: {  	s1 =	rddreg [dreg:$0x1];
	p0 =	sne.s32 s2, $0x0  }
0x59: {  	s3 =	rddreg [dreg:$0x2];
	[bflag:$0x3] =	sbarrier.arrive $0xFFFF;
	s2 =	simm.s32 @!p0 $0x1C01  }
0x5a: {  	[timem:s3], [sflag:s2] =	dma.local @!p0 [hbm:s0], s1  }
0x5b: {  	s0 =	simm.s32 @!p0 $0x1  }
0x5c: {  	_ =	swait.ge @!p0 [sflag:s0], s1  }
0x5d: {  	s1 =	ssub.s32 @!p0 $0x0, s1;
	[sflag:s0] =	ssyncset.done @!p0 $0x0  }
0x5e: {  	[sflag:s0] =	ssyncadd.s32 @!p0 s1  }
0x5f: {  	[bflag:$0x3] =	sbarrier.arrive $0xFFFF  }
0x60: {  	_ =	shalt  }

// kernel: sparse-core-data-format-call.cloned.1.call-start
scs
called_computation_lowered:
.L_overlay_start_0:
0x0: {  	s1 =	sld [smem:$0x3FD9]  }
0x1: {  	s2 =	sld [smem:$0x3FFE];
	_ =	sdelay $0x1  }
0x2: {  	s3 =	srdreg.scid  }
0x3: {  	s0 =	sand.u32 $0x1, s3  }
0x4: {  	s17 =	sshll.u32 s0, $0xA;
	s1 =	sadd.s32 s2, s1  }
0x5: {  	s1 =	sadd.s32 s1, s17  }
0x6: {  	[smem:$0x3FC6] =	sst s1  }
0x7: {  	_ = 	snop  }
0x8: {  	(tm) =	ssettm $0x1  }
0x9: {  	s18 =	sld [smem:$0x3FFB];
	_ =	sdelay $0x3  }
0xa: {  	_ =	strace s18  }
0xb: {  	s1 =	sld [smem:$0x3FFC];
	_ =	sdelay $0x3  }
0xc: {  	_ =	strace s1  }
0xd: {  	s1 =	sld [smem:$0x3FFD];
	_ =	sdelay $0x3  }
0xe: {  	_ =	strace s1  }
0xf: {  	_ =	strace $0x8FFFFFFF  }
0x10: {  	s19 =	sld [smem:$0x3FDB];
	_ =	sdelay $0x1  }
0x11: {  	s20 =	simm.s32 $_scs_section_size  }
0x12: {  	s4 =	simm.s32 $_size__tile_overlayer_lowered;
	s5 =	simm.s32 $_tile_overlayer_lowered  }
0x13: {  	s23 =	simm.s32 $0x1BFF;
	s22 =	sshll.u32 s5, $0x1;
	s1 =	sadd.s32 s20, s19  }
0x14: {  	s6 =	simm.s32 $0x0;
	s21 =	sshll.u32 s4, $0x1;
	s4 =	sadd.s32 s22, s1  }
0x15: {  	[timem:s6], [sflag:s23] =	dma.local [hbm:s4], s21  }
0x16: {  	_ =	swait.ge [sflag:s23], s21  }
0x17: {  	s2 =	ssub.s32 $0x0, s21;
	[sflag:s23] =	ssyncset.done $0x0  }
0x18: {  	[sflag:s23] =	ssyncadd.s32 s2;
	_ =	sdelay $0x1  }
0x19: {  	s24 =	simm.s32 $0x1B8B  }
0x1a: {  	_ =	swait.ge [sflag:s24], $0x1  }
0x1b: {  	[sflag:s24] =	ssyncset.done $0x0  }
0x1c: {  	s26 =	simm.s32 $0x1B8E;
	s25 =	sld [smem:$0x3FFE];
	[sflag:s24] =	ssyncadd.s32 $0xFFFFFFFF  }
0x1d: {  	s27 =	simm.s32 $execute0_lowered;
	[smem:$0x3FD2] =	sst s26  }
0x1e: {  	s4 =	sshll.u32 s27, $0x1;
	_ =	strace $0x80000046;
	[dreg:$0x1] =	wrdreg $0xFFFFFFFF  }
0x1f: {  	s28 =	simm.s32 $_size_execute0_lowered;
	s1 =	sadd.s32 s1, s4;
	[dreg:$0x0] =	wrdreg $0x0  }
0x20: {  	s4 =	sshll.u32 s28, $0x1;
	[dreg:$0x2] =	wrdreg s1  }
0x21: {  	[dreg:$0x3] =	wrdreg s4  }
0x22: {  	[dreg:$0x4] =	wrdreg $0xC0  }
0x23: {  	_ =	task [dreg:s6], $0x5FFFF  }
0x24: {  	[dreg:$0x1] =	wrdreg $0xFFFFFFFF  }
0x25: {  	[dreg:$0x0] =	wrdreg $0x60  }
0x26: {  	[dreg:$0x2] =	wrdreg s25  }
0x27: {  	[dreg:$0x3] =	wrdreg $0x9  }
0x28: {  	_ =	task.clear_ibuf [dreg:s6], $0x4FFFF;
	_ =	strace $0x90000046  }
0x29: {  	s29 =	simm.s32 $0x9;
	_ =	strace $0x80000048  }
0x2a: {  	_ =	swait.ge [sflag:s29], $0x1  }
0x2b: {  	[sflag:s29] =	ssyncadd.s32 $0xFFFFFFFF  }
0x2c: {  	_ =	strace $0x90000048  }
0x2d: {  	_ =	sfence  }
0x2e: {  	s30 =	sld [smem:$0x0];
	_ =	sdelay $0x2  }
0x2f: {  	s31 =	sshll.u32 s3, $0xD;
	s3 =	sshrl.u32 s3, $0x2  }
0x30: {  	s2 =	sand.u32 $0x4000, s31;
	s1 =	sadd.s32 s3, s30  }
0x31: {  	s0 =	sor.u32 s2, s0;
	s1 =	sshll.u32 s1, $0x11  }
0x32: {  	s0 =	sor.u32 s1, s0  }
0x33: {  	s0 =	sadd.s32 $0x8F2B, s0  }
0x34: {  	[sflag:s0] =	ssyncadd.remote.s32 $0x1  }
0x35: {  	_ =	sfence.sel $0xFFFF  }
0x36: {  	[dreg:$0x0] =	wrdreg $0xFFFFFFFF;
	(pc) =	sbr.abs _section_cstart, $3  }
0x37: {  	[dreg:$0x1] =	wrdreg $0xFFFFFFFF  }
0x38: {  	_ =	task.clear_ibuf [dreg:s6], $0x2FFFF;
	_ =	strace $0x9FFFFFFF  }
0x39: {  	(tm) =	ssettm $0x7FFFFFFF  }
tec
execute0_lowered:
.L_overlay_start_1:
0x0: {  	(tag) =	ssettag $0x1  }
0x1: {  	s0 =	stileid.u32;
	s1 =	srdreg.scid  }
0x2: {  	s7 =	rddreg [dreg:$0x0];
	s31 =	simm.s32 $0x2;
	s15 =	simm.s32 $0x0  }
0x3: {  	s9 =	simm.s32 $0x800;
	s2 =	sshll.u32 s0, $0x3;
	s1 =	sshll.u32 s1, $0x7  }
0x4: {  	s10 =	simm.s32 $0xF8000;
	s1 =	sor.u32 s2, s1;
	s2 =	sand.u32 $0x1, s0  }
0x5: {  	s11 =	simm.s32 $0x0;
	s1 =	sand.u32 $0xF0, s1;
	s4 =	ssub.s32 $0x2, s2  }
0x6: {  	s16 =	simm.s32 $0x0;
	s3 =	ssub.s32 $0x1F00, s1;
	s6 =	sshrl.u32 s4, $0x1  }
0x7: {  	s4 =	sand.u32 $0x1, s4;
	s5 =	sand.u32 $0xF0, s3;
	s8 =	sshrl.u32 s3, $0x8  }
0x8: {  	s3 =	rddreg [dreg:$0x1];
	p0 =	sne.s32 s5, $0x0;
	s5 =	simm.s32 $0x1  }
.Ltmp0:
0x9: {  	s6 =	sadd.s32 s4, s6;
	s5 =	simm.s32 @!p0 $0x0;
	(pc) =	sbr.rel .LBB1_1-.Ltmp0, $4  }
0xa: {  	_ =	strace $0x80000047;
	s4 =	simm.s32 $0x1;
	s5 =	sadd.s32 s5, s8  }
0xb: {  	s14 =	simm.s32 $0x0;
	[sflag:s4] =	ssyncpa.u1 $0x0;
	s5 =	smul.u32 s6, s5  }
0xc: {  	s13 =	smov.u32 s2;
	s12 =	smov.u32 s1;
	[sflag:s31] =	ssyncpa.u1 $0x0  }
0xd: {  	s6 =	sadd.s32 $0xA00, s7;
	s7 =	sadd.s32 $0x1F0A00, s7;
	s8 =	sadd.s32 $0x1, s5  }
.LBB1_7:
0xe: {  	s17 =	sadd.s32 $0x100, s12  }
0xf: {  	s15 =	sadd.s32 $0x2, s13;
	s19 =	smov.u32 s13;
	p1 =	sgt.s32 s17, $0x1EFF  }
0x10: {  	s19 =	smov.u32 @p1 s15  }
0x11: {  	s17 =	smov.u32 @p1 s1;
	p1 =	sgt.s32 s19, $0x1  }
0x12: {  	s19 =	smov.u32 @p1 s2;
	p1 =	sne.s32 s14, s8  }
.Ltmp1:
0x13: {  	p0 =	slt.u32 s14, $0x2;
	(pc) =	sbr.rel @!p1 .LBB1_8-.Ltmp1, $4  }
0x14: {  	s18 =	simm.s32 @!p0 $0x2  }
0x15: {  	s16 =	smov.u32 s13;
	s11 =	sadd.s32 $0x4000, s11;
	_ =	swait.ge @!p0 [sflag:s18], $0x4000  }
0x16: {  	s15 =	smov.u32 s12;
	[sflag:s18] =	ssyncset.done @!p0 $0x0;
	s12 =	smov.u32 s17  }
0x17: {  	s14 =	sadd.s32 $0x1, s14;
	[sflag:s18] =	ssyncadd.s32 @!p0 $0xFFFFC000;
	s13 =	smov.u32 s19  }
.LBB1_1:
0x18: {  	p0 =	sge.u32 s14, s5  }
0x19: {  	s17 =	smul.u32 @!p0 $0xF8000, s13  }
0x1a: {  	s31 =	sadd.s32 $0xFFFFFFFF, s14;
	s18 =	sxor.u32 @!p0 $0xFFFFFFFF, s14  }
0x1b: {  	s19 =	sshll.u32 @!p0 s12, $0x7;
	s18 =	sshll.u32 @!p0 s18, $0xE;
	s17 =	sadd.s32 @!p0 s6, s17  }
0x1c: {  	s18 =	sand.u32 @!p0 $0x4000, s18;
	s17 =	sadd.s32 @!p0 s19, s17;
	s19 =	simm.s32 @!p0 $0x0  }
0x1d: {  	[tilespmem:s18], [sflag:$0x1] =	stream.linear.gather @!p0 [hbm4b:s17+s19], $0x4000, $0x38;
	[tilespmem:$0x10000] =	vst v63  }
0x1e: {  	p0 =	sge.u32 s31, s5  }
.Ltmp2:
0x1f: {  	_ = 	snop;
	(pc) =	sbr.rel @p0 .LBB1_7-.Ltmp2, $1  }
0x20: {  	_ =	sdelay $0x3  }
0x21: {  	s17 =	sand.u32 $0x4000, s11  }
0x22: {  	_ =	swait.ge [sflag:s4], $0x4000;
	s20 =	sshll.u32 s14, $0xE;
	s18 =	sor.u32 $0x8040, s17  }
0x23: {  	s19 =	sor.u32 $0x40, s17;
	[sflag:s4] =	ssyncset.done $0x0;
	s31 =	sand.u32 $0x4000, s20  }
0x24: {  	s20 =	simm.s32 $0x0;
	[sflag:s4] =	ssyncadd.s32 $0xFFFFC000;
	s17 =	sor.u32 $0x8000, s31  }
.LBB1_3:
0x25: {  	v0 =	vmov s19;
	_ =	sdelay $0x3  }
0x26: {  	s22 =	simm.s32 $0x0  }
0x27: {  	v6 =	vld.idx.msk [tilespmem:v0+s22+$0x30 ss:$0x1], $0xffff  }
0x28: {  	v7 =	vld.idx.msk [tilespmem:v0+s22+$0xFFFFFFC0 ss:$0x1], $0xffff  }
0x29: {  	v5 =	vld.idx.msk [tilespmem:v0+s22+$0xFFFFFFD0 ss:$0x1], $0xffff  }
0x2a: {  	v4 =	vld.idx.msk [tilespmem:v0+s22+$0xFFFFFFE0 ss:$0x1], $0xffff  }
0x2b: {  	v3 =	vld.idx.msk [tilespmem:v0+s22+$0xFFFFFFF0 ss:$0x1], $0xffff  }
0x2c: {  	v1 =	vld.idx.msk [tilespmem:v0+s22+$0x0 ss:$0x1], $0xffff  }
0x2d: {  	v2 =	vld.idx.msk [tilespmem:v0+s22+$0x10 ss:$0x1], $0xffff;
	[tilespmem:s18+$0x30] =	vst v6  }
0x2e: {  	s21 =	simm.s32 $0x80;
	s23 =	simm.s32 $0x400;
	[tilespmem:s18+$0xFFFFFFC0] =	vst v7;
	v6 =	vld.idx.msk [tilespmem:v0+s22+$0x20 ss:$0x1], $0xffff;
	s22 =	smov.u32 s18  }
.LBB1_4:
0x2f: {  	p0 =	sne.s32 s23, $0xE00;
	v7 =	vld.idx.msk [tilespmem:v0+s21+$0x30 ss:$0x1], $0xffff;
	[tilespmem:s22+$0xFFFFFFD0] =	vst v5  }
0x30: {  	v8 =	vld.idx.msk [tilespmem:v0+s21+$0xFFFFFFC0 ss:$0x1], $0xffff;
	[tilespmem:s22+$0xFFFFFFE0] =	vst v4  }
0x31: {  	v5 =	vld.idx.msk [tilespmem:v0+s21+$0xFFFFFFD0 ss:$0x1], $0xffff;
	[tilespmem:s22+$0xFFFFFFF0] =	vst v3  }
.Ltmp3:
0x32: {  	v4 =	vld.idx.msk [tilespmem:v0+s21+$0xFFFFFFE0 ss:$0x1], $0xffff;
	[tilespmem:s22+$0x0] =	vst v1;
	(pc) =	sbr.rel @p0 .LBB1_4-.Ltmp3, $4  }
0x33: {  	v3 =	vld.idx.msk [tilespmem:v0+s21+$0xFFFFFFF0 ss:$0x1], $0xffff;
	[tilespmem:s22+$0x10] =	vst v2  }
0x34: {  	v1 =	vld.idx.msk [tilespmem:v0+s21+$0x0 ss:$0x1], $0xffff;
	[tilespmem:s22+$0x20] =	vst v6;
	s22 =	sadd.s32 $0x800, s22  }
0x35: {  	v2 =	vld.idx.msk [tilespmem:v0+s21+$0x10 ss:$0x1], $0xffff;
	[tilespmem:s22+$0x30] =	vst v7  }
0x36: {  	[tilespmem:s22+$0xFFFFFFC0] =	vst v8;
	v6 =	vld.idx.msk [tilespmem:v0+s21+$0x20 ss:$0x1], $0xffff;
	s21 =	sshra.s32 s23, $0x2;
	s23 =	sadd.s32 $0x200, s23  }
0x37: {  	_ =	sdelay $0x2  }
0x38: {  	[tilespmem:s22+$0xFFFFFFD0] =	vst v5  }
0x39: {  	v56 =	vld.idx.msk [tilespmem:v0+s21+$0x30 ss:$0x1], $0xffff;
	[tilespmem:s22+$0xFFFFFFE0] =	vst v4  }
0x3a: {  	v57 =	vld.idx.msk [tilespmem:v0+s21+$0xFFFFFFC0 ss:$0x1], $0xffff;
	[tilespmem:s22+$0xFFFFFFF0] =	vst v3  }
0x3b: {  	v58 =	vld.idx.msk [tilespmem:v0+s21+$0xFFFFFFD0 ss:$0x1], $0xffff;
	[tilespmem:s22+$0x0] =	vst v1  }
0x3c: {  	v59 =	vld.idx.msk [tilespmem:v0+s21+$0xFFFFFFE0 ss:$0x1], $0xffff;
	[tilespmem:s22+$0x10] =	vst v2  }
0x3d: {  	v60 =	vld.idx.msk [tilespmem:v0+s21+$0xFFFFFFF0 ss:$0x1], $0xffff;
	s31 =	sadd.s32 $0x800, s22;
	[tilespmem:s22+$0x20] =	vst v6  }
0x3e: {  	v61 =	vld.idx.msk [tilespmem:v0+s21+$0x0 ss:$0x1], $0xffff;
	[tilespmem:s31+$0x30] =	vst v56  }
0x3f: {  	v62 =	vld.idx.msk [tilespmem:v0+s21+$0x10 ss:$0x1], $0xffff;
	s20 =	sadd.s32 $0x1, s20;
	[tilespmem:s31+$0xFFFFFFC0] =	vst v57  }
0x40: {  	v63 =	vld.idx.msk [tilespmem:v0+s21+$0x20 ss:$0x1], $0xffff;
	p0 =	sne.s32 s20, $0x10;
	[tilespmem:s31+$0xFFFFFFD0] =	vst v58  }
.Ltmp4:
0x41: {  	[tilespmem:s31+$0xFFFFFFE0] =	vst v59;
	(pc) =	sbr.rel @p0 .LBB1_3-.Ltmp4, $4  }
0x42: {  	[tilespmem:s31+$0xFFFFFFF0] =	vst v60  }
0x43: {  	[tilespmem:s31+$0x0] =	vst v61  }
0x44: {  	[tilespmem:s31+$0x10] =	vst v62  }
0x45: {  	s18 =	sadd.s32 $0x80, s18;
	s19 =	sadd.s32 $0x400, s19;
	[tilespmem:s31+$0x20] =	vst v63  }
0x46: {  	s15 =	sand.u32 $0x1FFFFFF, s15  }
0x47: {  	s18 =	smulhi.u32 $0x1084211, s15;
	_ =	sdelay $0x1  }
0x48: {  	s16 =	smul.u32 $0xF8000, s16;
	s18 =	sshrl.u32 s18, $0x5  }
0x49: {  	s18 =	smul.u32 $0x1F00, s18  }
.Ltmp5:
0x4a: {  	_ = 	snop;
	(pc) =	sbr.rel .LBB1_7-.Ltmp5, $4  }
0x4b: {  	s15 =	ssub.s32 s15, s18  }
0x4c: {  	s16 =	sadd.s32 s7, s16;
	s15 =	sshll.u32 s15, $0x4  }
0x4d: {  	s15 =	sadd.s32 s15, s16  }
0x4e: {  	[hbm4b:s15+s9] =	stream.strided.scatter [tilespmem:s17], [sflag:$0x2], $0x4000, s10, s9, $0x38;
	[tilespmem:$0x10000] =	vst v63  }
.LBB1_8:
0x4f: {  	_ =	sfence.sel $0x180000  }
0x50: {  	s1 =	simm.s32 $0x1;
	[bflag:$0x0] =	sbarrier.arrive $0xFFFF  }
0x51: {  	s31 =	simm.s32 $0x2;
	[sflag:s1] =	ssyncpa.u1 $0x1  }
0x52: {  	[sflag:s31] =	ssyncpa.u1 $0x1  }
0x53: {  	p0 =	sne.s32 s0, $0x0;
	_ =	strace $0x90000047  }
0x54: {  	s0 =	sadd.s32 @!p0 $0x100000, s3;
	[bflag:$0x2] =	sbarrier.arrive $0xFFFF  }
0x55: {  	[sflag:s0] =	ssyncadd.tile.s32 @!p0 $0x1;
	_ =	shalt  }
.Lfunc_end1:
_tile_overlayer_lowered:
.L_overlay_start_2:
0x56: {  	(tag) =	ssettag $0x2  }
0x57: {  	s0 =	rddreg [dreg:$0x0];
	s2 =	stileid.u32  }
0x58: {  	s1 =	rddreg [dreg:$0x1];
	p0 =	sne.s32 s2, $0x0  }
0x59: {  	s3 =	rddreg [dreg:$0x2];
	[bflag:$0x3] =	sbarrier.arrive $0xFFFF;
	s2 =	simm.s32 @!p0 $0x1C01  }
0x5a: {  	[timem:s3], [sflag:s2] =	dma.local @!p0 [hbm:s0], s1  }
0x5b: {  	s0 =	simm.s32 @!p0 $0x1  }
0x5c: {  	_ =	swait.ge @!p0 [sflag:s0], s1  }
0x5d: {  	s1 =	ssub.s32 @!p0 $0x0, s1;
	[sflag:s0] =	ssyncset.done @!p0 $0x0  }
0x5e: {  	[sflag:s0] =	ssyncadd.s32 @!p0 s1  }
0x5f: {  	[bflag:$0x3] =	sbarrier.arrive $0xFFFF  }
0x60: {  	_ =	shalt  }

</sc_bundles>
